<compile_context>
chip_gen: v7x
topology: tpu7x:2x2x1
jax: 0.10.2.dev20260603
libtpu: 0.0.44.dev20260713+nightly
codegen_flags: <defaults>
</compile_context>

<pallas_src>
import functools

import jax
import jax.numpy as jnp
from jax import lax
from jax.experimental import pallas as pl
from jax.experimental.pallas import tpu as pltpu
from jax.experimental.pallas import tpu_sc as plsc

LANES = 16


def kernel(position_ids, cos_cache, sin_cache):
    bsz, seq = position_ids.shape
    total = bsz * seq
    n_pos, head_half = cos_cache.shape
    info = plsc.get_sparse_core_info()
    ns = info.num_subcores
    h_per_w = head_half // ns

    cos_t = cos_cache.T
    sin_t = sin_cache.T

    mesh = plsc.VectorSubcoreMesh(core_axis_name="c", subcore_axis_name="s")

    @functools.partial(
        pl.kernel,
        mesh=mesh,
        out_type=(
            jax.ShapeDtypeStruct((bsz, head_half, seq), jnp.float32),
            jax.ShapeDtypeStruct((bsz, head_half, seq), jnp.float32),
        ),
        scratch_types=[
            pltpu.VMEM_SHARED((bsz, seq), jnp.int32),
            pltpu.VMEM((bsz, seq), jnp.int32),
            pltpu.VMEM((n_pos,), jnp.float32),
            pltpu.VMEM((n_pos,), jnp.float32),
            pltpu.VMEM((seq,), jnp.float32),
            pltpu.VMEM((seq,), jnp.float32),
            pltpu.SemaphoreType.DMA,
            pltpu.SemaphoreType.DMA,
            pltpu.SemaphoreType.DMA,
            pltpu.SemaphoreType.DMA,
        ],
        compiler_params=pltpu.CompilerParams(needs_layout_passes=False),
    )
    def rope_gather(idx_hbm, cos_hbm, sin_hbm, cos_out, sin_out,
                    idx_sh, idx_v, row0, row1, ob0, ob1,
                    isem, rsem0, rsem1, osem):
        core = lax.axis_index("c")
        tile = lax.axis_index("s")
        h0 = tile * h_per_w
        rows = (row0, row1)
        rsems = (rsem0, rsem1)
        obufs = (ob0, ob1)

        def process(tab, outp):
            row_cps = [None] * h_per_w
            out_cps = [None] * (h_per_w * bsz)

            def start_row(j):
                cp = pltpu.make_async_copy(
                    tab.at[h0 + j], rows[j % 2], rsems[j % 2])
                cp.start()
                row_cps[j] = cp

            start_row(0)
            @pl.when(tile == 0)
            def _():
                pltpu.sync_copy(idx_hbm, idx_sh)

            plsc.subcore_barrier()
            idx_cp = pltpu.make_async_copy(idx_sh, idx_v, isem)
            idx_cp.start()
            idx_cp.wait()
            for j in range(h_per_w):
                if j + 1 < h_per_w:
                    start_row(j + 1)
                row_cps[j].wait()
                row = rows[j % 2]
                for b in range(bsz):
                    t = j * bsz + b
                    slot = t % 2
                    if t >= 2:
                        out_cps[t - 2].wait()
                    obs = obufs[slot]

                    def body(s):
                        off = s * LANES
                        iv = idx_v[b, pl.ds(off, LANES)]
                        obs[pl.ds(off, LANES)] = plsc.load_gather(row, [iv])

                    plsc.parallel_loop(0, seq // LANES, 1, unroll=8)(body)
                    cp = pltpu.make_async_copy(
                        obs, outp.at[b, h0 + j], osem)
                    cp.start()
                    out_cps[t] = cp
            out_cps[-2].wait()
            out_cps[-1].wait()

        @pl.when(core == 0)
        def _():
            process(cos_hbm, cos_out)

        @pl.when(core == 1)
        def _():
            process(sin_hbm, sin_out)

    cos_r, sin_r = rope_gather(position_ids, cos_t, sin_t)
    return (
        jnp.transpose(cos_r, (0, 2, 1)),
        jnp.transpose(sin_r, (0, 2, 1)),
    )

# --- scband reference (transcript-rebuilt; emitter-appended) ---
"""Pipeline reference for scband-default-rope-57655640981532 (READ-ONLY COPY).

The authoritative reference and input builder live on the scoring server;
editing this copy changes nothing except your own understanding.
"""

import jax, jax.numpy as jnp
import numpy as np

HEAD_DIM = 128
MAX_POS = 32768
ROPE_THETA = 10000.0
BATCH = 4
SEQ_LEN = 8192


def _build_cos_sin_cache():
    inv_freq = 1.0 / (ROPE_THETA ** (np.arange(0, HEAD_DIM, 2, dtype=np.float32) / HEAD_DIM))
    pos = np.arange(0, MAX_POS, dtype=np.float32)
    angles = np.outer(pos, inv_freq)  # [MAX_POS, HEAD_DIM//2]
    cos_cache = jnp.asarray(np.cos(angles), dtype=jnp.float32)
    sin_cache = jnp.asarray(np.sin(angles), dtype=jnp.float32)
    return cos_cache, sin_cache


def setup_inputs(seed: int = 0) -> dict:
    key = jax.random.key(seed)
    position_ids = jax.random.randint(key, (BATCH, SEQ_LEN), 0, MAX_POS, dtype=jnp.int32)
    cos_cache, sin_cache = _build_cos_sin_cache()
    return {"position_ids": position_ids, "cos_cache": cos_cache, "sin_cache": sin_cache}


def reference(position_ids, cos_cache, sin_cache):
    # get_rotary_pos_emb: gather cos/sin rows for each position id
    cos = jnp.take(cos_cache, position_ids, axis=0)  # [B, S, HEAD_DIM//2]
    sin = jnp.take(sin_cache, position_ids, axis=0)  # [B, S, HEAD_DIM//2]
    return (cos, sin)

if __name__ == "__main__":
    import jax
    _d = setup_inputs()
    print(jax.jit(kernel)(*tuple(_d.values())))

</pallas_src>

<mosaic_0001>
#map = affine_map<(d0, d1) -> (0, 0)>
#map1 = affine_map<(d0, d1) -> (0, 0, 0)>
module attributes {stable_mosaic.version = 14 : i64} {
  func.func @rope_gather(%arg0: i32, %arg1: i32, %arg2: memref<4x8192xi32, #tpu.memory_space<hbm>>, %arg3: memref<64x32768xf32, #tpu.memory_space<hbm>>, %arg4: memref<64x32768xf32, #tpu.memory_space<hbm>>, %arg5: memref<4x64x8192xf32, #tpu.memory_space<hbm>>, %arg6: memref<4x64x8192xf32, #tpu.memory_space<hbm>>, %arg7: memref<4x8192xi32, #tpu.memory_space<vmem_shared>>, %arg8: memref<4x8192xi32, #tpu.memory_space<vmem>>, %arg9: memref<32768xf32, #tpu.memory_space<vmem>>, %arg10: memref<32768xf32, #tpu.memory_space<vmem>>, %arg11: memref<8192xf32, #tpu.memory_space<vmem>>, %arg12: memref<8192xf32, #tpu.memory_space<vmem>>, %arg13: memref<!tpu.dma_semaphore, #tpu.memory_space<semaphore_mem>>, %arg14: memref<!tpu.dma_semaphore, #tpu.memory_space<semaphore_mem>>, %arg15: memref<!tpu.dma_semaphore, #tpu.memory_space<semaphore_mem>>, %arg16: memref<!tpu.dma_semaphore, #tpu.memory_space<semaphore_mem>>) attributes {dimension_semantics = [#tpu.dimension_semantics<core_parallel>, #tpu.dimension_semantics<subcore_parallel>], iteration_bounds = array<i64: 2, 16>, scalar_prefetch = 0 : i64, scratch_operands = 10 : i64, tpu.core_type = #tpu.core_type<sc_vector_subcore>, window_params = [{transform_indices = #map}, {transform_indices = #map}, {transform_indices = #map}, {transform_indices = #map1}, {transform_indices = #map1}]} {
    %mul3A = arith.constant 4 : i32
    %mul3A_0 = arith.muli %arg1, %mul3A : i32
    %eq3A = arith.constant 0 : i32
    %eq3A_1 = arith.cmpi eq, %arg0, %eq3A : i32
    %convert_element_type3A = arith.extui %eq3A_1 : i1 to i32
    %cond3A = arith.constant 0 : i32
    %cond3A_2 = arith.cmpi ne, %convert_element_type3A, %cond3A : i32
    scf.if %cond3A_2 {
      %add3A = arith.constant 0 : i32
      %add3A_8 = arith.addi %mul3A_0, %add3A : i32
      %dma_start3A = arith.constant 0 : i32
      %dma_start3A_9 = tpu.memref_slice %arg3[%add3A_8, %dma_start3A] : memref<64x32768xf32, #tpu.memory_space<hbm>> -> memref<1x32768xf32, #tpu.memory_space<hbm>>
      %dma_start3A_10 = tpu.memref_squeeze %dma_start3A_9 : memref<1x32768xf32, #tpu.memory_space<hbm>> -> memref<32768xf32, #tpu.memory_space<hbm>>
      %dma_start3A_11 = arith.constant 0 : i32
      %dma_start3A_12 = tpu.memref_slice %arg3[%add3A_8, %dma_start3A_11] : memref<64x32768xf32, #tpu.memory_space<hbm>> -> memref<1x32768xf32, #tpu.memory_space<hbm>>
      %dma_start3A_13 = tpu.memref_squeeze %dma_start3A_12 : memref<1x32768xf32, #tpu.memory_space<hbm>> -> memref<32768xf32, #tpu.memory_space<hbm>>
      tpu.enqueue_dma source(%dma_start3A_13 : memref<32768xf32, #tpu.memory_space<hbm>>) target(%arg9 : memref<32768xf32, #tpu.memory_space<vmem>>) target_semaphore(%arg14 : memref<!tpu.dma_semaphore, #tpu.memory_space<semaphore_mem>>)
      %eq3A_14 = arith.constant 0 : i32
      %eq3A_15 = arith.cmpi eq, %arg1, %eq3A_14 : i32
      %convert_element_type3A_16 = arith.extui %eq3A_15 : i1 to i32
      %cond3A_17 = arith.constant 0 : i32
      %cond3A_18 = arith.cmpi ne, %convert_element_type3A_16, %cond3A_17 : i32
      scf.if %cond3A_18 {
        "tpu.region"() ({
          %run_scoped3A = tpu.sem_alloc : memref<!tpu.dma_semaphore, #tpu.memory_space<semaphore_mem>>
          tpu.enqueue_dma source(%arg2 : memref<4x8192xi32, #tpu.memory_space<hbm>>) target(%arg7 : memref<4x8192xi32, #tpu.memory_space<vmem_shared>>) target_semaphore(%run_scoped3A : memref<!tpu.dma_semaphore, #tpu.memory_space<semaphore_mem>>)
          tpu.wait_dma2 semaphore(%run_scoped3A : memref<!tpu.dma_semaphore, #tpu.memory_space<semaphore_mem>>) src(%arg2 : memref<4x8192xi32, #tpu.memory_space<hbm>>) dst(%arg7 : memref<4x8192xi32, #tpu.memory_space<vmem_shared>>)
          tpu.yield
        }) : () -> ()
      } else {
      }
      %barrier3A = arith.constant 0 : index
      tpu.barrier barrier_id(%barrier3A)
      tpu.enqueue_dma source(%arg7 : memref<4x8192xi32, #tpu.memory_space<vmem_shared>>) target(%arg8 : memref<4x8192xi32, #tpu.memory_space<vmem>>) target_semaphore(%arg13 : memref<!tpu.dma_semaphore, #tpu.memory_space<semaphore_mem>>)
      tpu.wait_dma2 semaphore(%arg13 : memref<!tpu.dma_semaphore, #tpu.memory_space<semaphore_mem>>) src(%arg7 : memref<4x8192xi32, #tpu.memory_space<vmem_shared>>) dst(%arg8 : memref<4x8192xi32, #tpu.memory_space<vmem>>)
      %add3A_19 = arith.constant 1 : i32
      %add3A_20 = arith.addi %mul3A_0, %add3A_19 : i32
      %dma_start3A_21 = arith.constant 0 : i32
      %dma_start3A_22 = tpu.memref_slice %arg3[%add3A_20, %dma_start3A_21] : memref<64x32768xf32, #tpu.memory_space<hbm>> -> memref<1x32768xf32, #tpu.memory_space<hbm>>
      %dma_start3A_23 = tpu.memref_squeeze %dma_start3A_22 : memref<1x32768xf32, #tpu.memory_space<hbm>> -> memref<32768xf32, #tpu.memory_space<hbm>>
      %dma_start3A_24 = arith.constant 0 : i32
      %dma_start3A_25 = tpu.memref_slice %arg3[%add3A_20, %dma_start3A_24] : memref<64x32768xf32, #tpu.memory_space<hbm>> -> memref<1x32768xf32, #tpu.memory_space<hbm>>
      %dma_start3A_26 = tpu.memref_squeeze %dma_start3A_25 : memref<1x32768xf32, #tpu.memory_space<hbm>> -> memref<32768xf32, #tpu.memory_space<hbm>>
      tpu.enqueue_dma source(%dma_start3A_26 : memref<32768xf32, #tpu.memory_space<hbm>>) target(%arg10 : memref<32768xf32, #tpu.memory_space<vmem>>) target_semaphore(%arg15 : memref<!tpu.dma_semaphore, #tpu.memory_space<semaphore_mem>>)
      %dma_wait3A = arith.constant 0 : i32
      %dma_wait3A_27 = tpu.memref_slice %arg3[%add3A_8, %dma_wait3A] : memref<64x32768xf32, #tpu.memory_space<hbm>> -> memref<1x32768xf32, #tpu.memory_space<hbm>>
      %dma_wait3A_28 = tpu.memref_squeeze %dma_wait3A_27 : memref<1x32768xf32, #tpu.memory_space<hbm>> -> memref<32768xf32, #tpu.memory_space<hbm>>
      %dma_wait3A_29 = arith.constant 0 : i32
      %dma_wait3A_30 = tpu.memref_slice %arg3[%add3A_8, %dma_wait3A_29] : memref<64x32768xf32, #tpu.memory_space<hbm>> -> memref<1x32768xf32, #tpu.memory_space<hbm>>
      %dma_wait3A_31 = tpu.memref_squeeze %dma_wait3A_30 : memref<1x32768xf32, #tpu.memory_space<hbm>> -> memref<32768xf32, #tpu.memory_space<hbm>>
      tpu.wait_dma2 semaphore(%arg14 : memref<!tpu.dma_semaphore, #tpu.memory_space<semaphore_mem>>) src(%dma_wait3A_31 : memref<32768xf32, #tpu.memory_space<hbm>>) dst(%arg9 : memref<32768xf32, #tpu.memory_space<vmem>>)
      %parallel_loop3A = arith.constant 0 : i32
      %parallel_loop3A_32 = arith.constant 512 : i32
      %parallel_loop3A_33 = arith.constant 1 : i32
      scf.for %parallel_loop3A_369 = %parallel_loop3A to %parallel_loop3A_32 step %parallel_loop3A_33  : i32 {
        %parallel_loop3A_370 = arith.constant 16 : i32
        %parallel_loop3A_371 = arith.muli %parallel_loop3A_369, %parallel_loop3A_370 : i32
        %parallel_loop3A_372 = arith.constant 0 : i32
        %parallel_loop3A_373 = arith.index_cast %parallel_loop3A_372 : i32 to index
        %parallel_loop3A_374 = arith.index_cast %parallel_loop3A_371 : i32 to index
        %parallel_loop3A_375 = tpu.vector_load %arg8[%parallel_loop3A_373, %parallel_loop3A_374] {strides = array<i32>} : memref<4x8192xi32, #tpu.memory_space<vmem>>, vector<16xi32>,
        %parallel_loop3A_376 = tpu.vector_load_idx %arg9[%parallel_loop3A_375] : memref<32768xf32, #tpu.memory_space<vmem>>[vector<16xi32>], vector<16xf32>,
        %parallel_loop3A_377 = arith.index_cast %parallel_loop3A_371 : i32 to index
        %parallel_loop3A_378 = tpu.vector_load %arg11[%parallel_loop3A_377] {strides = array<i32>} : memref<8192xf32, #tpu.memory_space<vmem>>, vector<16xf32>,
        tpu.vector_store %arg11[%parallel_loop3A_377], %parallel_loop3A_376 {strides = array<i32>} : memref<8192xf32, #tpu.memory_space<vmem>>, vector<16xf32>,
      } {sc.loop_unroll_factor = 8 : i64, sc.parallel_access}
      %add3A_34 = arith.constant 0 : i32
      %add3A_35 = arith.addi %mul3A_0, %add3A_34 : i32
      %dma_start3A_36 = arith.constant 0 : i32
      %dma_start3A_37 = arith.constant 0 : i32
      %dma_start3A_38 = tpu.memref_slice %arg5[%dma_start3A_36, %add3A_35, %dma_start3A_37] : memref<4x64x8192xf32, #tpu.memory_space<hbm>> -> memref<1x1x8192xf32, #tpu.memory_space<hbm>>
      %dma_start3A_39 = tpu.memref_squeeze %dma_start3A_38 : memref<1x1x8192xf32, #tpu.memory_space<hbm>> -> memref<8192xf32, #tpu.memory_space<hbm>>
      %dma_start3A_40 = arith.constant 0 : i32
      %dma_start3A_41 = tpu.memref_slice %arg5[%dma_start3A_36, %add3A_35, %dma_start3A_40] : memref<4x64x8192xf32, #tpu.memory_space<hbm>> -> memref<1x1x8192xf32, #tpu.memory_space<hbm>>
      %dma_start3A_42 = tpu.memref_squeeze %dma_start3A_41 : memref<1x1x8192xf32, #tpu.memory_space<hbm>> -> memref<8192xf32, #tpu.memory_space<hbm>>
      tpu.enqueue_dma source(%arg11 : memref<8192xf32, #tpu.memory_space<vmem>>) target(%dma_start3A_42 : memref<8192xf32, #tpu.memory_space<hbm>>) target_semaphore(%arg16 : memref<!tpu.dma_semaphore, #tpu.memory_space<semaphore_mem>>)
      %parallel_loop3A_43 = arith.constant 0 : i32
      %parallel_loop3A_44 = arith.constant 512 : i32
      %parallel_loop3A_45 = arith.constant 1 : i32
      scf.for %parallel_loop3A_369 = %parallel_loop3A_43 to %parallel_loop3A_44 step %parallel_loop3A_45  : i32 {
        %parallel_loop3A_370 = arith.constant 16 : i32
        %parallel_loop3A_371 = arith.muli %parallel_loop3A_369, %parallel_loop3A_370 : i32
        %parallel_loop3A_372 = arith.constant 1 : i32
        %parallel_loop3A_373 = arith.index_cast %parallel_loop3A_372 : i32 to index
        %parallel_loop3A_374 = arith.index_cast %parallel_loop3A_371 : i32 to index
        %parallel_loop3A_375 = tpu.vector_load %arg8[%parallel_loop3A_373, %parallel_loop3A_374] {strides = array<i32>} : memref<4x8192xi32, #tpu.memory_space<vmem>>, vector<16xi32>,
        %parallel_loop3A_376 = tpu.vector_load_idx %arg9[%parallel_loop3A_375] : memref<32768xf32, #tpu.memory_space<vmem>>[vector<16xi32>], vector<16xf32>,
        %parallel_loop3A_377 = arith.index_cast %parallel_loop3A_371 : i32 to index
        %parallel_loop3A_378 = tpu.vector_load %arg12[%parallel_loop3A_377] {strides = array<i32>} : memref<8192xf32, #tpu.memory_space<vmem>>, vector<16xf32>,
        tpu.vector_store %arg12[%parallel_loop3A_377], %parallel_loop3A_376 {strides = array<i32>} : memref<8192xf32, #tpu.memory_space<vmem>>, vector<16xf32>,
      } {sc.loop_unroll_factor = 8 : i64, sc.parallel_access}
      %add3A_46 = arith.constant 0 : i32
      %add3A_47 = arith.addi %mul3A_0, %add3A_46 : i32
      %dma_start3A_48 = arith.constant 1 : i32
      %dma_start3A_49 = arith.constant 0 : i32
      %dma_start3A_50 = tpu.memref_slice %arg5[%dma_start3A_48, %add3A_47, %dma_start3A_49] : memref<4x64x8192xf32, #tpu.memory_space<hbm>> -> memref<1x1x8192xf32, #tpu.memory_space<hbm>>
      %dma_start3A_51 = tpu.memref_squeeze %dma_start3A_50 : memref<1x1x8192xf32, #tpu.memory_space<hbm>> -> memref<8192xf32, #tpu.memory_space<hbm>>
      %dma_start3A_52 = arith.constant 0 : i32
      %dma_start3A_53 = tpu.memref_slice %arg5[%dma_start3A_48, %add3A_47, %dma_start3A_52] : memref<4x64x8192xf32, #tpu.memory_space<hbm>> -> memref<1x1x8192xf32, #tpu.memory_space<hbm>>
      %dma_start3A_54 = tpu.memref_squeeze %dma_start3A_53 : memref<1x1x8192xf32, #tpu.memory_space<hbm>> -> memref<8192xf32, #tpu.memory_space<hbm>>
      tpu.enqueue_dma source(%arg12 : memref<8192xf32, #tpu.memory_space<vmem>>) target(%dma_start3A_54 : memref<8192xf32, #tpu.memory_space<hbm>>) target_semaphore(%arg16 : memref<!tpu.dma_semaphore, #tpu.memory_space<semaphore_mem>>)
      %dma_wait3A_55 = arith.constant 0 : i32
      %dma_wait3A_56 = arith.constant 0 : i32
      %dma_wait3A_57 = tpu.memref_slice %arg5[%dma_wait3A_55, %add3A_35, %dma_wait3A_56] : memref<4x64x8192xf32, #tpu.memory_space<hbm>> -> memref<1x1x8192xf32, #tpu.memory_space<hbm>>
      %dma_wait3A_58 = tpu.memref_squeeze %dma_wait3A_57 : memref<1x1x8192xf32, #tpu.memory_space<hbm>> -> memref<8192xf32, #tpu.memory_space<hbm>>
      %dma_wait3A_59 = arith.constant 0 : i32
      %dma_wait3A_60 = tpu.memref_slice %arg5[%dma_wait3A_55, %add3A_35, %dma_wait3A_59] : memref<4x64x8192xf32, #tpu.memory_space<hbm>> -> memref<1x1x8192xf32, #tpu.memory_space<hbm>>
      %dma_wait3A_61 = tpu.memref_squeeze %dma_wait3A_60 : memref<1x1x8192xf32, #tpu.memory_space<hbm>> -> memref<8192xf32, #tpu.memory_space<hbm>>
      tpu.wait_dma2 semaphore(%arg16 : memref<!tpu.dma_semaphore, #tpu.memory_space<semaphore_mem>>) src(%arg11 : memref<8192xf32, #tpu.memory_space<vmem>>) dst(%dma_wait3A_61 : memref<8192xf32, #tpu.memory_space<hbm>>)
      %parallel_loop3A_62 = arith.constant 0 : i32
      %parallel_loop3A_63 = arith.constant 512 : i32
      %parallel_loop3A_64 = arith.constant 1 : i32
      scf.for %parallel_loop3A_369 = %parallel_loop3A_62 to %parallel_loop3A_63 step %parallel_loop3A_64  : i32 {
        %parallel_loop3A_370 = arith.constant 16 : i32
        %parallel_loop3A_371 = arith.muli %parallel_loop3A_369, %parallel_loop3A_370 : i32
        %parallel_loop3A_372 = arith.constant 2 : i32
        %parallel_loop3A_373 = arith.index_cast %parallel_loop3A_372 : i32 to index
        %parallel_loop3A_374 = arith.index_cast %parallel_loop3A_371 : i32 to index
        %parallel_loop3A_375 = tpu.vector_load %arg8[%parallel_loop3A_373, %parallel_loop3A_374] {strides = array<i32>} : memref<4x8192xi32, #tpu.memory_space<vmem>>, vector<16xi32>,
        %parallel_loop3A_376 = tpu.vector_load_idx %arg9[%parallel_loop3A_375] : memref<32768xf32, #tpu.memory_space<vmem>>[vector<16xi32>], vector<16xf32>,
        %parallel_loop3A_377 = arith.index_cast %parallel_loop3A_371 : i32 to index
        %parallel_loop3A_378 = tpu.vector_load %arg11[%parallel_loop3A_377] {strides = array<i32>} : memref<8192xf32, #tpu.memory_space<vmem>>, vector<16xf32>,
        tpu.vector_store %arg11[%parallel_loop3A_377], %parallel_loop3A_376 {strides = array<i32>} : memref<8192xf32, #tpu.memory_space<vmem>>, vector<16xf32>,
      } {sc.loop_unroll_factor = 8 : i64, sc.parallel_access}
      %add3A_65 = arith.constant 0 : i32
      %add3A_66 = arith.addi %mul3A_0, %add3A_65 : i32
      %dma_start3A_67 = arith.constant 2 : i32
      %dma_start3A_68 = arith.constant 0 : i32
      %dma_start3A_69 = tpu.memref_slice %arg5[%dma_start3A_67, %add3A_66, %dma_start3A_68] : memref<4x64x8192xf32, #tpu.memory_space<hbm>> -> memref<1x1x8192xf32, #tpu.memory_space<hbm>>
      %dma_start3A_70 = tpu.memref_squeeze %dma_start3A_69 : memref<1x1x8192xf32, #tpu.memory_space<hbm>> -> memref<8192xf32, #tpu.memory_space<hbm>>
      %dma_start3A_71 = arith.constant 0 : i32
      %dma_start3A_72 = tpu.memref_slice %arg5[%dma_start3A_67, %add3A_66, %dma_start3A_71] : memref<4x64x8192xf32, #tpu.memory_space<hbm>> -> memref<1x1x8192xf32, #tpu.memory_space<hbm>>
      %dma_start3A_73 = tpu.memref_squeeze %dma_start3A_72 : memref<1x1x8192xf32, #tpu.memory_space<hbm>> -> memref<8192xf32, #tpu.memory_space<hbm>>
      tpu.enqueue_dma source(%arg11 : memref<8192xf32, #tpu.memory_space<vmem>>) target(%dma_start3A_73 : memref<8192xf32, #tpu.memory_space<hbm>>) target_semaphore(%arg16 : memref<!tpu.dma_semaphore, #tpu.memory_space<semaphore_mem>>)
      %dma_wait3A_74 = arith.constant 1 : i32
      %dma_wait3A_75 = arith.constant 0 : i32
      %dma_wait3A_76 = tpu.memref_slice %arg5[%dma_wait3A_74, %add3A_47, %dma_wait3A_75] : memref<4x64x8192xf32, #tpu.memory_space<hbm>> -> memref<1x1x8192xf32, #tpu.memory_space<hbm>>
      %dma_wait3A_77 = tpu.memref_squeeze %dma_wait3A_76 : memref<1x1x8192xf32, #tpu.memory_space<hbm>> -> memref<8192xf32, #tpu.memory_space<hbm>>
      %dma_wait3A_78 = arith.constant 0 : i32
      %dma_wait3A_79 = tpu.memref_slice %arg5[%dma_wait3A_74, %add3A_47, %dma_wait3A_78] : memref<4x64x8192xf32, #tpu.memory_space<hbm>> -> memref<1x1x8192xf32, #tpu.memory_space<hbm>>
      %dma_wait3A_80 = tpu.memref_squeeze %dma_wait3A_79 : memref<1x1x8192xf32, #tpu.memory_space<hbm>> -> memref<8192xf32, #tpu.memory_space<hbm>>
      tpu.wait_dma2 semaphore(%arg16 : memref<!tpu.dma_semaphore, #tpu.memory_space<semaphore_mem>>) src(%arg12 : memref<8192xf32, #tpu.memory_space<vmem>>) dst(%dma_wait3A_80 : memref<8192xf32, #tpu.memory_space<hbm>>)
      %parallel_loop3A_81 = arith.constant 0 : i32
      %parallel_loop3A_82 = arith.constant 512 : i32
      %parallel_loop3A_83 = arith.constant 1 : i32
      scf.for %parallel_loop3A_369 = %parallel_loop3A_81 to %parallel_loop3A_82 step %parallel_loop3A_83  : i32 {
        %parallel_loop3A_370 = arith.constant 16 : i32
        %parallel_loop3A_371 = arith.muli %parallel_loop3A_369, %parallel_loop3A_370 : i32
        %parallel_loop3A_372 = arith.constant 3 : i32
        %parallel_loop3A_373 = arith.index_cast %parallel_loop3A_372 : i32 to index
        %parallel_loop3A_374 = arith.index_cast %parallel_loop3A_371 : i32 to index
        %parallel_loop3A_375 = tpu.vector_load %arg8[%parallel_loop3A_373, %parallel_loop3A_374] {strides = array<i32>} : memref<4x8192xi32, #tpu.memory_space<vmem>>, vector<16xi32>,
        %parallel_loop3A_376 = tpu.vector_load_idx %arg9[%parallel_loop3A_375] : memref<32768xf32, #tpu.memory_space<vmem>>[vector<16xi32>], vector<16xf32>,
        %parallel_loop3A_377 = arith.index_cast %parallel_loop3A_371 : i32 to index
        %parallel_loop3A_378 = tpu.vector_load %arg12[%parallel_loop3A_377] {strides = array<i32>} : memref<8192xf32, #tpu.memory_space<vmem>>, vector<16xf32>,
        tpu.vector_store %arg12[%parallel_loop3A_377], %parallel_loop3A_376 {strides = array<i32>} : memref<8192xf32, #tpu.memory_space<vmem>>, vector<16xf32>,
      } {sc.loop_unroll_factor = 8 : i64, sc.parallel_access}
      %add3A_84 = arith.constant 0 : i32
      %add3A_85 = arith.addi %mul3A_0, %add3A_84 : i32
      %dma_start3A_86 = arith.constant 3 : i32
      %dma_start3A_87 = arith.constant 0 : i32
      %dma_start3A_88 = tpu.memref_slice %arg5[%dma_start3A_86, %add3A_85, %dma_start3A_87] : memref<4x64x8192xf32, #tpu.memory_space<hbm>> -> memref<1x1x8192xf32, #tpu.memory_space<hbm>>
      %dma_start3A_89 = tpu.memref_squeeze %dma_start3A_88 : memref<1x1x8192xf32, #tpu.memory_space<hbm>> -> memref<8192xf32, #tpu.memory_space<hbm>>
      %dma_start3A_90 = arith.constant 0 : i32
      %dma_start3A_91 = tpu.memref_slice %arg5[%dma_start3A_86, %add3A_85, %dma_start3A_90] : memref<4x64x8192xf32, #tpu.memory_space<hbm>> -> memref<1x1x8192xf32, #tpu.memory_space<hbm>>
      %dma_start3A_92 = tpu.memref_squeeze %dma_start3A_91 : memref<1x1x8192xf32, #tpu.memory_space<hbm>> -> memref<8192xf32, #tpu.memory_space<hbm>>
      tpu.enqueue_dma source(%arg12 : memref<8192xf32, #tpu.memory_space<vmem>>) target(%dma_start3A_92 : memref<8192xf32, #tpu.memory_space<hbm>>) target_semaphore(%arg16 : memref<!tpu.dma_semaphore, #tpu.memory_space<semaphore_mem>>)
      %add3A_93 = arith.constant 2 : i32
      %add3A_94 = arith.addi %mul3A_0, %add3A_93 : i32
      %dma_start3A_95 = arith.constant 0 : i32
      %dma_start3A_96 = tpu.memref_slice %arg3[%add3A_94, %dma_start3A_95] : memref<64x32768xf32, #tpu.memory_space<hbm>> -> memref<1x32768xf32, #tpu.memory_space<hbm>>
      %dma_start3A_97 = tpu.memref_squeeze %dma_start3A_96 : memref<1x32768xf32, #tpu.memory_space<hbm>> -> memref<32768xf32, #tpu.memory_space<hbm>>
      %dma_start3A_98 = arith.constant 0 : i32
      %dma_start3A_99 = tpu.memref_slice %arg3[%add3A_94, %dma_start3A_98] : memref<64x32768xf32, #tpu.memory_space<hbm>> -> memref<1x32768xf32, #tpu.memory_space<hbm>>
      %dma_start3A_100 = tpu.memref_squeeze %dma_start3A_99 : memref<1x32768xf32, #tpu.memory_space<hbm>> -> memref<32768xf32, #tpu.memory_space<hbm>>
      tpu.enqueue_dma source(%dma_start3A_100 : memref<32768xf32, #tpu.memory_space<hbm>>) target(%arg9 : memref<32768xf32, #tpu.memory_space<vmem>>) target_semaphore(%arg14 : memref<!tpu.dma_semaphore, #tpu.memory_space<semaphore_mem>>)
      %dma_wait3A_101 = arith.constant 0 : i32
      %dma_wait3A_102 = tpu.memref_slice %arg3[%add3A_20, %dma_wait3A_101] : memref<64x32768xf32, #tpu.memory_space<hbm>> -> memref<1x32768xf32, #tpu.memory_space<hbm>>
      %dma_wait3A_103 = tpu.memref_squeeze %dma_wait3A_102 : memref<1x32768xf32, #tpu.memory_space<hbm>> -> memref<32768xf32, #tpu.memory_space<hbm>>
      %dma_wait3A_104 = arith.constant 0 : i32
      %dma_wait3A_105 = tpu.memref_slice %arg3[%add3A_20, %dma_wait3A_104] : memref<64x32768xf32, #tpu.memory_space<hbm>> -> memref<1x32768xf32, #tpu.memory_space<hbm>>
      %dma_wait3A_106 = tpu.memref_squeeze %dma_wait3A_105 : memref<1x32768xf32, #tpu.memory_space<hbm>> -> memref<32768xf32, #tpu.memory_space<hbm>>
      tpu.wait_dma2 semaphore(%arg15 : memref<!tpu.dma_semaphore, #tpu.memory_space<semaphore_mem>>) src(%dma_wait3A_106 : memref<32768xf32, #tpu.memory_space<hbm>>) dst(%arg10 : memref<32768xf32, #tpu.memory_space<vmem>>)
      %dma_wait3A_107 = arith.constant 2 : i32
      %dma_wait3A_108 = arith.constant 0 : i32
      %dma_wait3A_109 = tpu.memref_slice %arg5[%dma_wait3A_107, %add3A_66, %dma_wait3A_108] : memref<4x64x8192xf32, #tpu.memory_space<hbm>> -> memref<1x1x8192xf32, #tpu.memory_space<hbm>>
      %dma_wait3A_110 = tpu.memref_squeeze %dma_wait3A_109 : memref<1x1x8192xf32, #tpu.memory_space<hbm>> -> memref<8192xf32, #tpu.memory_space<hbm>>
      %dma_wait3A_111 = arith.constant 0 : i32
      %dma_wait3A_112 = tpu.memref_slice %arg5[%dma_wait3A_107, %add3A_66, %dma_wait3A_111] : memref<4x64x8192xf32, #tpu.memory_space<hbm>> -> memref<1x1x8192xf32, #tpu.memory_space<hbm>>
      %dma_wait3A_113 = tpu.memref_squeeze %dma_wait3A_112 : memref<1x1x8192xf32, #tpu.memory_space<hbm>> -> memref<8192xf32, #tpu.memory_space<hbm>>
      tpu.wait_dma2 semaphore(%arg16 : memref<!tpu.dma_semaphore, #tpu.memory_space<semaphore_mem>>) src(%arg11 : memref<8192xf32, #tpu.memory_space<vmem>>) dst(%dma_wait3A_113 : memref<8192xf32, #tpu.memory_space<hbm>>)
      %parallel_loop3A_114 = arith.constant 0 : i32
      %parallel_loop3A_115 = arith.constant 512 : i32
      %parallel_loop3A_116 = arith.constant 1 : i32
      scf.for %parallel_loop3A_369 = %parallel_loop3A_114 to %parallel_loop3A_115 step %parallel_loop3A_116  : i32 {
        %parallel_loop3A_370 = arith.constant 16 : i32
        %parallel_loop3A_371 = arith.muli %parallel_loop3A_369, %parallel_loop3A_370 : i32
        %parallel_loop3A_372 = arith.constant 0 : i32
        %parallel_loop3A_373 = arith.index_cast %parallel_loop3A_372 : i32 to index
        %parallel_loop3A_374 = arith.index_cast %parallel_loop3A_371 : i32 to index
        %parallel_loop3A_375 = tpu.vector_load %arg8[%parallel_loop3A_373, %parallel_loop3A_374] {strides = array<i32>} : memref<4x8192xi32, #tpu.memory_space<vmem>>, vector<16xi32>,
        %parallel_loop3A_376 = tpu.vector_load_idx %arg10[%parallel_loop3A_375] : memref<32768xf32, #tpu.memory_space<vmem>>[vector<16xi32>], vector<16xf32>,
        %parallel_loop3A_377 = arith.index_cast %parallel_loop3A_371 : i32 to index
        %parallel_loop3A_378 = tpu.vector_load %arg11[%parallel_loop3A_377] {strides = array<i32>} : memref<8192xf32, #tpu.memory_space<vmem>>, vector<16xf32>,
        tpu.vector_store %arg11[%parallel_loop3A_377], %parallel_loop3A_376 {strides = array<i32>} : memref<8192xf32, #tpu.memory_space<vmem>>, vector<16xf32>,
      } {sc.loop_unroll_factor = 8 : i64, sc.parallel_access}
      %add3A_117 = arith.constant 1 : i32
      %add3A_118 = arith.addi %mul3A_0, %add3A_117 : i32
      %dma_start3A_119 = arith.constant 0 : i32
      %dma_start3A_120 = arith.constant 0 : i32
      %dma_start3A_121 = tpu.memref_slice %arg5[%dma_start3A_119, %add3A_118, %dma_start3A_120] : memref<4x64x8192xf32, #tpu.memory_space<hbm>> -> memref<1x1x8192xf32, #tpu.memory_space<hbm>>
      %dma_start3A_122 = tpu.memref_squeeze %dma_start3A_121 : memref<1x1x8192xf32, #tpu.memory_space<hbm>> -> memref<8192xf32, #tpu.memory_space<hbm>>
      %dma_start3A_123 = arith.constant 0 : i32
      %dma_start3A_124 = tpu.memref_slice %arg5[%dma_start3A_119, %add3A_118, %dma_start3A_123] : memref<4x64x8192xf32, #tpu.memory_space<hbm>> -> memref<1x1x8192xf32, #tpu.memory_space<hbm>>
      %dma_start3A_125 = tpu.memref_squeeze %dma_start3A_124 : memref<1x1x8192xf32, #tpu.memory_space<hbm>> -> memref<8192xf32, #tpu.memory_space<hbm>>
      tpu.enqueue_dma source(%arg11 : memref<8192xf32, #tpu.memory_space<vmem>>) target(%dma_start3A_125 : memref<8192xf32, #tpu.memory_space<hbm>>) target_semaphore(%arg16 : memref<!tpu.dma_semaphore, #tpu.memory_space<semaphore_mem>>)
      %dma_wait3A_126 = arith.constant 3 : i32
      %dma_wait3A_127 = arith.constant 0 : i32
      %dma_wait3A_128 = tpu.memref_slice %arg5[%dma_wait3A_126, %add3A_85, %dma_wait3A_127] : memref<4x64x8192xf32, #tpu.memory_space<hbm>> -> memref<1x1x8192xf32, #tpu.memory_space<hbm>>
      %dma_wait3A_129 = tpu.memref_squeeze %dma_wait3A_128 : memref<1x1x8192xf32, #tpu.memory_space<hbm>> -> memref<8192xf32, #tpu.memory_space<hbm>>
      %dma_wait3A_130 = arith.constant 0 : i32
      %dma_wait3A_131 = tpu.memref_slice %arg5[%dma_wait3A_126, %add3A_85, %dma_wait3A_130] : memref<4x64x8192xf32, #tpu.memory_space<hbm>> -> memref<1x1x8192xf32, #tpu.memory_space<hbm>>
      %dma_wait3A_132 = tpu.memref_squeeze %dma_wait3A_131 : memref<1x1x8192xf32, #tpu.memory_space<hbm>> -> memref<8192xf32, #tpu.memory_space<hbm>>
      tpu.wait_dma2 semaphore(%arg16 : memref<!tpu.dma_semaphore, #tpu.memory_space<semaphore_mem>>) src(%arg12 : memref<8192xf32, #tpu.memory_space<vmem>>) dst(%dma_wait3A_132 : memref<8192xf32, #tpu.memory_space<hbm>>)
      %parallel_loop3A_133 = arith.constant 0 : i32
      %parallel_loop3A_134 = arith.constant 512 : i32
      %parallel_loop3A_135 = arith.constant 1 : i32
      scf.for %parallel_loop3A_369 = %parallel_loop3A_133 to %parallel_loop3A_134 step %parallel_loop3A_135  : i32 {
        %parallel_loop3A_370 = arith.constant 16 : i32
        %parallel_loop3A_371 = arith.muli %parallel_loop3A_369, %parallel_loop3A_370 : i32
        %parallel_loop3A_372 = arith.constant 1 : i32
        %parallel_loop3A_373 = arith.index_cast %parallel_loop3A_372 : i32 to index
        %parallel_loop3A_374 = arith.index_cast %parallel_loop3A_371 : i32 to index
        %parallel_loop3A_375 = tpu.vector_load %arg8[%parallel_loop3A_373, %parallel_loop3A_374] {strides = array<i32>} : memref<4x8192xi32, #tpu.memory_space<vmem>>, vector<16xi32>,
        %parallel_loop3A_376 = tpu.vector_load_idx %arg10[%parallel_loop3A_375] : memref<32768xf32, #tpu.memory_space<vmem>>[vector<16xi32>], vector<16xf32>,
        %parallel_loop3A_377 = arith.index_cast %parallel_loop3A_371 : i32 to index
        %parallel_loop3A_378 = tpu.vector_load %arg12[%parallel_loop3A_377] {strides = array<i32>} : memref<8192xf32, #tpu.memory_space<vmem>>, vector<16xf32>,
        tpu.vector_store %arg12[%parallel_loop3A_377], %parallel_loop3A_376 {strides = array<i32>} : memref<8192xf32, #tpu.memory_space<vmem>>, vector<16xf32>,
      } {sc.loop_unroll_factor = 8 : i64, sc.parallel_access}
      %add3A_136 = arith.constant 1 : i32
      %add3A_137 = arith.addi %mul3A_0, %add3A_136 : i32
      %dma_start3A_138 = arith.constant 1 : i32
      %dma_start3A_139 = arith.constant 0 : i32
      %dma_start3A_140 = tpu.memref_slice %arg5[%dma_start3A_138, %add3A_137, %dma_start3A_139] : memref<4x64x8192xf32, #tpu.memory_space<hbm>> -> memref<1x1x8192xf32, #tpu.memory_space<hbm>>
      %dma_start3A_141 = tpu.memref_squeeze %dma_start3A_140 : memref<1x1x8192xf32, #tpu.memory_space<hbm>> -> memref<8192xf32, #tpu.memory_space<hbm>>
      %dma_start3A_142 = arith.constant 0 : i32
      %dma_start3A_143 = tpu.memref_slice %arg5[%dma_start3A_138, %add3A_137, %dma_start3A_142] : memref<4x64x8192xf32, #tpu.memory_space<hbm>> -> memref<1x1x8192xf32, #tpu.memory_space<hbm>>
      %dma_start3A_144 = tpu.memref_squeeze %dma_start3A_143 : memref<1x1x8192xf32, #tpu.memory_space<hbm>> -> memref<8192xf32, #tpu.memory_space<hbm>>
      tpu.enqueue_dma source(%arg12 : memref<8192xf32, #tpu.memory_space<vmem>>) target(%dma_start3A_144 : memref<8192xf32, #tpu.memory_space<hbm>>) target_semaphore(%arg16 : memref<!tpu.dma_semaphore, #tpu.memory_space<semaphore_mem>>)
      %dma_wait3A_145 = arith.constant 0 : i32
      %dma_wait3A_146 = arith.constant 0 : i32
      %dma_wait3A_147 = tpu.memref_slice %arg5[%dma_wait3A_145, %add3A_118, %dma_wait3A_146] : memref<4x64x8192xf32, #tpu.memory_space<hbm>> -> memref<1x1x8192xf32, #tpu.memory_space<hbm>>
      %dma_wait3A_148 = tpu.memref_squeeze %dma_wait3A_147 : memref<1x1x8192xf32, #tpu.memory_space<hbm>> -> memref<8192xf32, #tpu.memory_space<hbm>>
      %dma_wait3A_149 = arith.constant 0 : i32
      %dma_wait3A_150 = tpu.memref_slice %arg5[%dma_wait3A_145, %add3A_118, %dma_wait3A_149] : memref<4x64x8192xf32, #tpu.memory_space<hbm>> -> memref<1x1x8192xf32, #tpu.memory_space<hbm>>
      %dma_wait3A_151 = tpu.memref_squeeze %dma_wait3A_150 : memref<1x1x8192xf32, #tpu.memory_space<hbm>> -> memref<8192xf32, #tpu.memory_space<hbm>>
      tpu.wait_dma2 semaphore(%arg16 : memref<!tpu.dma_semaphore, #tpu.memory_space<semaphore_mem>>) src(%arg11 : memref<8192xf32, #tpu.memory_space<vmem>>) dst(%dma_wait3A_151 : memref<8192xf32, #tpu.memory_space<hbm>>)
      %parallel_loop3A_152 = arith.constant 0 : i32
      %parallel_loop3A_153 = arith.constant 512 : i32
      %parallel_loop3A_154 = arith.constant 1 : i32
      scf.for %parallel_loop3A_369 = %parallel_loop3A_152 to %parallel_loop3A_153 step %parallel_loop3A_154  : i32 {
        %parallel_loop3A_370 = arith.constant 16 : i32
        %parallel_loop3A_371 = arith.muli %parallel_loop3A_369, %parallel_loop3A_370 : i32
        %parallel_loop3A_372 = arith.constant 2 : i32
        %parallel_loop3A_373 = arith.index_cast %parallel_loop3A_372 : i32 to index
        %parallel_loop3A_374 = arith.index_cast %parallel_loop3A_371 : i32 to index
        %parallel_loop3A_375 = tpu.vector_load %arg8[%parallel_loop3A_373, %parallel_loop3A_374] {strides = array<i32>} : memref<4x8192xi32, #tpu.memory_space<vmem>>, vector<16xi32>,
        %parallel_loop3A_376 = tpu.vector_load_idx %arg10[%parallel_loop3A_375] : memref<32768xf32, #tpu.memory_space<vmem>>[vector<16xi32>], vector<16xf32>,
        %parallel_loop3A_377 = arith.index_cast %parallel_loop3A_371 : i32 to index
        %parallel_loop3A_378 = tpu.vector_load %arg11[%parallel_loop3A_377] {strides = array<i32>} : memref<8192xf32, #tpu.memory_space<vmem>>, vector<16xf32>,
        tpu.vector_store %arg11[%parallel_loop3A_377], %parallel_loop3A_376 {strides = array<i32>} : memref<8192xf32, #tpu.memory_space<vmem>>, vector<16xf32>,
      } {sc.loop_unroll_factor = 8 : i64, sc.parallel_access}
      %add3A_155 = arith.constant 1 : i32
      %add3A_156 = arith.addi %mul3A_0, %add3A_155 : i32
      %dma_start3A_157 = arith.constant 2 : i32
      %dma_start3A_158 = arith.constant 0 : i32
      %dma_start3A_159 = tpu.memref_slice %arg5[%dma_start3A_157, %add3A_156, %dma_start3A_158] : memref<4x64x8192xf32, #tpu.memory_space<hbm>> -> memref<1x1x8192xf32, #tpu.memory_space<hbm>>
      %dma_start3A_160 = tpu.memref_squeeze %dma_start3A_159 : memref<1x1x8192xf32, #tpu.memory_space<hbm>> -> memref<8192xf32, #tpu.memory_space<hbm>>
      %dma_start3A_161 = arith.constant 0 : i32
      %dma_start3A_162 = tpu.memref_slice %arg5[%dma_start3A_157, %add3A_156, %dma_start3A_161] : memref<4x64x8192xf32, #tpu.memory_space<hbm>> -> memref<1x1x8192xf32, #tpu.memory_space<hbm>>
      %dma_start3A_163 = tpu.memref_squeeze %dma_start3A_162 : memref<1x1x8192xf32, #tpu.memory_space<hbm>> -> memref<8192xf32, #tpu.memory_space<hbm>>
      tpu.enqueue_dma source(%arg11 : memref<8192xf32, #tpu.memory_space<vmem>>) target(%dma_start3A_163 : memref<8192xf32, #tpu.memory_space<hbm>>) target_semaphore(%arg16 : memref<!tpu.dma_semaphore, #tpu.memory_space<semaphore_mem>>)
      %dma_wait3A_164 = arith.constant 1 : i32
      %dma_wait3A_165 = arith.constant 0 : i32
      %dma_wait3A_166 = tpu.memref_slice %arg5[%dma_wait3A_164, %add3A_137, %dma_wait3A_165] : memref<4x64x8192xf32, #tpu.memory_space<hbm>> -> memref<1x1x8192xf32, #tpu.memory_space<hbm>>
      %dma_wait3A_167 = tpu.memref_squeeze %dma_wait3A_166 : memref<1x1x8192xf32, #tpu.memory_space<hbm>> -> memref<8192xf32, #tpu.memory_space<hbm>>
      %dma_wait3A_168 = arith.constant 0 : i32
      %dma_wait3A_169 = tpu.memref_slice %arg5[%dma_wait3A_164, %add3A_137, %dma_wait3A_168] : memref<4x64x8192xf32, #tpu.memory_space<hbm>> -> memref<1x1x8192xf32, #tpu.memory_space<hbm>>
      %dma_wait3A_170 = tpu.memref_squeeze %dma_wait3A_169 : memref<1x1x8192xf32, #tpu.memory_space<hbm>> -> memref<8192xf32, #tpu.memory_space<hbm>>
      tpu.wait_dma2 semaphore(%arg16 : memref<!tpu.dma_semaphore, #tpu.memory_space<semaphore_mem>>) src(%arg12 : memref<8192xf32, #tpu.memory_space<vmem>>) dst(%dma_wait3A_170 : memref<8192xf32, #tpu.memory_space<hbm>>)
      %parallel_loop3A_171 = arith.constant 0 : i32
      %parallel_loop3A_172 = arith.constant 512 : i32
      %parallel_loop3A_173 = arith.constant 1 : i32
      scf.for %parallel_loop3A_369 = %parallel_loop3A_171 to %parallel_loop3A_172 step %parallel_loop3A_173  : i32 {
        %parallel_loop3A_370 = arith.constant 16 : i32
        %parallel_loop3A_371 = arith.muli %parallel_loop3A_369, %parallel_loop3A_370 : i32
        %parallel_loop3A_372 = arith.constant 3 : i32
        %parallel_loop3A_373 = arith.index_cast %parallel_loop3A_372 : i32 to index
        %parallel_loop3A_374 = arith.index_cast %parallel_loop3A_371 : i32 to index
        %parallel_loop3A_375 = tpu.vector_load %arg8[%parallel_loop3A_373, %parallel_loop3A_374] {strides = array<i32>} : memref<4x8192xi32, #tpu.memory_space<vmem>>, vector<16xi32>,
        %parallel_loop3A_376 = tpu.vector_load_idx %arg10[%parallel_loop3A_375] : memref<32768xf32, #tpu.memory_space<vmem>>[vector<16xi32>], vector<16xf32>,
        %parallel_loop3A_377 = arith.index_cast %parallel_loop3A_371 : i32 to index
        %parallel_loop3A_378 = tpu.vector_load %arg12[%parallel_loop3A_377] {strides = array<i32>} : memref<8192xf32, #tpu.memory_space<vmem>>, vector<16xf32>,
        tpu.vector_store %arg12[%parallel_loop3A_377], %parallel_loop3A_376 {strides = array<i32>} : memref<8192xf32, #tpu.memory_space<vmem>>, vector<16xf32>,
      } {sc.loop_unroll_factor = 8 : i64, sc.parallel_access}
      %add3A_174 = arith.constant 1 : i32
      %add3A_175 = arith.addi %mul3A_0, %add3A_174 : i32
      %dma_start3A_176 = arith.constant 3 : i32
      %dma_start3A_177 = arith.constant 0 : i32
      %dma_start3A_178 = tpu.memref_slice %arg5[%dma_start3A_176, %add3A_175, %dma_start3A_177] : memref<4x64x8192xf32, #tpu.memory_space<hbm>> -> memref<1x1x8192xf32, #tpu.memory_space<hbm>>
      %dma_start3A_179 = tpu.memref_squeeze %dma_start3A_178 : memref<1x1x8192xf32, #tpu.memory_space<hbm>> -> memref<8192xf32, #tpu.memory_space<hbm>>
      %dma_start3A_180 = arith.constant 0 : i32
      %dma_start3A_181 = tpu.memref_slice %arg5[%dma_start3A_176, %add3A_175, %dma_start3A_180] : memref<4x64x8192xf32, #tpu.memory_space<hbm>> -> memref<1x1x8192xf32, #tpu.memory_space<hbm>>
      %dma_start3A_182 = tpu.memref_squeeze %dma_start3A_181 : memref<1x1x8192xf32, #tpu.memory_space<hbm>> -> memref<8192xf32, #tpu.memory_space<hbm>>
      tpu.enqueue_dma source(%arg12 : memref<8192xf32, #tpu.memory_space<vmem>>) target(%dma_start3A_182 : memref<8192xf32, #tpu.memory_space<hbm>>) target_semaphore(%arg16 : memref<!tpu.dma_semaphore, #tpu.memory_space<semaphore_mem>>)
      %add3A_183 = arith.constant 3 : i32
      %add3A_184 = arith.addi %mul3A_0, %add3A_183 : i32
      %dma_start3A_185 = arith.constant 0 : i32
      %dma_start3A_186 = tpu.memref_slice %arg3[%add3A_184, %dma_start3A_185] : memref<64x32768xf32, #tpu.memory_space<hbm>> -> memref<1x32768xf32, #tpu.memory_space<hbm>>
      %dma_start3A_187 = tpu.memref_squeeze %dma_start3A_186 : memref<1x32768xf32, #tpu.memory_space<hbm>> -> memref<32768xf32, #tpu.memory_space<hbm>>
      %dma_start3A_188 = arith.constant 0 : i32
      %dma_start3A_189 = tpu.memref_slice %arg3[%add3A_184, %dma_start3A_188] : memref<64x32768xf32, #tpu.memory_space<hbm>> -> memref<1x32768xf32, #tpu.memory_space<hbm>>
      %dma_start3A_190 = tpu.memref_squeeze %dma_start3A_189 : memref<1x32768xf32, #tpu.memory_space<hbm>> -> memref<32768xf32, #tpu.memory_space<hbm>>
      tpu.enqueue_dma source(%dma_start3A_190 : memref<32768xf32, #tpu.memory_space<hbm>>) target(%arg10 : memref<32768xf32, #tpu.memory_space<vmem>>) target_semaphore(%arg15 : memref<!tpu.dma_semaphore, #tpu.memory_space<semaphore_mem>>)
      %dma_wait3A_191 = arith.constant 0 : i32
      %dma_wait3A_192 = tpu.memref_slice %arg3[%add3A_94, %dma_wait3A_191] : memref<64x32768xf32, #tpu.memory_space<hbm>> -> memref<1x32768xf32, #tpu.memory_space<hbm>>
      %dma_wait3A_193 = tpu.memref_squeeze %dma_wait3A_192 : memref<1x32768xf32, #tpu.memory_space<hbm>> -> memref<32768xf32, #tpu.memory_space<hbm>>
      %dma_wait3A_194 = arith.constant 0 : i32
      %dma_wait3A_195 = tpu.memref_slice %arg3[%add3A_94, %dma_wait3A_194] : memref<64x32768xf32, #tpu.memory_space<hbm>> -> memref<1x32768xf32, #tpu.memory_space<hbm>>
      %dma_wait3A_196 = tpu.memref_squeeze %dma_wait3A_195 : memref<1x32768xf32, #tpu.memory_space<hbm>> -> memref<32768xf32, #tpu.memory_space<hbm>>
      tpu.wait_dma2 semaphore(%arg14 : memref<!tpu.dma_semaphore, #tpu.memory_space<semaphore_mem>>) src(%dma_wait3A_196 : memref<32768xf32, #tpu.memory_space<hbm>>) dst(%arg9 : memref<32768xf32, #tpu.memory_space<vmem>>)
      %dma_wait3A_197 = arith.constant 2 : i32
      %dma_wait3A_198 = arith.constant 0 : i32
      %dma_wait3A_199 = tpu.memref_slice %arg5[%dma_wait3A_197, %add3A_156, %dma_wait3A_198] : memref<4x64x8192xf32, #tpu.memory_space<hbm>> -> memref<1x1x8192xf32, #tpu.memory_space<hbm>>
      %dma_wait3A_200 = tpu.memref_squeeze %dma_wait3A_199 : memref<1x1x8192xf32, #tpu.memory_space<hbm>> -> memref<8192xf32, #tpu.memory_space<hbm>>
      %dma_wait3A_201 = arith.constant 0 : i32
      %dma_wait3A_202 = tpu.memref_slice %arg5[%dma_wait3A_197, %add3A_156, %dma_wait3A_201] : memref<4x64x8192xf32, #tpu.memory_space<hbm>> -> memref<1x1x8192xf32, #tpu.memory_space<hbm>>
      %dma_wait3A_203 = tpu.memref_squeeze %dma_wait3A_202 : memref<1x1x8192xf32, #tpu.memory_space<hbm>> -> memref<8192xf32, #tpu.memory_space<hbm>>
      tpu.wait_dma2 semaphore(%arg16 : memref<!tpu.dma_semaphore, #tpu.memory_space<semaphore_mem>>) src(%arg11 : memref<8192xf32, #tpu.memory_space<vmem>>) dst(%dma_wait3A_203 : memref<8192xf32, #tpu.memory_space<hbm>>)
      %parallel_loop3A_204 = arith.constant 0 : i32
      %parallel_loop3A_205 = arith.constant 512 : i32
      %parallel_loop3A_206 = arith.constant 1 : i32
      scf.for %parallel_loop3A_369 = %parallel_loop3A_204 to %parallel_loop3A_205 step %parallel_loop3A_206  : i32 {
        %parallel_loop3A_370 = arith.constant 16 : i32
        %parallel_loop3A_371 = arith.muli %parallel_loop3A_369, %parallel_loop3A_370 : i32
        %parallel_loop3A_372 = arith.constant 0 : i32
        %parallel_loop3A_373 = arith.index_cast %parallel_loop3A_372 : i32 to index
        %parallel_loop3A_374 = arith.index_cast %parallel_loop3A_371 : i32 to index
        %parallel_loop3A_375 = tpu.vector_load %arg8[%parallel_loop3A_373, %parallel_loop3A_374] {strides = array<i32>} : memref<4x8192xi32, #tpu.memory_space<vmem>>, vector<16xi32>,
        %parallel_loop3A_376 = tpu.vector_load_idx %arg9[%parallel_loop3A_375] : memref<32768xf32, #tpu.memory_space<vmem>>[vector<16xi32>], vector<16xf32>,
        %parallel_loop3A_377 = arith.index_cast %parallel_loop3A_371 : i32 to index
        %parallel_loop3A_378 = tpu.vector_load %arg11[%parallel_loop3A_377] {strides = array<i32>} : memref<8192xf32, #tpu.memory_space<vmem>>, vector<16xf32>,
        tpu.vector_store %arg11[%parallel_loop3A_377], %parallel_loop3A_376 {strides = array<i32>} : memref<8192xf32, #tpu.memory_space<vmem>>, vector<16xf32>,
      } {sc.loop_unroll_factor = 8 : i64, sc.parallel_access}
      %add3A_207 = arith.constant 2 : i32
      %add3A_208 = arith.addi %mul3A_0, %add3A_207 : i32
      %dma_start3A_209 = arith.constant 0 : i32
      %dma_start3A_210 = arith.constant 0 : i32
      %dma_start3A_211 = tpu.memref_slice %arg5[%dma_start3A_209, %add3A_208, %dma_start3A_210] : memref<4x64x8192xf32, #tpu.memory_space<hbm>> -> memref<1x1x8192xf32, #tpu.memory_space<hbm>>
      %dma_start3A_212 = tpu.memref_squeeze %dma_start3A_211 : memref<1x1x8192xf32, #tpu.memory_space<hbm>> -> memref<8192xf32, #tpu.memory_space<hbm>>
      %dma_start3A_213 = arith.constant 0 : i32
      %dma_start3A_214 = tpu.memref_slice %arg5[%dma_start3A_209, %add3A_208, %dma_start3A_213] : memref<4x64x8192xf32, #tpu.memory_space<hbm>> -> memref<1x1x8192xf32, #tpu.memory_space<hbm>>
      %dma_start3A_215 = tpu.memref_squeeze %dma_start3A_214 : memref<1x1x8192xf32, #tpu.memory_space<hbm>> -> memref<8192xf32, #tpu.memory_space<hbm>>
      tpu.enqueue_dma source(%arg11 : memref<8192xf32, #tpu.memory_space<vmem>>) target(%dma_start3A_215 : memref<8192xf32, #tpu.memory_space<hbm>>) target_semaphore(%arg16 : memref<!tpu.dma_semaphore, #tpu.memory_space<semaphore_mem>>)
      %dma_wait3A_216 = arith.constant 3 : i32
      %dma_wait3A_217 = arith.constant 0 : i32
      %dma_wait3A_218 = tpu.memref_slice %arg5[%dma_wait3A_216, %add3A_175, %dma_wait3A_217] : memref<4x64x8192xf32, #tpu.memory_space<hbm>> -> memref<1x1x8192xf32, #tpu.memory_space<hbm>>
      %dma_wait3A_219 = tpu.memref_squeeze %dma_wait3A_218 : memref<1x1x8192xf32, #tpu.memory_space<hbm>> -> memref<8192xf32, #tpu.memory_space<hbm>>
      %dma_wait3A_220 = arith.constant 0 : i32
      %dma_wait3A_221 = tpu.memref_slice %arg5[%dma_wait3A_216, %add3A_175, %dma_wait3A_220] : memref<4x64x8192xf32, #tpu.memory_space<hbm>> -> memref<1x1x8192xf32, #tpu.memory_space<hbm>>
      %dma_wait3A_222 = tpu.memref_squeeze %dma_wait3A_221 : memref<1x1x8192xf32, #tpu.memory_space<hbm>> -> memref<8192xf32, #tpu.memory_space<hbm>>
      tpu.wait_dma2 semaphore(%arg16 : memref<!tpu.dma_semaphore, #tpu.memory_space<semaphore_mem>>) src(%arg12 : memref<8192xf32, #tpu.memory_space<vmem>>) dst(%dma_wait3A_222 : memref<8192xf32, #tpu.memory_space<hbm>>)
      %parallel_loop3A_223 = arith.constant 0 : i32
      %parallel_loop3A_224 = arith.constant 512 : i32
      %parallel_loop3A_225 = arith.constant 1 : i32
      scf.for %parallel_loop3A_369 = %parallel_loop3A_223 to %parallel_loop3A_224 step %parallel_loop3A_225  : i32 {
        %parallel_loop3A_370 = arith.constant 16 : i32
        %parallel_loop3A_371 = arith.muli %parallel_loop3A_369, %parallel_loop3A_370 : i32
        %parallel_loop3A_372 = arith.constant 1 : i32
        %parallel_loop3A_373 = arith.index_cast %parallel_loop3A_372 : i32 to index
        %parallel_loop3A_374 = arith.index_cast %parallel_loop3A_371 : i32 to index
        %parallel_loop3A_375 = tpu.vector_load %arg8[%parallel_loop3A_373, %parallel_loop3A_374] {strides = array<i32>} : memref<4x8192xi32, #tpu.memory_space<vmem>>, vector<16xi32>,
        %parallel_loop3A_376 = tpu.vector_load_idx %arg9[%parallel_loop3A_375] : memref<32768xf32, #tpu.memory_space<vmem>>[vector<16xi32>], vector<16xf32>,
        %parallel_loop3A_377 = arith.index_cast %parallel_loop3A_371 : i32 to index
        %parallel_loop3A_378 = tpu.vector_load %arg12[%parallel_loop3A_377] {strides = array<i32>} : memref<8192xf32, #tpu.memory_space<vmem>>, vector<16xf32>,
        tpu.vector_store %arg12[%parallel_loop3A_377], %parallel_loop3A_376 {strides = array<i32>} : memref<8192xf32, #tpu.memory_space<vmem>>, vector<16xf32>,
      } {sc.loop_unroll_factor = 8 : i64, sc.parallel_access}
      %add3A_226 = arith.constant 2 : i32
      %add3A_227 = arith.addi %mul3A_0, %add3A_226 : i32
      %dma_start3A_228 = arith.constant 1 : i32
      %dma_start3A_229 = arith.constant 0 : i32
      %dma_start3A_230 = tpu.memref_slice %arg5[%dma_start3A_228, %add3A_227, %dma_start3A_229] : memref<4x64x8192xf32, #tpu.memory_space<hbm>> -> memref<1x1x8192xf32, #tpu.memory_space<hbm>>
      %dma_start3A_231 = tpu.memref_squeeze %dma_start3A_230 : memref<1x1x8192xf32, #tpu.memory_space<hbm>> -> memref<8192xf32, #tpu.memory_space<hbm>>
      %dma_start3A_232 = arith.constant 0 : i32
      %dma_start3A_233 = tpu.memref_slice %arg5[%dma_start3A_228, %add3A_227, %dma_start3A_232] : memref<4x64x8192xf32, #tpu.memory_space<hbm>> -> memref<1x1x8192xf32, #tpu.memory_space<hbm>>
      %dma_start3A_234 = tpu.memref_squeeze %dma_start3A_233 : memref<1x1x8192xf32, #tpu.memory_space<hbm>> -> memref<8192xf32, #tpu.memory_space<hbm>>
      tpu.enqueue_dma source(%arg12 : memref<8192xf32, #tpu.memory_space<vmem>>) target(%dma_start3A_234 : memref<8192xf32, #tpu.memory_space<hbm>>) target_semaphore(%arg16 : memref<!tpu.dma_semaphore, #tpu.memory_space<semaphore_mem>>)
      %dma_wait3A_235 = arith.constant 0 : i32
      %dma_wait3A_236 = arith.constant 0 : i32
      %dma_wait3A_237 = tpu.memref_slice %arg5[%dma_wait3A_235, %add3A_208, %dma_wait3A_236] : memref<4x64x8192xf32, #tpu.memory_space<hbm>> -> memref<1x1x8192xf32, #tpu.memory_space<hbm>>
      %dma_wait3A_238 = tpu.memref_squeeze %dma_wait3A_237 : memref<1x1x8192xf32, #tpu.memory_space<hbm>> -> memref<8192xf32, #tpu.memory_space<hbm>>
      %dma_wait3A_239 = arith.constant 0 : i32
      %dma_wait3A_240 = tpu.memref_slice %arg5[%dma_wait3A_235, %add3A_208, %dma_wait3A_239] : memref<4x64x8192xf32, #tpu.memory_space<hbm>> -> memref<1x1x8192xf32, #tpu.memory_space<hbm>>
      %dma_wait3A_241 = tpu.memref_squeeze %dma_wait3A_240 : memref<1x1x8192xf32, #tpu.memory_space<hbm>> -> memref<8192xf32, #tpu.memory_space<hbm>>
      tpu.wait_dma2 semaphore(%arg16 : memref<!tpu.dma_semaphore, #tpu.memory_space<semaphore_mem>>) src(%arg11 : memref<8192xf32, #tpu.memory_space<vmem>>) dst(%dma_wait3A_241 : memref<8192xf32, #tpu.memory_space<hbm>>)
      %parallel_loop3A_242 = arith.constant 0 : i32
      %parallel_loop3A_243 = arith.constant 512 : i32
      %parallel_loop3A_244 = arith.constant 1 : i32
      scf.for %parallel_loop3A_369 = %parallel_loop3A_242 to %parallel_loop3A_243 step %parallel_loop3A_244  : i32 {
        %parallel_loop3A_370 = arith.constant 16 : i32
        %parallel_loop3A_371 = arith.muli %parallel_loop3A_369, %parallel_loop3A_370 : i32
        %parallel_loop3A_372 = arith.constant 2 : i32
        %parallel_loop3A_373 = arith.index_cast %parallel_loop3A_372 : i32 to index
        %parallel_loop3A_374 = arith.index_cast %parallel_loop3A_371 : i32 to index
        %parallel_loop3A_375 = tpu.vector_load %arg8[%parallel_loop3A_373, %parallel_loop3A_374] {strides = array<i32>} : memref<4x8192xi32, #tpu.memory_space<vmem>>, vector<16xi32>,
        %parallel_loop3A_376 = tpu.vector_load_idx %arg9[%parallel_loop3A_375] : memref<32768xf32, #tpu.memory_space<vmem>>[vector<16xi32>], vector<16xf32>,
        %parallel_loop3A_377 = arith.index_cast %parallel_loop3A_371 : i32 to index
        %parallel_loop3A_378 = tpu.vector_load %arg11[%parallel_loop3A_377] {strides = array<i32>} : memref<8192xf32, #tpu.memory_space<vmem>>, vector<16xf32>,
        tpu.vector_store %arg11[%parallel_loop3A_377], %parallel_loop3A_376 {strides = array<i32>} : memref<8192xf32, #tpu.memory_space<vmem>>, vector<16xf32>,
      } {sc.loop_unroll_factor = 8 : i64, sc.parallel_access}
      %add3A_245 = arith.constant 2 : i32
      %add3A_246 = arith.addi %mul3A_0, %add3A_245 : i32
      %dma_start3A_247 = arith.constant 2 : i32
      %dma_start3A_248 = arith.constant 0 : i32
      %dma_start3A_249 = tpu.memref_slice %arg5[%dma_start3A_247, %add3A_246, %dma_start3A_248] : memref<4x64x8192xf32, #tpu.memory_space<hbm>> -> memref<1x1x8192xf32, #tpu.memory_space<hbm>>
      %dma_start3A_250 = tpu.memref_squeeze %dma_start3A_249 : memref<1x1x8192xf32, #tpu.memory_space<hbm>> -> memref<8192xf32, #tpu.memory_space<hbm>>
      %dma_start3A_251 = arith.constant 0 : i32
      %dma_start3A_252 = tpu.memref_slice %arg5[%dma_start3A_247, %add3A_246, %dma_start3A_251] : memref<4x64x8192xf32, #tpu.memory_space<hbm>> -> memref<1x1x8192xf32, #tpu.memory_space<hbm>>
      %dma_start3A_253 = tpu.memref_squeeze %dma_start3A_252 : memref<1x1x8192xf32, #tpu.memory_space<hbm>> -> memref<8192xf32, #tpu.memory_space<hbm>>
      tpu.enqueue_dma source(%arg11 : memref<8192xf32, #tpu.memory_space<vmem>>) target(%dma_start3A_253 : memref<8192xf32, #tpu.memory_space<hbm>>) target_semaphore(%arg16 : memref<!tpu.dma_semaphore, #tpu.memory_space<semaphore_mem>>)
      %dma_wait3A_254 = arith.constant 1 : i32
      %dma_wait3A_255 = arith.constant 0 : i32
      %dma_wait3A_256 = tpu.memref_slice %arg5[%dma_wait3A_254, %add3A_227, %dma_wait3A_255] : memref<4x64x8192xf32, #tpu.memory_space<hbm>> -> memref<1x1x8192xf32, #tpu.memory_space<hbm>>
      %dma_wait3A_257 = tpu.memref_squeeze %dma_wait3A_256 : memref<1x1x8192xf32, #tpu.memory_space<hbm>> -> memref<8192xf32, #tpu.memory_space<hbm>>
      %dma_wait3A_258 = arith.constant 0 : i32
      %dma_wait3A_259 = tpu.memref_slice %arg5[%dma_wait3A_254, %add3A_227, %dma_wait3A_258] : memref<4x64x8192xf32, #tpu.memory_space<hbm>> -> memref<1x1x8192xf32, #tpu.memory_space<hbm>>
      %dma_wait3A_260 = tpu.memref_squeeze %dma_wait3A_259 : memref<1x1x8192xf32, #tpu.memory_space<hbm>> -> memref<8192xf32, #tpu.memory_space<hbm>>
      tpu.wait_dma2 semaphore(%arg16 : memref<!tpu.dma_semaphore, #tpu.memory_space<semaphore_mem>>) src(%arg12 : memref<8192xf32, #tpu.memory_space<vmem>>) dst(%dma_wait3A_260 : memref<8192xf32, #tpu.memory_space<hbm>>)
      %parallel_loop3A_261 = arith.constant 0 : i32
      %parallel_loop3A_262 = arith.constant 512 : i32
      %parallel_loop3A_263 = arith.constant 1 : i32
      scf.for %parallel_loop3A_369 = %parallel_loop3A_261 to %parallel_loop3A_262 step %parallel_loop3A_263  : i32 {
        %parallel_loop3A_370 = arith.constant 16 : i32
        %parallel_loop3A_371 = arith.muli %parallel_loop3A_369, %parallel_loop3A_370 : i32
        %parallel_loop3A_372 = arith.constant 3 : i32
        %parallel_loop3A_373 = arith.index_cast %parallel_loop3A_372 : i32 to index
        %parallel_loop3A_374 = arith.index_cast %parallel_loop3A_371 : i32 to index
        %parallel_loop3A_375 = tpu.vector_load %arg8[%parallel_loop3A_373, %parallel_loop3A_374] {strides = array<i32>} : memref<4x8192xi32, #tpu.memory_space<vmem>>, vector<16xi32>,
        %parallel_loop3A_376 = tpu.vector_load_idx %arg9[%parallel_loop3A_375] : memref<32768xf32, #tpu.memory_space<vmem>>[vector<16xi32>], vector<16xf32>,
        %parallel_loop3A_377 = arith.index_cast %parallel_loop3A_371 : i32 to index
        %parallel_loop3A_378 = tpu.vector_load %arg12[%parallel_loop3A_377] {strides = array<i32>} : memref<8192xf32, #tpu.memory_space<vmem>>, vector<16xf32>,
        tpu.vector_store %arg12[%parallel_loop3A_377], %parallel_loop3A_376 {strides = array<i32>} : memref<8192xf32, #tpu.memory_space<vmem>>, vector<16xf32>,
      } {sc.loop_unroll_factor = 8 : i64, sc.parallel_access}
      %add3A_264 = arith.constant 2 : i32
      %add3A_265 = arith.addi %mul3A_0, %add3A_264 : i32
      %dma_start3A_266 = arith.constant 3 : i32
      %dma_start3A_267 = arith.constant 0 : i32
      %dma_start3A_268 = tpu.memref_slice %arg5[%dma_start3A_266, %add3A_265, %dma_start3A_267] : memref<4x64x8192xf32, #tpu.memory_space<hbm>> -> memref<1x1x8192xf32, #tpu.memory_space<hbm>>
      %dma_start3A_269 = tpu.memref_squeeze %dma_start3A_268 : memref<1x1x8192xf32, #tpu.memory_space<hbm>> -> memref<8192xf32, #tpu.memory_space<hbm>>
      %dma_start3A_270 = arith.constant 0 : i32
      %dma_start3A_271 = tpu.memref_slice %arg5[%dma_start3A_266, %add3A_265, %dma_start3A_270] : memref<4x64x8192xf32, #tpu.memory_space<hbm>> -> memref<1x1x8192xf32, #tpu.memory_space<hbm>>
      %dma_start3A_272 = tpu.memref_squeeze %dma_start3A_271 : memref<1x1x8192xf32, #tpu.memory_space<hbm>> -> memref<8192xf32, #tpu.memory_space<hbm>>
      tpu.enqueue_dma source(%arg12 : memref<8192xf32, #tpu.memory_space<vmem>>) target(%dma_start3A_272 : memref<8192xf32, #tpu.memory_space<hbm>>) target_semaphore(%arg16 : memref<!tpu.dma_semaphore, #tpu.memory_space<semaphore_mem>>)
      %dma_wait3A_273 = arith.constant 0 : i32
      %dma_wait3A_274 = tpu.memref_slice %arg3[%add3A_184, %dma_wait3A_273] : memref<64x32768xf32, #tpu.memory_space<hbm>> -> memref<1x32768xf32, #tpu.memory_space<hbm>>
      %dma_wait3A_275 = tpu.memref_squeeze %dma_wait3A_274 : memref<1x32768xf32, #tpu.memory_space<hbm>> -> memref<32768xf32, #tpu.memory_space<hbm>>
      %dma_wait3A_276 = arith.constant 0 : i32
      %dma_wait3A_277 = tpu.memref_slice %arg3[%add3A_184, %dma_wait3A_276] : memref<64x32768xf32, #tpu.memory_space<hbm>> -> memref<1x32768xf32, #tpu.memory_space<hbm>>
      %dma_wait3A_278 = tpu.memref_squeeze %dma_wait3A_277 : memref<1x32768xf32, #tpu.memory_space<hbm>> -> memref<32768xf32, #tpu.memory_space<hbm>>
      tpu.wait_dma2 semaphore(%arg15 : memref<!tpu.dma_semaphore, #tpu.memory_space<semaphore_mem>>) src(%dma_wait3A_278 : memref<32768xf32, #tpu.memory_space<hbm>>) dst(%arg10 : memref<32768xf32, #tpu.memory_space<vmem>>)
      %dma_wait3A_279 = arith.constant 2 : i32
      %dma_wait3A_280 = arith.constant 0 : i32
      %dma_wait3A_281 = tpu.memref_slice %arg5[%dma_wait3A_279, %add3A_246, %dma_wait3A_280] : memref<4x64x8192xf32, #tpu.memory_space<hbm>> -> memref<1x1x8192xf32, #tpu.memory_space<hbm>>
      %dma_wait3A_282 = tpu.memref_squeeze %dma_wait3A_281 : memref<1x1x8192xf32, #tpu.memory_space<hbm>> -> memref<8192xf32, #tpu.memory_space<hbm>>
      %dma_wait3A_283 = arith.constant 0 : i32
      %dma_wait3A_284 = tpu.memref_slice %arg5[%dma_wait3A_279, %add3A_246, %dma_wait3A_283] : memref<4x64x8192xf32, #tpu.memory_space<hbm>> -> memref<1x1x8192xf32, #tpu.memory_space<hbm>>
      %dma_wait3A_285 = tpu.memref_squeeze %dma_wait3A_284 : memref<1x1x8192xf32, #tpu.memory_space<hbm>> -> memref<8192xf32, #tpu.memory_space<hbm>>
      tpu.wait_dma2 semaphore(%arg16 : memref<!tpu.dma_semaphore, #tpu.memory_space<semaphore_mem>>) src(%arg11 : memref<8192xf32, #tpu.memory_space<vmem>>) dst(%dma_wait3A_285 : memref<8192xf32, #tpu.memory_space<hbm>>)
      %parallel_loop3A_286 = arith.constant 0 : i32
      %parallel_loop3A_287 = arith.constant 512 : i32
      %parallel_loop3A_288 = arith.constant 1 : i32
      scf.for %parallel_loop3A_369 = %parallel_loop3A_286 to %parallel_loop3A_287 step %parallel_loop3A_288  : i32 {
        %parallel_loop3A_370 = arith.constant 16 : i32
        %parallel_loop3A_371 = arith.muli %parallel_loop3A_369, %parallel_loop3A_370 : i32
        %parallel_loop3A_372 = arith.constant 0 : i32
        %parallel_loop3A_373 = arith.index_cast %parallel_loop3A_372 : i32 to index
        %parallel_loop3A_374 = arith.index_cast %parallel_loop3A_371 : i32 to index
        %parallel_loop3A_375 = tpu.vector_load %arg8[%parallel_loop3A_373, %parallel_loop3A_374] {strides = array<i32>} : memref<4x8192xi32, #tpu.memory_space<vmem>>, vector<16xi32>,
        %parallel_loop3A_376 = tpu.vector_load_idx %arg10[%parallel_loop3A_375] : memref<32768xf32, #tpu.memory_space<vmem>>[vector<16xi32>], vector<16xf32>,
        %parallel_loop3A_377 = arith.index_cast %parallel_loop3A_371 : i32 to index
        %parallel_loop3A_378 = tpu.vector_load %arg11[%parallel_loop3A_377] {strides = array<i32>} : memref<8192xf32, #tpu.memory_space<vmem>>, vector<16xf32>,
        tpu.vector_store %arg11[%parallel_loop3A_377], %parallel_loop3A_376 {strides = array<i32>} : memref<8192xf32, #tpu.memory_space<vmem>>, vector<16xf32>,
      } {sc.loop_unroll_factor = 8 : i64, sc.parallel_access}
      %add3A_289 = arith.constant 3 : i32
      %add3A_290 = arith.addi %mul3A_0, %add3A_289 : i32
      %dma_start3A_291 = arith.constant 0 : i32
      %dma_start3A_292 = arith.constant 0 : i32
      %dma_start3A_293 = tpu.memref_slice %arg5[%dma_start3A_291, %add3A_290, %dma_start3A_292] : memref<4x64x8192xf32, #tpu.memory_space<hbm>> -> memref<1x1x8192xf32, #tpu.memory_space<hbm>>
      %dma_start3A_294 = tpu.memref_squeeze %dma_start3A_293 : memref<1x1x8192xf32, #tpu.memory_space<hbm>> -> memref<8192xf32, #tpu.memory_space<hbm>>
      %dma_start3A_295 = arith.constant 0 : i32
      %dma_start3A_296 = tpu.memref_slice %arg5[%dma_start3A_291, %add3A_290, %dma_start3A_295] : memref<4x64x8192xf32, #tpu.memory_space<hbm>> -> memref<1x1x8192xf32, #tpu.memory_space<hbm>>
      %dma_start3A_297 = tpu.memref_squeeze %dma_start3A_296 : memref<1x1x8192xf32, #tpu.memory_space<hbm>> -> memref<8192xf32, #tpu.memory_space<hbm>>
      tpu.enqueue_dma source(%arg11 : memref<8192xf32, #tpu.memory_space<vmem>>) target(%dma_start3A_297 : memref<8192xf32, #tpu.memory_space<hbm>>) target_semaphore(%arg16 : memref<!tpu.dma_semaphore, #tpu.memory_space<semaphore_mem>>)
      %dma_wait3A_298 = arith.constant 3 : i32
      %dma_wait3A_299 = arith.constant 0 : i32
      %dma_wait3A_300 = tpu.memref_slice %arg5[%dma_wait3A_298, %add3A_265, %dma_wait3A_299] : memref<4x64x8192xf32, #tpu.memory_space<hbm>> -> memref<1x1x8192xf32, #tpu.memory_space<hbm>>
      %dma_wait3A_301 = tpu.memref_squeeze %dma_wait3A_300 : memref<1x1x8192xf32, #tpu.memory_space<hbm>> -> memref<8192xf32, #tpu.memory_space<hbm>>
      %dma_wait3A_302 = arith.constant 0 : i32
      %dma_wait3A_303 = tpu.memref_slice %arg5[%dma_wait3A_298, %add3A_265, %dma_wait3A_302] : memref<4x64x8192xf32, #tpu.memory_space<hbm>> -> memref<1x1x8192xf32, #tpu.memory_space<hbm>>
      %dma_wait3A_304 = tpu.memref_squeeze %dma_wait3A_303 : memref<1x1x8192xf32, #tpu.memory_space<hbm>> -> memref<8192xf32, #tpu.memory_space<hbm>>
      tpu.wait_dma2 semaphore(%arg16 : memref<!tpu.dma_semaphore, #tpu.memory_space<semaphore_mem>>) src(%arg12 : memref<8192xf32, #tpu.memory_space<vmem>>) dst(%dma_wait3A_304 : memref<8192xf32, #tpu.memory_space<hbm>>)
      %parallel_loop3A_305 = arith.constant 0 : i32
      %parallel_loop3A_306 = arith.constant 512 : i32
      %parallel_loop3A_307 = arith.constant 1 : i32
      scf.for %parallel_loop3A_369 = %parallel_loop3A_305 to %parallel_loop3A_306 step %parallel_loop3A_307  : i32 {
        %parallel_loop3A_370 = arith.constant 16 : i32
        %parallel_loop3A_371 = arith.muli %parallel_loop3A_369, %parallel_loop3A_370 : i32
        %parallel_loop3A_372 = arith.constant 1 : i32
        %parallel_loop3A_373 = arith.index_cast %parallel_loop3A_372 : i32 to index
        %parallel_loop3A_374 = arith.index_cast %parallel_loop3A_371 : i32 to index
        %parallel_loop3A_375 = tpu.vector_load %arg8[%parallel_loop3A_373, %parallel_loop3A_374] {strides = array<i32>} : memref<4x8192xi32, #tpu.memory_space<vmem>>, vector<16xi32>,
        %parallel_loop3A_376 = tpu.vector_load_idx %arg10[%parallel_loop3A_375] : memref<32768xf32, #tpu.memory_space<vmem>>[vector<16xi32>], vector<16xf32>,
        %parallel_loop3A_377 = arith.index_cast %parallel_loop3A_371 : i32 to index
        %parallel_loop3A_378 = tpu.vector_load %arg12[%parallel_loop3A_377] {strides = array<i32>} : memref<8192xf32, #tpu.memory_space<vmem>>, vector<16xf32>,
        tpu.vector_store %arg12[%parallel_loop3A_377], %parallel_loop3A_376 {strides = array<i32>} : memref<8192xf32, #tpu.memory_space<vmem>>, vector<16xf32>,
      } {sc.loop_unroll_factor = 8 : i64, sc.parallel_access}
      %add3A_308 = arith.constant 3 : i32
      %add3A_309 = arith.addi %mul3A_0, %add3A_308 : i32
      %dma_start3A_310 = arith.constant 1 : i32
      %dma_start3A_311 = arith.constant 0 : i32
      %dma_start3A_312 = tpu.memref_slice %arg5[%dma_start3A_310, %add3A_309, %dma_start3A_311] : memref<4x64x8192xf32, #tpu.memory_space<hbm>> -> memref<1x1x8192xf32, #tpu.memory_space<hbm>>
      %dma_start3A_313 = tpu.memref_squeeze %dma_start3A_312 : memref<1x1x8192xf32, #tpu.memory_space<hbm>> -> memref<8192xf32, #tpu.memory_space<hbm>>
      %dma_start3A_314 = arith.constant 0 : i32
      %dma_start3A_315 = tpu.memref_slice %arg5[%dma_start3A_310, %add3A_309, %dma_start3A_314] : memref<4x64x8192xf32, #tpu.memory_space<hbm>> -> memref<1x1x8192xf32, #tpu.memory_space<hbm>>
      %dma_start3A_316 = tpu.memref_squeeze %dma_start3A_315 : memref<1x1x8192xf32, #tpu.memory_space<hbm>> -> memref<8192xf32, #tpu.memory_space<hbm>>
      tpu.enqueue_dma source(%arg12 : memref<8192xf32, #tpu.memory_space<vmem>>) target(%dma_start3A_316 : memref<8192xf32, #tpu.memory_space<hbm>>) target_semaphore(%arg16 : memref<!tpu.dma_semaphore, #tpu.memory_space<semaphore_mem>>)
      %dma_wait3A_317 = arith.constant 0 : i32
      %dma_wait3A_318 = arith.constant 0 : i32
      %dma_wait3A_319 = tpu.memref_slice %arg5[%dma_wait3A_317, %add3A_290, %dma_wait3A_318] : memref<4x64x8192xf32, #tpu.memory_space<hbm>> -> memref<1x1x8192xf32, #tpu.memory_space<hbm>>
      %dma_wait3A_320 = tpu.memref_squeeze %dma_wait3A_319 : memref<1x1x8192xf32, #tpu.memory_space<hbm>> -> memref<8192xf32, #tpu.memory_space<hbm>>
      %dma_wait3A_321 = arith.constant 0 : i32
      %dma_wait3A_322 = tpu.memref_slice %arg5[%dma_wait3A_317, %add3A_290, %dma_wait3A_321] : memref<4x64x8192xf32, #tpu.memory_space<hbm>> -> memref<1x1x8192xf32, #tpu.memory_space<hbm>>
      %dma_wait3A_323 = tpu.memref_squeeze %dma_wait3A_322 : memref<1x1x8192xf32, #tpu.memory_space<hbm>> -> memref<8192xf32, #tpu.memory_space<hbm>>
      tpu.wait_dma2 semaphore(%arg16 : memref<!tpu.dma_semaphore, #tpu.memory_space<semaphore_mem>>) src(%arg11 : memref<8192xf32, #tpu.memory_space<vmem>>) dst(%dma_wait3A_323 : memref<8192xf32, #tpu.memory_space<hbm>>)
      %parallel_loop3A_324 = arith.constant 0 : i32
      %parallel_loop3A_325 = arith.constant 512 : i32
      %parallel_loop3A_326 = arith.constant 1 : i32
      scf.for %parallel_loop3A_369 = %parallel_loop3A_324 to %parallel_loop3A_325 step %parallel_loop3A_326  : i32 {
        %parallel_loop3A_370 = arith.constant 16 : i32
        %parallel_loop3A_371 = arith.muli %parallel_loop3A_369, %parallel_loop3A_370 : i32
        %parallel_loop3A_372 = arith.constant 2 : i32
        %parallel_loop3A_373 = arith.index_cast %parallel_loop3A_372 : i32 to index
        %parallel_loop3A_374 = arith.index_cast %parallel_loop3A_371 : i32 to index
        %parallel_loop3A_375 = tpu.vector_load %arg8[%parallel_loop3A_373, %parallel_loop3A_374] {strides = array<i32>} : memref<4x8192xi32, #tpu.memory_space<vmem>>, vector<16xi32>,
        %parallel_loop3A_376 = tpu.vector_load_idx %arg10[%parallel_loop3A_375] : memref<32768xf32, #tpu.memory_space<vmem>>[vector<16xi32>], vector<16xf32>,
        %parallel_loop3A_377 = arith.index_cast %parallel_loop3A_371 : i32 to index
        %parallel_loop3A_378 = tpu.vector_load %arg11[%parallel_loop3A_377] {strides = array<i32>} : memref<8192xf32, #tpu.memory_space<vmem>>, vector<16xf32>,
        tpu.vector_store %arg11[%parallel_loop3A_377], %parallel_loop3A_376 {strides = array<i32>} : memref<8192xf32, #tpu.memory_space<vmem>>, vector<16xf32>,
      } {sc.loop_unroll_factor = 8 : i64, sc.parallel_access}
      %add3A_327 = arith.constant 3 : i32
      %add3A_328 = arith.addi %mul3A_0, %add3A_327 : i32
      %dma_start3A_329 = arith.constant 2 : i32
      %dma_start3A_330 = arith.constant 0 : i32
      %dma_start3A_331 = tpu.memref_slice %arg5[%dma_start3A_329, %add3A_328, %dma_start3A_330] : memref<4x64x8192xf32, #tpu.memory_space<hbm>> -> memref<1x1x8192xf32, #tpu.memory_space<hbm>>
      %dma_start3A_332 = tpu.memref_squeeze %dma_start3A_331 : memref<1x1x8192xf32, #tpu.memory_space<hbm>> -> memref<8192xf32, #tpu.memory_space<hbm>>
      %dma_start3A_333 = arith.constant 0 : i32
      %dma_start3A_334 = tpu.memref_slice %arg5[%dma_start3A_329, %add3A_328, %dma_start3A_333] : memref<4x64x8192xf32, #tpu.memory_space<hbm>> -> memref<1x1x8192xf32, #tpu.memory_space<hbm>>
      %dma_start3A_335 = tpu.memref_squeeze %dma_start3A_334 : memref<1x1x8192xf32, #tpu.memory_space<hbm>> -> memref<8192xf32, #tpu.memory_space<hbm>>
      tpu.enqueue_dma source(%arg11 : memref<8192xf32, #tpu.memory_space<vmem>>) target(%dma_start3A_335 : memref<8192xf32, #tpu.memory_space<hbm>>) target_semaphore(%arg16 : memref<!tpu.dma_semaphore, #tpu.memory_space<semaphore_mem>>)
      %dma_wait3A_336 = arith.constant 1 : i32
      %dma_wait3A_337 = arith.constant 0 : i32
      %dma_wait3A_338 = tpu.memref_slice %arg5[%dma_wait3A_336, %add3A_309, %dma_wait3A_337] : memref<4x64x8192xf32, #tpu.memory_space<hbm>> -> memref<1x1x8192xf32, #tpu.memory_space<hbm>>
      %dma_wait3A_339 = tpu.memref_squeeze %dma_wait3A_338 : memref<1x1x8192xf32, #tpu.memory_space<hbm>> -> memref<8192xf32, #tpu.memory_space<hbm>>
      %dma_wait3A_340 = arith.constant 0 : i32
      %dma_wait3A_341 = tpu.memref_slice %arg5[%dma_wait3A_336, %add3A_309, %dma_wait3A_340] : memref<4x64x8192xf32, #tpu.memory_space<hbm>> -> memref<1x1x8192xf32, #tpu.memory_space<hbm>>
      %dma_wait3A_342 = tpu.memref_squeeze %dma_wait3A_341 : memref<1x1x8192xf32, #tpu.memory_space<hbm>> -> memref<8192xf32, #tpu.memory_space<hbm>>
      tpu.wait_dma2 semaphore(%arg16 : memref<!tpu.dma_semaphore, #tpu.memory_space<semaphore_mem>>) src(%arg12 : memref<8192xf32, #tpu.memory_space<vmem>>) dst(%dma_wait3A_342 : memref<8192xf32, #tpu.memory_space<hbm>>)
      %parallel_loop3A_343 = arith.constant 0 : i32
      %parallel_loop3A_344 = arith.constant 512 : i32
      %parallel_loop3A_345 = arith.constant 1 : i32
      scf.for %parallel_loop3A_369 = %parallel_loop3A_343 to %parallel_loop3A_344 step %parallel_loop3A_345  : i32 {
        %parallel_loop3A_370 = arith.constant 16 : i32
        %parallel_loop3A_371 = arith.muli %parallel_loop3A_369, %parallel_loop3A_370 : i32
        %parallel_loop3A_372 = arith.constant 3 : i32
        %parallel_loop3A_373 = arith.index_cast %parallel_loop3A_372 : i32 to index
        %parallel_loop3A_374 = arith.index_cast %parallel_loop3A_371 : i32 to index
        %parallel_loop3A_375 = tpu.vector_load %arg8[%parallel_loop3A_373, %parallel_loop3A_374] {strides = array<i32>} : memref<4x8192xi32, #tpu.memory_space<vmem>>, vector<16xi32>,
        %parallel_loop3A_376 = tpu.vector_load_idx %arg10[%parallel_loop3A_375] : memref<32768xf32, #tpu.memory_space<vmem>>[vector<16xi32>], vector<16xf32>,
        %parallel_loop3A_377 = arith.index_cast %parallel_loop3A_371 : i32 to index
        %parallel_loop3A_378 = tpu.vector_load %arg12[%parallel_loop3A_377] {strides = array<i32>} : memref<8192xf32, #tpu.memory_space<vmem>>, vector<16xf32>,
        tpu.vector_store %arg12[%parallel_loop3A_377], %parallel_loop3A_376 {strides = array<i32>} : memref<8192xf32, #tpu.memory_space<vmem>>, vector<16xf32>,
      } {sc.loop_unroll_factor = 8 : i64, sc.parallel_access}
      %add3A_346 = arith.constant 3 : i32
      %add3A_347 = arith.addi %mul3A_0, %add3A_346 : i32
      %dma_start3A_348 = arith.constant 3 : i32
      %dma_start3A_349 = arith.constant 0 : i32
      %dma_start3A_350 = tpu.memref_slice %arg5[%dma_start3A_348, %add3A_347, %dma_start3A_349] : memref<4x64x8192xf32, #tpu.memory_space<hbm>> -> memref<1x1x8192xf32, #tpu.memory_space<hbm>>
      %dma_start3A_351 = tpu.memref_squeeze %dma_start3A_350 : memref<1x1x8192xf32, #tpu.memory_space<hbm>> -> memref<8192xf32, #tpu.memory_space<hbm>>
      %dma_start3A_352 = arith.constant 0 : i32
      %dma_start3A_353 = tpu.memref_slice %arg5[%dma_start3A_348, %add3A_347, %dma_start3A_352] : memref<4x64x8192xf32, #tpu.memory_space<hbm>> -> memref<1x1x8192xf32, #tpu.memory_space<hbm>>
      %dma_start3A_354 = tpu.memref_squeeze %dma_start3A_353 : memref<1x1x8192xf32, #tpu.memory_space<hbm>> -> memref<8192xf32, #tpu.memory_space<hbm>>
      tpu.enqueue_dma source(%arg12 : memref<8192xf32, #tpu.memory_space<vmem>>) target(%dma_start3A_354 : memref<8192xf32, #tpu.memory_space<hbm>>) target_semaphore(%arg16 : memref<!tpu.dma_semaphore, #tpu.memory_space<semaphore_mem>>)
      %dma_wait3A_355 = arith.constant 2 : i32
      %dma_wait3A_356 = arith.constant 0 : i32
      %dma_wait3A_357 = tpu.memref_slice %arg5[%dma_wait3A_355, %add3A_328, %dma_wait3A_356] : memref<4x64x8192xf32, #tpu.memory_space<hbm>> -> memref<1x1x8192xf32, #tpu.memory_space<hbm>>
      %dma_wait3A_358 = tpu.memref_squeeze %dma_wait3A_357 : memref<1x1x8192xf32, #tpu.memory_space<hbm>> -> memref<8192xf32, #tpu.memory_space<hbm>>
      %dma_wait3A_359 = arith.constant 0 : i32
      %dma_wait3A_360 = tpu.memref_slice %arg5[%dma_wait3A_355, %add3A_328, %dma_wait3A_359] : memref<4x64x8192xf32, #tpu.memory_space<hbm>> -> memref<1x1x8192xf32, #tpu.memory_space<hbm>>
      %dma_wait3A_361 = tpu.memref_squeeze %dma_wait3A_360 : memref<1x1x8192xf32, #tpu.memory_space<hbm>> -> memref<8192xf32, #tpu.memory_space<hbm>>
      tpu.wait_dma2 semaphore(%arg16 : memref<!tpu.dma_semaphore, #tpu.memory_space<semaphore_mem>>) src(%arg11 : memref<8192xf32, #tpu.memory_space<vmem>>) dst(%dma_wait3A_361 : memref<8192xf32, #tpu.memory_space<hbm>>)
      %dma_wait3A_362 = arith.constant 3 : i32
      %dma_wait3A_363 = arith.constant 0 : i32
      %dma_wait3A_364 = tpu.memref_slice %arg5[%dma_wait3A_362, %add3A_347, %dma_wait3A_363] : memref<4x64x8192xf32, #tpu.memory_space<hbm>> -> memref<1x1x8192xf32, #tpu.memory_space<hbm>>
      %dma_wait3A_365 = tpu.memref_squeeze %dma_wait3A_364 : memref<1x1x8192xf32, #tpu.memory_space<hbm>> -> memref<8192xf32, #tpu.memory_space<hbm>>
      %dma_wait3A_366 = arith.constant 0 : i32
      %dma_wait3A_367 = tpu.memref_slice %arg5[%dma_wait3A_362, %add3A_347, %dma_wait3A_366] : memref<4x64x8192xf32, #tpu.memory_space<hbm>> -> memref<1x1x8192xf32, #tpu.memory_space<hbm>>
      %dma_wait3A_368 = tpu.memref_squeeze %dma_wait3A_367 : memref<1x1x8192xf32, #tpu.memory_space<hbm>> -> memref<8192xf32, #tpu.memory_space<hbm>>
      tpu.wait_dma2 semaphore(%arg16 : memref<!tpu.dma_semaphore, #tpu.memory_space<semaphore_mem>>) src(%arg12 : memref<8192xf32, #tpu.memory_space<vmem>>) dst(%dma_wait3A_368 : memref<8192xf32, #tpu.memory_space<hbm>>)
    } else {
    }
    %eq3A_3 = arith.constant 1 : i32
    %eq3A_4 = arith.cmpi eq, %arg0, %eq3A_3 : i32
    %convert_element_type3A_5 = arith.extui %eq3A_4 : i1 to i32
    %cond3A_6 = arith.constant 0 : i32
    %cond3A_7 = arith.cmpi ne, %convert_element_type3A_5, %cond3A_6 : i32
    scf.if %cond3A_7 {
      %add3A = arith.constant 0 : i32
      %add3A_8 = arith.addi %mul3A_0, %add3A : i32
      %dma_start3A = arith.constant 0 : i32
      %dma_start3A_9 = tpu.memref_slice %arg4[%add3A_8, %dma_start3A] : memref<64x32768xf32, #tpu.memory_space<hbm>> -> memref<1x32768xf32, #tpu.memory_space<hbm>>
      %dma_start3A_10 = tpu.memref_squeeze %dma_start3A_9 : memref<1x32768xf32, #tpu.memory_space<hbm>> -> memref<32768xf32, #tpu.memory_space<hbm>>
      %dma_start3A_11 = arith.constant 0 : i32
      %dma_start3A_12 = tpu.memref_slice %arg4[%add3A_8, %dma_start3A_11] : memref<64x32768xf32, #tpu.memory_space<hbm>> -> memref<1x32768xf32, #tpu.memory_space<hbm>>
      %dma_start3A_13 = tpu.memref_squeeze %dma_start3A_12 : memref<1x32768xf32, #tpu.memory_space<hbm>> -> memref<32768xf32, #tpu.memory_space<hbm>>
      tpu.enqueue_dma source(%dma_start3A_13 : memref<32768xf32, #tpu.memory_space<hbm>>) target(%arg9 : memref<32768xf32, #tpu.memory_space<vmem>>) target_semaphore(%arg14 : memref<!tpu.dma_semaphore, #tpu.memory_space<semaphore_mem>>)
      %eq3A_14 = arith.constant 0 : i32
      %eq3A_15 = arith.cmpi eq, %arg1, %eq3A_14 : i32
      %convert_element_type3A_16 = arith.extui %eq3A_15 : i1 to i32
      %cond3A_17 = arith.constant 0 : i32
      %cond3A_18 = arith.cmpi ne, %convert_element_type3A_16, %cond3A_17 : i32
      scf.if %cond3A_18 {
        "tpu.region"() ({
          %run_scoped3A = tpu.sem_alloc : memref<!tpu.dma_semaphore, #tpu.memory_space<semaphore_mem>>
          tpu.enqueue_dma source(%arg2 : memref<4x8192xi32, #tpu.memory_space<hbm>>) target(%arg7 : memref<4x8192xi32, #tpu.memory_space<vmem_shared>>) target_semaphore(%run_scoped3A : memref<!tpu.dma_semaphore, #tpu.memory_space<semaphore_mem>>)
          tpu.wait_dma2 semaphore(%run_scoped3A : memref<!tpu.dma_semaphore, #tpu.memory_space<semaphore_mem>>) src(%arg2 : memref<4x8192xi32, #tpu.memory_space<hbm>>) dst(%arg7 : memref<4x8192xi32, #tpu.memory_space<vmem_shared>>)
          tpu.yield
        }) : () -> ()
      } else {
      }
      %barrier3A = arith.constant 0 : index
      tpu.barrier barrier_id(%barrier3A)
      tpu.enqueue_dma source(%arg7 : memref<4x8192xi32, #tpu.memory_space<vmem_shared>>) target(%arg8 : memref<4x8192xi32, #tpu.memory_space<vmem>>) target_semaphore(%arg13 : memref<!tpu.dma_semaphore, #tpu.memory_space<semaphore_mem>>)
      tpu.wait_dma2 semaphore(%arg13 : memref<!tpu.dma_semaphore, #tpu.memory_space<semaphore_mem>>) src(%arg7 : memref<4x8192xi32, #tpu.memory_space<vmem_shared>>) dst(%arg8 : memref<4x8192xi32, #tpu.memory_space<vmem>>)
      %add3A_19 = arith.constant 1 : i32
      %add3A_20 = arith.addi %mul3A_0, %add3A_19 : i32
      %dma_start3A_21 = arith.constant 0 : i32
      %dma_start3A_22 = tpu.memref_slice %arg4[%add3A_20, %dma_start3A_21] : memref<64x32768xf32, #tpu.memory_space<hbm>> -> memref<1x32768xf32, #tpu.memory_space<hbm>>
      %dma_start3A_23 = tpu.memref_squeeze %dma_start3A_22 : memref<1x32768xf32, #tpu.memory_space<hbm>> -> memref<32768xf32, #tpu.memory_space<hbm>>
      %dma_start3A_24 = arith.constant 0 : i32
      %dma_start3A_25 = tpu.memref_slice %arg4[%add3A_20, %dma_start3A_24] : memref<64x32768xf32, #tpu.memory_space<hbm>> -> memref<1x32768xf32, #tpu.memory_space<hbm>>
      %dma_start3A_26 = tpu.memref_squeeze %dma_start3A_25 : memref<1x32768xf32, #tpu.memory_space<hbm>> -> memref<32768xf32, #tpu.memory_space<hbm>>
      tpu.enqueue_dma source(%dma_start3A_26 : memref<32768xf32, #tpu.memory_space<hbm>>) target(%arg10 : memref<32768xf32, #tpu.memory_space<vmem>>) target_semaphore(%arg15 : memref<!tpu.dma_semaphore, #tpu.memory_space<semaphore_mem>>)
      %dma_wait3A = arith.constant 0 : i32
      %dma_wait3A_27 = tpu.memref_slice %arg4[%add3A_8, %dma_wait3A] : memref<64x32768xf32, #tpu.memory_space<hbm>> -> memref<1x32768xf32, #tpu.memory_space<hbm>>
      %dma_wait3A_28 = tpu.memref_squeeze %dma_wait3A_27 : memref<1x32768xf32, #tpu.memory_space<hbm>> -> memref<32768xf32, #tpu.memory_space<hbm>>
      %dma_wait3A_29 = arith.constant 0 : i32
      %dma_wait3A_30 = tpu.memref_slice %arg4[%add3A_8, %dma_wait3A_29] : memref<64x32768xf32, #tpu.memory_space<hbm>> -> memref<1x32768xf32, #tpu.memory_space<hbm>>
      %dma_wait3A_31 = tpu.memref_squeeze %dma_wait3A_30 : memref<1x32768xf32, #tpu.memory_space<hbm>> -> memref<32768xf32, #tpu.memory_space<hbm>>
      tpu.wait_dma2 semaphore(%arg14 : memref<!tpu.dma_semaphore, #tpu.memory_space<semaphore_mem>>) src(%dma_wait3A_31 : memref<32768xf32, #tpu.memory_space<hbm>>) dst(%arg9 : memref<32768xf32, #tpu.memory_space<vmem>>)
      %parallel_loop3A = arith.constant 0 : i32
      %parallel_loop3A_32 = arith.constant 512 : i32
      %parallel_loop3A_33 = arith.constant 1 : i32
      scf.for %parallel_loop3A_369 = %parallel_loop3A to %parallel_loop3A_32 step %parallel_loop3A_33  : i32 {
        %parallel_loop3A_370 = arith.constant 16 : i32
        %parallel_loop3A_371 = arith.muli %parallel_loop3A_369, %parallel_loop3A_370 : i32
        %parallel_loop3A_372 = arith.constant 0 : i32
        %parallel_loop3A_373 = arith.index_cast %parallel_loop3A_372 : i32 to index
        %parallel_loop3A_374 = arith.index_cast %parallel_loop3A_371 : i32 to index
        %parallel_loop3A_375 = tpu.vector_load %arg8[%parallel_loop3A_373, %parallel_loop3A_374] {strides = array<i32>} : memref<4x8192xi32, #tpu.memory_space<vmem>>, vector<16xi32>,
        %parallel_loop3A_376 = tpu.vector_load_idx %arg9[%parallel_loop3A_375] : memref<32768xf32, #tpu.memory_space<vmem>>[vector<16xi32>], vector<16xf32>,
        %parallel_loop3A_377 = arith.index_cast %parallel_loop3A_371 : i32 to index
        %parallel_loop3A_378 = tpu.vector_load %arg11[%parallel_loop3A_377] {strides = array<i32>} : memref<8192xf32, #tpu.memory_space<vmem>>, vector<16xf32>,
        tpu.vector_store %arg11[%parallel_loop3A_377], %parallel_loop3A_376 {strides = array<i32>} : memref<8192xf32, #tpu.memory_space<vmem>>, vector<16xf32>,
      } {sc.loop_unroll_factor = 8 : i64, sc.parallel_access}
      %add3A_34 = arith.constant 0 : i32
      %add3A_35 = arith.addi %mul3A_0, %add3A_34 : i32
      %dma_start3A_36 = arith.constant 0 : i32
      %dma_start3A_37 = arith.constant 0 : i32
      %dma_start3A_38 = tpu.memref_slice %arg6[%dma_start3A_36, %add3A_35, %dma_start3A_37] : memref<4x64x8192xf32, #tpu.memory_space<hbm>> -> memref<1x1x8192xf32, #tpu.memory_space<hbm>>
      %dma_start3A_39 = tpu.memref_squeeze %dma_start3A_38 : memref<1x1x8192xf32, #tpu.memory_space<hbm>> -> memref<8192xf32, #tpu.memory_space<hbm>>
      %dma_start3A_40 = arith.constant 0 : i32
      %dma_start3A_41 = tpu.memref_slice %arg6[%dma_start3A_36, %add3A_35, %dma_start3A_40] : memref<4x64x8192xf32, #tpu.memory_space<hbm>> -> memref<1x1x8192xf32, #tpu.memory_space<hbm>>
      %dma_start3A_42 = tpu.memref_squeeze %dma_start3A_41 : memref<1x1x8192xf32, #tpu.memory_space<hbm>> -> memref<8192xf32, #tpu.memory_space<hbm>>
      tpu.enqueue_dma source(%arg11 : memref<8192xf32, #tpu.memory_space<vmem>>) target(%dma_start3A_42 : memref<8192xf32, #tpu.memory_space<hbm>>) target_semaphore(%arg16 : memref<!tpu.dma_semaphore, #tpu.memory_space<semaphore_mem>>)
      %parallel_loop3A_43 = arith.constant 0 : i32
      %parallel_loop3A_44 = arith.constant 512 : i32
      %parallel_loop3A_45 = arith.constant 1 : i32
      scf.for %parallel_loop3A_369 = %parallel_loop3A_43 to %parallel_loop3A_44 step %parallel_loop3A_45  : i32 {
        %parallel_loop3A_370 = arith.constant 16 : i32
        %parallel_loop3A_371 = arith.muli %parallel_loop3A_369, %parallel_loop3A_370 : i32
        %parallel_loop3A_372 = arith.constant 1 : i32
        %parallel_loop3A_373 = arith.index_cast %parallel_loop3A_372 : i32 to index
        %parallel_loop3A_374 = arith.index_cast %parallel_loop3A_371 : i32 to index
        %parallel_loop3A_375 = tpu.vector_load %arg8[%parallel_loop3A_373, %parallel_loop3A_374] {strides = array<i32>} : memref<4x8192xi32, #tpu.memory_space<vmem>>, vector<16xi32>,
        %parallel_loop3A_376 = tpu.vector_load_idx %arg9[%parallel_loop3A_375] : memref<32768xf32, #tpu.memory_space<vmem>>[vector<16xi32>], vector<16xf32>,
        %parallel_loop3A_377 = arith.index_cast %parallel_loop3A_371 : i32 to index
        %parallel_loop3A_378 = tpu.vector_load %arg12[%parallel_loop3A_377] {strides = array<i32>} : memref<8192xf32, #tpu.memory_space<vmem>>, vector<16xf32>,
        tpu.vector_store %arg12[%parallel_loop3A_377], %parallel_loop3A_376 {strides = array<i32>} : memref<8192xf32, #tpu.memory_space<vmem>>, vector<16xf32>,
      } {sc.loop_unroll_factor = 8 : i64, sc.parallel_access}
      %add3A_46 = arith.constant 0 : i32
      %add3A_47 = arith.addi %mul3A_0, %add3A_46 : i32
      %dma_start3A_48 = arith.constant 1 : i32
      %dma_start3A_49 = arith.constant 0 : i32
      %dma_start3A_50 = tpu.memref_slice %arg6[%dma_start3A_48, %add3A_47, %dma_start3A_49] : memref<4x64x8192xf32, #tpu.memory_space<hbm>> -> memref<1x1x8192xf32, #tpu.memory_space<hbm>>
      %dma_start3A_51 = tpu.memref_squeeze %dma_start3A_50 : memref<1x1x8192xf32, #tpu.memory_space<hbm>> -> memref<8192xf32, #tpu.memory_space<hbm>>
      %dma_start3A_52 = arith.constant 0 : i32
      %dma_start3A_53 = tpu.memref_slice %arg6[%dma_start3A_48, %add3A_47, %dma_start3A_52] : memref<4x64x8192xf32, #tpu.memory_space<hbm>> -> memref<1x1x8192xf32, #tpu.memory_space<hbm>>
      %dma_start3A_54 = tpu.memref_squeeze %dma_start3A_53 : memref<1x1x8192xf32, #tpu.memory_space<hbm>> -> memref<8192xf32, #tpu.memory_space<hbm>>
      tpu.enqueue_dma source(%arg12 : memref<8192xf32, #tpu.memory_space<vmem>>) target(%dma_start3A_54 : memref<8192xf32, #tpu.memory_space<hbm>>) target_semaphore(%arg16 : memref<!tpu.dma_semaphore, #tpu.memory_space<semaphore_mem>>)
      %dma_wait3A_55 = arith.constant 0 : i32
      %dma_wait3A_56 = arith.constant 0 : i32
      %dma_wait3A_57 = tpu.memref_slice %arg6[%dma_wait3A_55, %add3A_35, %dma_wait3A_56] : memref<4x64x8192xf32, #tpu.memory_space<hbm>> -> memref<1x1x8192xf32, #tpu.memory_space<hbm>>
      %dma_wait3A_58 = tpu.memref_squeeze %dma_wait3A_57 : memref<1x1x8192xf32, #tpu.memory_space<hbm>> -> memref<8192xf32, #tpu.memory_space<hbm>>
      %dma_wait3A_59 = arith.constant 0 : i32
      %dma_wait3A_60 = tpu.memref_slice %arg6[%dma_wait3A_55, %add3A_35, %dma_wait3A_59] : memref<4x64x8192xf32, #tpu.memory_space<hbm>> -> memref<1x1x8192xf32, #tpu.memory_space<hbm>>
      %dma_wait3A_61 = tpu.memref_squeeze %dma_wait3A_60 : memref<1x1x8192xf32, #tpu.memory_space<hbm>> -> memref<8192xf32, #tpu.memory_space<hbm>>
      tpu.wait_dma2 semaphore(%arg16 : memref<!tpu.dma_semaphore, #tpu.memory_space<semaphore_mem>>) src(%arg11 : memref<8192xf32, #tpu.memory_space<vmem>>) dst(%dma_wait3A_61 : memref<8192xf32, #tpu.memory_space<hbm>>)
      %parallel_loop3A_62 = arith.constant 0 : i32
      %parallel_loop3A_63 = arith.constant 512 : i32
      %parallel_loop3A_64 = arith.constant 1 : i32
      scf.for %parallel_loop3A_369 = %parallel_loop3A_62 to %parallel_loop3A_63 step %parallel_loop3A_64  : i32 {
        %parallel_loop3A_370 = arith.constant 16 : i32
        %parallel_loop3A_371 = arith.muli %parallel_loop3A_369, %parallel_loop3A_370 : i32
        %parallel_loop3A_372 = arith.constant 2 : i32
        %parallel_loop3A_373 = arith.index_cast %parallel_loop3A_372 : i32 to index
        %parallel_loop3A_374 = arith.index_cast %parallel_loop3A_371 : i32 to index
        %parallel_loop3A_375 = tpu.vector_load %arg8[%parallel_loop3A_373, %parallel_loop3A_374] {strides = array<i32>} : memref<4x8192xi32, #tpu.memory_space<vmem>>, vector<16xi32>,
        %parallel_loop3A_376 = tpu.vector_load_idx %arg9[%parallel_loop3A_375] : memref<32768xf32, #tpu.memory_space<vmem>>[vector<16xi32>], vector<16xf32>,
        %parallel_loop3A_377 = arith.index_cast %parallel_loop3A_371 : i32 to index
        %parallel_loop3A_378 = tpu.vector_load %arg11[%parallel_loop3A_377] {strides = array<i32>} : memref<8192xf32, #tpu.memory_space<vmem>>, vector<16xf32>,
        tpu.vector_store %arg11[%parallel_loop3A_377], %parallel_loop3A_376 {strides = array<i32>} : memref<8192xf32, #tpu.memory_space<vmem>>, vector<16xf32>,
      } {sc.loop_unroll_factor = 8 : i64, sc.parallel_access}
      %add3A_65 = arith.constant 0 : i32
      %add3A_66 = arith.addi %mul3A_0, %add3A_65 : i32
      %dma_start3A_67 = arith.constant 2 : i32
      %dma_start3A_68 = arith.constant 0 : i32
      %dma_start3A_69 = tpu.memref_slice %arg6[%dma_start3A_67, %add3A_66, %dma_start3A_68] : memref<4x64x8192xf32, #tpu.memory_space<hbm>> -> memref<1x1x8192xf32, #tpu.memory_space<hbm>>
      %dma_start3A_70 = tpu.memref_squeeze %dma_start3A_69 : memref<1x1x8192xf32, #tpu.memory_space<hbm>> -> memref<8192xf32, #tpu.memory_space<hbm>>
      %dma_start3A_71 = arith.constant 0 : i32
      %dma_start3A_72 = tpu.memref_slice %arg6[%dma_start3A_67, %add3A_66, %dma_start3A_71] : memref<4x64x8192xf32, #tpu.memory_space<hbm>> -> memref<1x1x8192xf32, #tpu.memory_space<hbm>>
      %dma_start3A_73 = tpu.memref_squeeze %dma_start3A_72 : memref<1x1x8192xf32, #tpu.memory_space<hbm>> -> memref<8192xf32, #tpu.memory_space<hbm>>
      tpu.enqueue_dma source(%arg11 : memref<8192xf32, #tpu.memory_space<vmem>>) target(%dma_start3A_73 : memref<8192xf32, #tpu.memory_space<hbm>>) target_semaphore(%arg16 : memref<!tpu.dma_semaphore, #tpu.memory_space<semaphore_mem>>)
      %dma_wait3A_74 = arith.constant 1 : i32
      %dma_wait3A_75 = arith.constant 0 : i32
      %dma_wait3A_76 = tpu.memref_slice %arg6[%dma_wait3A_74, %add3A_47, %dma_wait3A_75] : memref<4x64x8192xf32, #tpu.memory_space<hbm>> -> memref<1x1x8192xf32, #tpu.memory_space<hbm>>
      %dma_wait3A_77 = tpu.memref_squeeze %dma_wait3A_76 : memref<1x1x8192xf32, #tpu.memory_space<hbm>> -> memref<8192xf32, #tpu.memory_space<hbm>>
      %dma_wait3A_78 = arith.constant 0 : i32
      %dma_wait3A_79 = tpu.memref_slice %arg6[%dma_wait3A_74, %add3A_47, %dma_wait3A_78] : memref<4x64x8192xf32, #tpu.memory_space<hbm>> -> memref<1x1x8192xf32, #tpu.memory_space<hbm>>
      %dma_wait3A_80 = tpu.memref_squeeze %dma_wait3A_79 : memref<1x1x8192xf32, #tpu.memory_space<hbm>> -> memref<8192xf32, #tpu.memory_space<hbm>>
      tpu.wait_dma2 semaphore(%arg16 : memref<!tpu.dma_semaphore, #tpu.memory_space<semaphore_mem>>) src(%arg12 : memref<8192xf32, #tpu.memory_space<vmem>>) dst(%dma_wait3A_80 : memref<8192xf32, #tpu.memory_space<hbm>>)
      %parallel_loop3A_81 = arith.constant 0 : i32
      %parallel_loop3A_82 = arith.constant 512 : i32
      %parallel_loop3A_83 = arith.constant 1 : i32
      scf.for %parallel_loop3A_369 = %parallel_loop3A_81 to %parallel_loop3A_82 step %parallel_loop3A_83  : i32 {
        %parallel_loop3A_370 = arith.constant 16 : i32
        %parallel_loop3A_371 = arith.muli %parallel_loop3A_369, %parallel_loop3A_370 : i32
        %parallel_loop3A_372 = arith.constant 3 : i32
        %parallel_loop3A_373 = arith.index_cast %parallel_loop3A_372 : i32 to index
        %parallel_loop3A_374 = arith.index_cast %parallel_loop3A_371 : i32 to index
        %parallel_loop3A_375 = tpu.vector_load %arg8[%parallel_loop3A_373, %parallel_loop3A_374] {strides = array<i32>} : memref<4x8192xi32, #tpu.memory_space<vmem>>, vector<16xi32>,
        %parallel_loop3A_376 = tpu.vector_load_idx %arg9[%parallel_loop3A_375] : memref<32768xf32, #tpu.memory_space<vmem>>[vector<16xi32>], vector<16xf32>,
        %parallel_loop3A_377 = arith.index_cast %parallel_loop3A_371 : i32 to index
        %parallel_loop3A_378 = tpu.vector_load %arg12[%parallel_loop3A_377] {strides = array<i32>} : memref<8192xf32, #tpu.memory_space<vmem>>, vector<16xf32>,
        tpu.vector_store %arg12[%parallel_loop3A_377], %parallel_loop3A_376 {strides = array<i32>} : memref<8192xf32, #tpu.memory_space<vmem>>, vector<16xf32>,
      } {sc.loop_unroll_factor = 8 : i64, sc.parallel_access}
      %add3A_84 = arith.constant 0 : i32
      %add3A_85 = arith.addi %mul3A_0, %add3A_84 : i32
      %dma_start3A_86 = arith.constant 3 : i32
      %dma_start3A_87 = arith.constant 0 : i32
      %dma_start3A_88 = tpu.memref_slice %arg6[%dma_start3A_86, %add3A_85, %dma_start3A_87] : memref<4x64x8192xf32, #tpu.memory_space<hbm>> -> memref<1x1x8192xf32, #tpu.memory_space<hbm>>
      %dma_start3A_89 = tpu.memref_squeeze %dma_start3A_88 : memref<1x1x8192xf32, #tpu.memory_space<hbm>> -> memref<8192xf32, #tpu.memory_space<hbm>>
      %dma_start3A_90 = arith.constant 0 : i32
      %dma_start3A_91 = tpu.memref_slice %arg6[%dma_start3A_86, %add3A_85, %dma_start3A_90] : memref<4x64x8192xf32, #tpu.memory_space<hbm>> -> memref<1x1x8192xf32, #tpu.memory_space<hbm>>
      %dma_start3A_92 = tpu.memref_squeeze %dma_start3A_91 : memref<1x1x8192xf32, #tpu.memory_space<hbm>> -> memref<8192xf32, #tpu.memory_space<hbm>>
      tpu.enqueue_dma source(%arg12 : memref<8192xf32, #tpu.memory_space<vmem>>) target(%dma_start3A_92 : memref<8192xf32, #tpu.memory_space<hbm>>) target_semaphore(%arg16 : memref<!tpu.dma_semaphore, #tpu.memory_space<semaphore_mem>>)
      %add3A_93 = arith.constant 2 : i32
      %add3A_94 = arith.addi %mul3A_0, %add3A_93 : i32
      %dma_start3A_95 = arith.constant 0 : i32
      %dma_start3A_96 = tpu.memref_slice %arg4[%add3A_94, %dma_start3A_95] : memref<64x32768xf32, #tpu.memory_space<hbm>> -> memref<1x32768xf32, #tpu.memory_space<hbm>>
      %dma_start3A_97 = tpu.memref_squeeze %dma_start3A_96 : memref<1x32768xf32, #tpu.memory_space<hbm>> -> memref<32768xf32, #tpu.memory_space<hbm>>
      %dma_start3A_98 = arith.constant 0 : i32
      %dma_start3A_99 = tpu.memref_slice %arg4[%add3A_94, %dma_start3A_98] : memref<64x32768xf32, #tpu.memory_space<hbm>> -> memref<1x32768xf32, #tpu.memory_space<hbm>>
      %dma_start3A_100 = tpu.memref_squeeze %dma_start3A_99 : memref<1x32768xf32, #tpu.memory_space<hbm>> -> memref<32768xf32, #tpu.memory_space<hbm>>
      tpu.enqueue_dma source(%dma_start3A_100 : memref<32768xf32, #tpu.memory_space<hbm>>) target(%arg9 : memref<32768xf32, #tpu.memory_space<vmem>>) target_semaphore(%arg14 : memref<!tpu.dma_semaphore, #tpu.memory_space<semaphore_mem>>)
      %dma_wait3A_101 = arith.constant 0 : i32
      %dma_wait3A_102 = tpu.memref_slice %arg4[%add3A_20, %dma_wait3A_101] : memref<64x32768xf32, #tpu.memory_space<hbm>> -> memref<1x32768xf32, #tpu.memory_space<hbm>>
      %dma_wait3A_103 = tpu.memref_squeeze %dma_wait3A_102 : memref<1x32768xf32, #tpu.memory_space<hbm>> -> memref<32768xf32, #tpu.memory_space<hbm>>
      %dma_wait3A_104 = arith.constant 0 : i32
      %dma_wait3A_105 = tpu.memref_slice %arg4[%add3A_20, %dma_wait3A_104] : memref<64x32768xf32, #tpu.memory_space<hbm>> -> memref<1x32768xf32, #tpu.memory_space<hbm>>
      %dma_wait3A_106 = tpu.memref_squeeze %dma_wait3A_105 : memref<1x32768xf32, #tpu.memory_space<hbm>> -> memref<32768xf32, #tpu.memory_space<hbm>>
      tpu.wait_dma2 semaphore(%arg15 : memref<!tpu.dma_semaphore, #tpu.memory_space<semaphore_mem>>) src(%dma_wait3A_106 : memref<32768xf32, #tpu.memory_space<hbm>>) dst(%arg10 : memref<32768xf32, #tpu.memory_space<vmem>>)
      %dma_wait3A_107 = arith.constant 2 : i32
      %dma_wait3A_108 = arith.constant 0 : i32
      %dma_wait3A_109 = tpu.memref_slice %arg6[%dma_wait3A_107, %add3A_66, %dma_wait3A_108] : memref<4x64x8192xf32, #tpu.memory_space<hbm>> -> memref<1x1x8192xf32, #tpu.memory_space<hbm>>
      %dma_wait3A_110 = tpu.memref_squeeze %dma_wait3A_109 : memref<1x1x8192xf32, #tpu.memory_space<hbm>> -> memref<8192xf32, #tpu.memory_space<hbm>>
      %dma_wait3A_111 = arith.constant 0 : i32
      %dma_wait3A_112 = tpu.memref_slice %arg6[%dma_wait3A_107, %add3A_66, %dma_wait3A_111] : memref<4x64x8192xf32, #tpu.memory_space<hbm>> -> memref<1x1x8192xf32, #tpu.memory_space<hbm>>
      %dma_wait3A_113 = tpu.memref_squeeze %dma_wait3A_112 : memref<1x1x8192xf32, #tpu.memory_space<hbm>> -> memref<8192xf32, #tpu.memory_space<hbm>>
      tpu.wait_dma2 semaphore(%arg16 : memref<!tpu.dma_semaphore, #tpu.memory_space<semaphore_mem>>) src(%arg11 : memref<8192xf32, #tpu.memory_space<vmem>>) dst(%dma_wait3A_113 : memref<8192xf32, #tpu.memory_space<hbm>>)
      %parallel_loop3A_114 = arith.constant 0 : i32
      %parallel_loop3A_115 = arith.constant 512 : i32
      %parallel_loop3A_116 = arith.constant 1 : i32
      scf.for %parallel_loop3A_369 = %parallel_loop3A_114 to %parallel_loop3A_115 step %parallel_loop3A_116  : i32 {
        %parallel_loop3A_370 = arith.constant 16 : i32
        %parallel_loop3A_371 = arith.muli %parallel_loop3A_369, %parallel_loop3A_370 : i32
        %parallel_loop3A_372 = arith.constant 0 : i32
        %parallel_loop3A_373 = arith.index_cast %parallel_loop3A_372 : i32 to index
        %parallel_loop3A_374 = arith.index_cast %parallel_loop3A_371 : i32 to index
        %parallel_loop3A_375 = tpu.vector_load %arg8[%parallel_loop3A_373, %parallel_loop3A_374] {strides = array<i32>} : memref<4x8192xi32, #tpu.memory_space<vmem>>, vector<16xi32>,
        %parallel_loop3A_376 = tpu.vector_load_idx %arg10[%parallel_loop3A_375] : memref<32768xf32, #tpu.memory_space<vmem>>[vector<16xi32>], vector<16xf32>,
        %parallel_loop3A_377 = arith.index_cast %parallel_loop3A_371 : i32 to index
        %parallel_loop3A_378 = tpu.vector_load %arg11[%parallel_loop3A_377] {strides = array<i32>} : memref<8192xf32, #tpu.memory_space<vmem>>, vector<16xf32>,
        tpu.vector_store %arg11[%parallel_loop3A_377], %parallel_loop3A_376 {strides = array<i32>} : memref<8192xf32, #tpu.memory_space<vmem>>, vector<16xf32>,
      } {sc.loop_unroll_factor = 8 : i64, sc.parallel_access}
      %add3A_117 = arith.constant 1 : i32
      %add3A_118 = arith.addi %mul3A_0, %add3A_117 : i32
      %dma_start3A_119 = arith.constant 0 : i32
      %dma_start3A_120 = arith.constant 0 : i32
      %dma_start3A_121 = tpu.memref_slice %arg6[%dma_start3A_119, %add3A_118, %dma_start3A_120] : memref<4x64x8192xf32, #tpu.memory_space<hbm>> -> memref<1x1x8192xf32, #tpu.memory_space<hbm>>
      %dma_start3A_122 = tpu.memref_squeeze %dma_start3A_121 : memref<1x1x8192xf32, #tpu.memory_space<hbm>> -> memref<8192xf32, #tpu.memory_space<hbm>>
      %dma_start3A_123 = arith.constant 0 : i32
      %dma_start3A_124 = tpu.memref_slice %arg6[%dma_start3A_119, %add3A_118, %dma_start3A_123] : memref<4x64x8192xf32, #tpu.memory_space<hbm>> -> memref<1x1x8192xf32, #tpu.memory_space<hbm>>
      %dma_start3A_125 = tpu.memref_squeeze %dma_start3A_124 : memref<1x1x8192xf32, #tpu.memory_space<hbm>> -> memref<8192xf32, #tpu.memory_space<hbm>>
      tpu.enqueue_dma source(%arg11 : memref<8192xf32, #tpu.memory_space<vmem>>) target(%dma_start3A_125 : memref<8192xf32, #tpu.memory_space<hbm>>) target_semaphore(%arg16 : memref<!tpu.dma_semaphore, #tpu.memory_space<semaphore_mem>>)
      %dma_wait3A_126 = arith.constant 3 : i32
      %dma_wait3A_127 = arith.constant 0 : i32
      %dma_wait3A_128 = tpu.memref_slice %arg6[%dma_wait3A_126, %add3A_85, %dma_wait3A_127] : memref<4x64x8192xf32, #tpu.memory_space<hbm>> -> memref<1x1x8192xf32, #tpu.memory_space<hbm>>
      %dma_wait3A_129 = tpu.memref_squeeze %dma_wait3A_128 : memref<1x1x8192xf32, #tpu.memory_space<hbm>> -> memref<8192xf32, #tpu.memory_space<hbm>>
      %dma_wait3A_130 = arith.constant 0 : i32
      %dma_wait3A_131 = tpu.memref_slice %arg6[%dma_wait3A_126, %add3A_85, %dma_wait3A_130] : memref<4x64x8192xf32, #tpu.memory_space<hbm>> -> memref<1x1x8192xf32, #tpu.memory_space<hbm>>
      %dma_wait3A_132 = tpu.memref_squeeze %dma_wait3A_131 : memref<1x1x8192xf32, #tpu.memory_space<hbm>> -> memref<8192xf32, #tpu.memory_space<hbm>>
      tpu.wait_dma2 semaphore(%arg16 : memref<!tpu.dma_semaphore, #tpu.memory_space<semaphore_mem>>) src(%arg12 : memref<8192xf32, #tpu.memory_space<vmem>>) dst(%dma_wait3A_132 : memref<8192xf32, #tpu.memory_space<hbm>>)
      %parallel_loop3A_133 = arith.constant 0 : i32
      %parallel_loop3A_134 = arith.constant 512 : i32
      %parallel_loop3A_135 = arith.constant 1 : i32
      scf.for %parallel_loop3A_369 = %parallel_loop3A_133 to %parallel_loop3A_134 step %parallel_loop3A_135  : i32 {
        %parallel_loop3A_370 = arith.constant 16 : i32
        %parallel_loop3A_371 = arith.muli %parallel_loop3A_369, %parallel_loop3A_370 : i32
        %parallel_loop3A_372 = arith.constant 1 : i32
        %parallel_loop3A_373 = arith.index_cast %parallel_loop3A_372 : i32 to index
        %parallel_loop3A_374 = arith.index_cast %parallel_loop3A_371 : i32 to index
        %parallel_loop3A_375 = tpu.vector_load %arg8[%parallel_loop3A_373, %parallel_loop3A_374] {strides = array<i32>} : memref<4x8192xi32, #tpu.memory_space<vmem>>, vector<16xi32>,
        %parallel_loop3A_376 = tpu.vector_load_idx %arg10[%parallel_loop3A_375] : memref<32768xf32, #tpu.memory_space<vmem>>[vector<16xi32>], vector<16xf32>,
        %parallel_loop3A_377 = arith.index_cast %parallel_loop3A_371 : i32 to index
        %parallel_loop3A_378 = tpu.vector_load %arg12[%parallel_loop3A_377] {strides = array<i32>} : memref<8192xf32, #tpu.memory_space<vmem>>, vector<16xf32>,
        tpu.vector_store %arg12[%parallel_loop3A_377], %parallel_loop3A_376 {strides = array<i32>} : memref<8192xf32, #tpu.memory_space<vmem>>, vector<16xf32>,
      } {sc.loop_unroll_factor = 8 : i64, sc.parallel_access}
      %add3A_136 = arith.constant 1 : i32
      %add3A_137 = arith.addi %mul3A_0, %add3A_136 : i32
      %dma_start3A_138 = arith.constant 1 : i32
      %dma_start3A_139 = arith.constant 0 : i32
      %dma_start3A_140 = tpu.memref_slice %arg6[%dma_start3A_138, %add3A_137, %dma_start3A_139] : memref<4x64x8192xf32, #tpu.memory_space<hbm>> -> memref<1x1x8192xf32, #tpu.memory_space<hbm>>
      %dma_start3A_141 = tpu.memref_squeeze %dma_start3A_140 : memref<1x1x8192xf32, #tpu.memory_space<hbm>> -> memref<8192xf32, #tpu.memory_space<hbm>>
      %dma_start3A_142 = arith.constant 0 : i32
      %dma_start3A_143 = tpu.memref_slice %arg6[%dma_start3A_138, %add3A_137, %dma_start3A_142] : memref<4x64x8192xf32, #tpu.memory_space<hbm>> -> memref<1x1x8192xf32, #tpu.memory_space<hbm>>
      %dma_start3A_144 = tpu.memref_squeeze %dma_start3A_143 : memref<1x1x8192xf32, #tpu.memory_space<hbm>> -> memref<8192xf32, #tpu.memory_space<hbm>>
      tpu.enqueue_dma source(%arg12 : memref<8192xf32, #tpu.memory_space<vmem>>) target(%dma_start3A_144 : memref<8192xf32, #tpu.memory_space<hbm>>) target_semaphore(%arg16 : memref<!tpu.dma_semaphore, #tpu.memory_space<semaphore_mem>>)
      %dma_wait3A_145 = arith.constant 0 : i32
      %dma_wait3A_146 = arith.constant 0 : i32
      %dma_wait3A_147 = tpu.memref_slice %arg6[%dma_wait3A_145, %add3A_118, %dma_wait3A_146] : memref<4x64x8192xf32, #tpu.memory_space<hbm>> -> memref<1x1x8192xf32, #tpu.memory_space<hbm>>
      %dma_wait3A_148 = tpu.memref_squeeze %dma_wait3A_147 : memref<1x1x8192xf32, #tpu.memory_space<hbm>> -> memref<8192xf32, #tpu.memory_space<hbm>>
      %dma_wait3A_149 = arith.constant 0 : i32
      %dma_wait3A_150 = tpu.memref_slice %arg6[%dma_wait3A_145, %add3A_118, %dma_wait3A_149] : memref<4x64x8192xf32, #tpu.memory_space<hbm>> -> memref<1x1x8192xf32, #tpu.memory_space<hbm>>
      %dma_wait3A_151 = tpu.memref_squeeze %dma_wait3A_150 : memref<1x1x8192xf32, #tpu.memory_space<hbm>> -> memref<8192xf32, #tpu.memory_space<hbm>>
      tpu.wait_dma2 semaphore(%arg16 : memref<!tpu.dma_semaphore, #tpu.memory_space<semaphore_mem>>) src(%arg11 : memref<8192xf32, #tpu.memory_space<vmem>>) dst(%dma_wait3A_151 : memref<8192xf32, #tpu.memory_space<hbm>>)
      %parallel_loop3A_152 = arith.constant 0 : i32
      %parallel_loop3A_153 = arith.constant 512 : i32
      %parallel_loop3A_154 = arith.constant 1 : i32
      scf.for %parallel_loop3A_369 = %parallel_loop3A_152 to %parallel_loop3A_153 step %parallel_loop3A_154  : i32 {
        %parallel_loop3A_370 = arith.constant 16 : i32
        %parallel_loop3A_371 = arith.muli %parallel_loop3A_369, %parallel_loop3A_370 : i32
        %parallel_loop3A_372 = arith.constant 2 : i32
        %parallel_loop3A_373 = arith.index_cast %parallel_loop3A_372 : i32 to index
        %parallel_loop3A_374 = arith.index_cast %parallel_loop3A_371 : i32 to index
        %parallel_loop3A_375 = tpu.vector_load %arg8[%parallel_loop3A_373, %parallel_loop3A_374] {strides = array<i32>} : memref<4x8192xi32, #tpu.memory_space<vmem>>, vector<16xi32>,
        %parallel_loop3A_376 = tpu.vector_load_idx %arg10[%parallel_loop3A_375] : memref<32768xf32, #tpu.memory_space<vmem>>[vector<16xi32>], vector<16xf32>,
        %parallel_loop3A_377 = arith.index_cast %parallel_loop3A_371 : i32 to index
        %parallel_loop3A_378 = tpu.vector_load %arg11[%parallel_loop3A_377] {strides = array<i32>} : memref<8192xf32, #tpu.memory_space<vmem>>, vector<16xf32>,
        tpu.vector_store %arg11[%parallel_loop3A_377], %parallel_loop3A_376 {strides = array<i32>} : memref<8192xf32, #tpu.memory_space<vmem>>, vector<16xf32>,
      } {sc.loop_unroll_factor = 8 : i64, sc.parallel_access}
      %add3A_155 = arith.constant 1 : i32
      %add3A_156 = arith.addi %mul3A_0, %add3A_155 : i32
      %dma_start3A_157 = arith.constant 2 : i32
      %dma_start3A_158 = arith.constant 0 : i32
      %dma_start3A_159 = tpu.memref_slice %arg6[%dma_start3A_157, %add3A_156, %dma_start3A_158] : memref<4x64x8192xf32, #tpu.memory_space<hbm>> -> memref<1x1x8192xf32, #tpu.memory_space<hbm>>
      %dma_start3A_160 = tpu.memref_squeeze %dma_start3A_159 : memref<1x1x8192xf32, #tpu.memory_space<hbm>> -> memref<8192xf32, #tpu.memory_space<hbm>>
      %dma_start3A_161 = arith.constant 0 : i32
      %dma_start3A_162 = tpu.memref_slice %arg6[%dma_start3A_157, %add3A_156, %dma_start3A_161] : memref<4x64x8192xf32, #tpu.memory_space<hbm>> -> memref<1x1x8192xf32, #tpu.memory_space<hbm>>
      %dma_start3A_163 = tpu.memref_squeeze %dma_start3A_162 : memref<1x1x8192xf32, #tpu.memory_space<hbm>> -> memref<8192xf32, #tpu.memory_space<hbm>>
      tpu.enqueue_dma source(%arg11 : memref<8192xf32, #tpu.memory_space<vmem>>) target(%dma_start3A_163 : memref<8192xf32, #tpu.memory_space<hbm>>) target_semaphore(%arg16 : memref<!tpu.dma_semaphore, #tpu.memory_space<semaphore_mem>>)
      %dma_wait3A_164 = arith.constant 1 : i32
      %dma_wait3A_165 = arith.constant 0 : i32
      %dma_wait3A_166 = tpu.memref_slice %arg6[%dma_wait3A_164, %add3A_137, %dma_wait3A_165] : memref<4x64x8192xf32, #tpu.memory_space<hbm>> -> memref<1x1x8192xf32, #tpu.memory_space<hbm>>
      %dma_wait3A_167 = tpu.memref_squeeze %dma_wait3A_166 : memref<1x1x8192xf32, #tpu.memory_space<hbm>> -> memref<8192xf32, #tpu.memory_space<hbm>>
      %dma_wait3A_168 = arith.constant 0 : i32
      %dma_wait3A_169 = tpu.memref_slice %arg6[%dma_wait3A_164, %add3A_137, %dma_wait3A_168] : memref<4x64x8192xf32, #tpu.memory_space<hbm>> -> memref<1x1x8192xf32, #tpu.memory_space<hbm>>
      %dma_wait3A_170 = tpu.memref_squeeze %dma_wait3A_169 : memref<1x1x8192xf32, #tpu.memory_space<hbm>> -> memref<8192xf32, #tpu.memory_space<hbm>>
      tpu.wait_dma2 semaphore(%arg16 : memref<!tpu.dma_semaphore, #tpu.memory_space<semaphore_mem>>) src(%arg12 : memref<8192xf32, #tpu.memory_space<vmem>>) dst(%dma_wait3A_170 : memref<8192xf32, #tpu.memory_space<hbm>>)
      %parallel_loop3A_171 = arith.constant 0 : i32
      %parallel_loop3A_172 = arith.constant 512 : i32
      %parallel_loop3A_173 = arith.constant 1 : i32
      scf.for %parallel_loop3A_369 = %parallel_loop3A_171 to %parallel_loop3A_172 step %parallel_loop3A_173  : i32 {
        %parallel_loop3A_370 = arith.constant 16 : i32
        %parallel_loop3A_371 = arith.muli %parallel_loop3A_369, %parallel_loop3A_370 : i32
        %parallel_loop3A_372 = arith.constant 3 : i32
        %parallel_loop3A_373 = arith.index_cast %parallel_loop3A_372 : i32 to index
        %parallel_loop3A_374 = arith.index_cast %parallel_loop3A_371 : i32 to index
        %parallel_loop3A_375 = tpu.vector_load %arg8[%parallel_loop3A_373, %parallel_loop3A_374] {strides = array<i32>} : memref<4x8192xi32, #tpu.memory_space<vmem>>, vector<16xi32>,
        %parallel_loop3A_376 = tpu.vector_load_idx %arg10[%parallel_loop3A_375] : memref<32768xf32, #tpu.memory_space<vmem>>[vector<16xi32>], vector<16xf32>,
        %parallel_loop3A_377 = arith.index_cast %parallel_loop3A_371 : i32 to index
        %parallel_loop3A_378 = tpu.vector_load %arg12[%parallel_loop3A_377] {strides = array<i32>} : memref<8192xf32, #tpu.memory_space<vmem>>, vector<16xf32>,
        tpu.vector_store %arg12[%parallel_loop3A_377], %parallel_loop3A_376 {strides = array<i32>} : memref<8192xf32, #tpu.memory_space<vmem>>, vector<16xf32>,
      } {sc.loop_unroll_factor = 8 : i64, sc.parallel_access}
      %add3A_174 = arith.constant 1 : i32
      %add3A_175 = arith.addi %mul3A_0, %add3A_174 : i32
      %dma_start3A_176 = arith.constant 3 : i32
      %dma_start3A_177 = arith.constant 0 : i32
      %dma_start3A_178 = tpu.memref_slice %arg6[%dma_start3A_176, %add3A_175, %dma_start3A_177] : memref<4x64x8192xf32, #tpu.memory_space<hbm>> -> memref<1x1x8192xf32, #tpu.memory_space<hbm>>
      %dma_start3A_179 = tpu.memref_squeeze %dma_start3A_178 : memref<1x1x8192xf32, #tpu.memory_space<hbm>> -> memref<8192xf32, #tpu.memory_space<hbm>>
      %dma_start3A_180 = arith.constant 0 : i32
      %dma_start3A_181 = tpu.memref_slice %arg6[%dma_start3A_176, %add3A_175, %dma_start3A_180] : memref<4x64x8192xf32, #tpu.memory_space<hbm>> -> memref<1x1x8192xf32, #tpu.memory_space<hbm>>
      %dma_start3A_182 = tpu.memref_squeeze %dma_start3A_181 : memref<1x1x8192xf32, #tpu.memory_space<hbm>> -> memref<8192xf32, #tpu.memory_space<hbm>>
      tpu.enqueue_dma source(%arg12 : memref<8192xf32, #tpu.memory_space<vmem>>) target(%dma_start3A_182 : memref<8192xf32, #tpu.memory_space<hbm>>) target_semaphore(%arg16 : memref<!tpu.dma_semaphore, #tpu.memory_space<semaphore_mem>>)
      %add3A_183 = arith.constant 3 : i32
      %add3A_184 = arith.addi %mul3A_0, %add3A_183 : i32
      %dma_start3A_185 = arith.constant 0 : i32
      %dma_start3A_186 = tpu.memref_slice %arg4[%add3A_184, %dma_start3A_185] : memref<64x32768xf32, #tpu.memory_space<hbm>> -> memref<1x32768xf32, #tpu.memory_space<hbm>>
      %dma_start3A_187 = tpu.memref_squeeze %dma_start3A_186 : memref<1x32768xf32, #tpu.memory_space<hbm>> -> memref<32768xf32, #tpu.memory_space<hbm>>
      %dma_start3A_188 = arith.constant 0 : i32
      %dma_start3A_189 = tpu.memref_slice %arg4[%add3A_184, %dma_start3A_188] : memref<64x32768xf32, #tpu.memory_space<hbm>> -> memref<1x32768xf32, #tpu.memory_space<hbm>>
      %dma_start3A_190 = tpu.memref_squeeze %dma_start3A_189 : memref<1x32768xf32, #tpu.memory_space<hbm>> -> memref<32768xf32, #tpu.memory_space<hbm>>
      tpu.enqueue_dma source(%dma_start3A_190 : memref<32768xf32, #tpu.memory_space<hbm>>) target(%arg10 : memref<32768xf32, #tpu.memory_space<vmem>>) target_semaphore(%arg15 : memref<!tpu.dma_semaphore, #tpu.memory_space<semaphore_mem>>)
      %dma_wait3A_191 = arith.constant 0 : i32
      %dma_wait3A_192 = tpu.memref_slice %arg4[%add3A_94, %dma_wait3A_191] : memref<64x32768xf32, #tpu.memory_space<hbm>> -> memref<1x32768xf32, #tpu.memory_space<hbm>>
      %dma_wait3A_193 = tpu.memref_squeeze %dma_wait3A_192 : memref<1x32768xf32, #tpu.memory_space<hbm>> -> memref<32768xf32, #tpu.memory_space<hbm>>
      %dma_wait3A_194 = arith.constant 0 : i32
      %dma_wait3A_195 = tpu.memref_slice %arg4[%add3A_94, %dma_wait3A_194] : memref<64x32768xf32, #tpu.memory_space<hbm>> -> memref<1x32768xf32, #tpu.memory_space<hbm>>
      %dma_wait3A_196 = tpu.memref_squeeze %dma_wait3A_195 : memref<1x32768xf32, #tpu.memory_space<hbm>> -> memref<32768xf32, #tpu.memory_space<hbm>>
      tpu.wait_dma2 semaphore(%arg14 : memref<!tpu.dma_semaphore, #tpu.memory_space<semaphore_mem>>) src(%dma_wait3A_196 : memref<32768xf32, #tpu.memory_space<hbm>>) dst(%arg9 : memref<32768xf32, #tpu.memory_space<vmem>>)
      %dma_wait3A_197 = arith.constant 2 : i32
      %dma_wait3A_198 = arith.constant 0 : i32
      %dma_wait3A_199 = tpu.memref_slice %arg6[%dma_wait3A_197, %add3A_156, %dma_wait3A_198] : memref<4x64x8192xf32, #tpu.memory_space<hbm>> -> memref<1x1x8192xf32, #tpu.memory_space<hbm>>
      %dma_wait3A_200 = tpu.memref_squeeze %dma_wait3A_199 : memref<1x1x8192xf32, #tpu.memory_space<hbm>> -> memref<8192xf32, #tpu.memory_space<hbm>>
      %dma_wait3A_201 = arith.constant 0 : i32
      %dma_wait3A_202 = tpu.memref_slice %arg6[%dma_wait3A_197, %add3A_156, %dma_wait3A_201] : memref<4x64x8192xf32, #tpu.memory_space<hbm>> -> memref<1x1x8192xf32, #tpu.memory_space<hbm>>
      %dma_wait3A_203 = tpu.memref_squeeze %dma_wait3A_202 : memref<1x1x8192xf32, #tpu.memory_space<hbm>> -> memref<8192xf32, #tpu.memory_space<hbm>>
      tpu.wait_dma2 semaphore(%arg16 : memref<!tpu.dma_semaphore, #tpu.memory_space<semaphore_mem>>) src(%arg11 : memref<8192xf32, #tpu.memory_space<vmem>>) dst(%dma_wait3A_203 : memref<8192xf32, #tpu.memory_space<hbm>>)
      %parallel_loop3A_204 = arith.constant 0 : i32
      %parallel_loop3A_205 = arith.constant 512 : i32
      %parallel_loop3A_206 = arith.constant 1 : i32
      scf.for %parallel_loop3A_369 = %parallel_loop3A_204 to %parallel_loop3A_205 step %parallel_loop3A_206  : i32 {
        %parallel_loop3A_370 = arith.constant 16 : i32
        %parallel_loop3A_371 = arith.muli %parallel_loop3A_369, %parallel_loop3A_370 : i32
        %parallel_loop3A_372 = arith.constant 0 : i32
        %parallel_loop3A_373 = arith.index_cast %parallel_loop3A_372 : i32 to index
        %parallel_loop3A_374 = arith.index_cast %parallel_loop3A_371 : i32 to index
        %parallel_loop3A_375 = tpu.vector_load %arg8[%parallel_loop3A_373, %parallel_loop3A_374] {strides = array<i32>} : memref<4x8192xi32, #tpu.memory_space<vmem>>, vector<16xi32>,
        %parallel_loop3A_376 = tpu.vector_load_idx %arg9[%parallel_loop3A_375] : memref<32768xf32, #tpu.memory_space<vmem>>[vector<16xi32>], vector<16xf32>,
        %parallel_loop3A_377 = arith.index_cast %parallel_loop3A_371 : i32 to index
        %parallel_loop3A_378 = tpu.vector_load %arg11[%parallel_loop3A_377] {strides = array<i32>} : memref<8192xf32, #tpu.memory_space<vmem>>, vector<16xf32>,
        tpu.vector_store %arg11[%parallel_loop3A_377], %parallel_loop3A_376 {strides = array<i32>} : memref<8192xf32, #tpu.memory_space<vmem>>, vector<16xf32>,
      } {sc.loop_unroll_factor = 8 : i64, sc.parallel_access}
      %add3A_207 = arith.constant 2 : i32
      %add3A_208 = arith.addi %mul3A_0, %add3A_207 : i32
      %dma_start3A_209 = arith.constant 0 : i32
      %dma_start3A_210 = arith.constant 0 : i32
      %dma_start3A_211 = tpu.memref_slice %arg6[%dma_start3A_209, %add3A_208, %dma_start3A_210] : memref<4x64x8192xf32, #tpu.memory_space<hbm>> -> memref<1x1x8192xf32, #tpu.memory_space<hbm>>
      %dma_start3A_212 = tpu.memref_squeeze %dma_start3A_211 : memref<1x1x8192xf32, #tpu.memory_space<hbm>> -> memref<8192xf32, #tpu.memory_space<hbm>>
      %dma_start3A_213 = arith.constant 0 : i32
      %dma_start3A_214 = tpu.memref_slice %arg6[%dma_start3A_209, %add3A_208, %dma_start3A_213] : memref<4x64x8192xf32, #tpu.memory_space<hbm>> -> memref<1x1x8192xf32, #tpu.memory_space<hbm>>
      %dma_start3A_215 = tpu.memref_squeeze %dma_start3A_214 : memref<1x1x8192xf32, #tpu.memory_space<hbm>> -> memref<8192xf32, #tpu.memory_space<hbm>>
      tpu.enqueue_dma source(%arg11 : memref<8192xf32, #tpu.memory_space<vmem>>) target(%dma_start3A_215 : memref<8192xf32, #tpu.memory_space<hbm>>) target_semaphore(%arg16 : memref<!tpu.dma_semaphore, #tpu.memory_space<semaphore_mem>>)
      %dma_wait3A_216 = arith.constant 3 : i32
      %dma_wait3A_217 = arith.constant 0 : i32
      %dma_wait3A_218 = tpu.memref_slice %arg6[%dma_wait3A_216, %add3A_175, %dma_wait3A_217] : memref<4x64x8192xf32, #tpu.memory_space<hbm>> -> memref<1x1x8192xf32, #tpu.memory_space<hbm>>
      %dma_wait3A_219 = tpu.memref_squeeze %dma_wait3A_218 : memref<1x1x8192xf32, #tpu.memory_space<hbm>> -> memref<8192xf32, #tpu.memory_space<hbm>>
      %dma_wait3A_220 = arith.constant 0 : i32
      %dma_wait3A_221 = tpu.memref_slice %arg6[%dma_wait3A_216, %add3A_175, %dma_wait3A_220] : memref<4x64x8192xf32, #tpu.memory_space<hbm>> -> memref<1x1x8192xf32, #tpu.memory_space<hbm>>
      %dma_wait3A_222 = tpu.memref_squeeze %dma_wait3A_221 : memref<1x1x8192xf32, #tpu.memory_space<hbm>> -> memref<8192xf32, #tpu.memory_space<hbm>>
      tpu.wait_dma2 semaphore(%arg16 : memref<!tpu.dma_semaphore, #tpu.memory_space<semaphore_mem>>) src(%arg12 : memref<8192xf32, #tpu.memory_space<vmem>>) dst(%dma_wait3A_222 : memref<8192xf32, #tpu.memory_space<hbm>>)
      %parallel_loop3A_223 = arith.constant 0 : i32
      %parallel_loop3A_224 = arith.constant 512 : i32
      %parallel_loop3A_225 = arith.constant 1 : i32
      scf.for %parallel_loop3A_369 = %parallel_loop3A_223 to %parallel_loop3A_224 step %parallel_loop3A_225  : i32 {
        %parallel_loop3A_370 = arith.constant 16 : i32
        %parallel_loop3A_371 = arith.muli %parallel_loop3A_369, %parallel_loop3A_370 : i32
        %parallel_loop3A_372 = arith.constant 1 : i32
        %parallel_loop3A_373 = arith.index_cast %parallel_loop3A_372 : i32 to index
        %parallel_loop3A_374 = arith.index_cast %parallel_loop3A_371 : i32 to index
        %parallel_loop3A_375 = tpu.vector_load %arg8[%parallel_loop3A_373, %parallel_loop3A_374] {strides = array<i32>} : memref<4x8192xi32, #tpu.memory_space<vmem>>, vector<16xi32>,
        %parallel_loop3A_376 = tpu.vector_load_idx %arg9[%parallel_loop3A_375] : memref<32768xf32, #tpu.memory_space<vmem>>[vector<16xi32>], vector<16xf32>,
        %parallel_loop3A_377 = arith.index_cast %parallel_loop3A_371 : i32 to index
        %parallel_loop3A_378 = tpu.vector_load %arg12[%parallel_loop3A_377] {strides = array<i32>} : memref<8192xf32, #tpu.memory_space<vmem>>, vector<16xf32>,
        tpu.vector_store %arg12[%parallel_loop3A_377], %parallel_loop3A_376 {strides = array<i32>} : memref<8192xf32, #tpu.memory_space<vmem>>, vector<16xf32>,
      } {sc.loop_unroll_factor = 8 : i64, sc.parallel_access}
      %add3A_226 = arith.constant 2 : i32
      %add3A_227 = arith.addi %mul3A_0, %add3A_226 : i32
      %dma_start3A_228 = arith.constant 1 : i32
      %dma_start3A_229 = arith.constant 0 : i32
      %dma_start3A_230 = tpu.memref_slice %arg6[%dma_start3A_228, %add3A_227, %dma_start3A_229] : memref<4x64x8192xf32, #tpu.memory_space<hbm>> -> memref<1x1x8192xf32, #tpu.memory_space<hbm>>
      %dma_start3A_231 = tpu.memref_squeeze %dma_start3A_230 : memref<1x1x8192xf32, #tpu.memory_space<hbm>> -> memref<8192xf32, #tpu.memory_space<hbm>>
      %dma_start3A_232 = arith.constant 0 : i32
      %dma_start3A_233 = tpu.memref_slice %arg6[%dma_start3A_228, %add3A_227, %dma_start3A_232] : memref<4x64x8192xf32, #tpu.memory_space<hbm>> -> memref<1x1x8192xf32, #tpu.memory_space<hbm>>
      %dma_start3A_234 = tpu.memref_squeeze %dma_start3A_233 : memref<1x1x8192xf32, #tpu.memory_space<hbm>> -> memref<8192xf32, #tpu.memory_space<hbm>>
      tpu.enqueue_dma source(%arg12 : memref<8192xf32, #tpu.memory_space<vmem>>) target(%dma_start3A_234 : memref<8192xf32, #tpu.memory_space<hbm>>) target_semaphore(%arg16 : memref<!tpu.dma_semaphore, #tpu.memory_space<semaphore_mem>>)
      %dma_wait3A_235 = arith.constant 0 : i32
      %dma_wait3A_236 = arith.constant 0 : i32
      %dma_wait3A_237 = tpu.memref_slice %arg6[%dma_wait3A_235, %add3A_208, %dma_wait3A_236] : memref<4x64x8192xf32, #tpu.memory_space<hbm>> -> memref<1x1x8192xf32, #tpu.memory_space<hbm>>
      %dma_wait3A_238 = tpu.memref_squeeze %dma_wait3A_237 : memref<1x1x8192xf32, #tpu.memory_space<hbm>> -> memref<8192xf32, #tpu.memory_space<hbm>>
      %dma_wait3A_239 = arith.constant 0 : i32
      %dma_wait3A_240 = tpu.memref_slice %arg6[%dma_wait3A_235, %add3A_208, %dma_wait3A_239] : memref<4x64x8192xf32, #tpu.memory_space<hbm>> -> memref<1x1x8192xf32, #tpu.memory_space<hbm>>
      %dma_wait3A_241 = tpu.memref_squeeze %dma_wait3A_240 : memref<1x1x8192xf32, #tpu.memory_space<hbm>> -> memref<8192xf32, #tpu.memory_space<hbm>>
      tpu.wait_dma2 semaphore(%arg16 : memref<!tpu.dma_semaphore, #tpu.memory_space<semaphore_mem>>) src(%arg11 : memref<8192xf32, #tpu.memory_space<vmem>>) dst(%dma_wait3A_241 : memref<8192xf32, #tpu.memory_space<hbm>>)
      %parallel_loop3A_242 = arith.constant 0 : i32
      %parallel_loop3A_243 = arith.constant 512 : i32
      %parallel_loop3A_244 = arith.constant 1 : i32
      scf.for %parallel_loop3A_369 = %parallel_loop3A_242 to %parallel_loop3A_243 step %parallel_loop3A_244  : i32 {
        %parallel_loop3A_370 = arith.constant 16 : i32
        %parallel_loop3A_371 = arith.muli %parallel_loop3A_369, %parallel_loop3A_370 : i32
        %parallel_loop3A_372 = arith.constant 2 : i32
        %parallel_loop3A_373 = arith.index_cast %parallel_loop3A_372 : i32 to index
        %parallel_loop3A_374 = arith.index_cast %parallel_loop3A_371 : i32 to index
        %parallel_loop3A_375 = tpu.vector_load %arg8[%parallel_loop3A_373, %parallel_loop3A_374] {strides = array<i32>} : memref<4x8192xi32, #tpu.memory_space<vmem>>, vector<16xi32>,
        %parallel_loop3A_376 = tpu.vector_load_idx %arg9[%parallel_loop3A_375] : memref<32768xf32, #tpu.memory_space<vmem>>[vector<16xi32>], vector<16xf32>,
        %parallel_loop3A_377 = arith.index_cast %parallel_loop3A_371 : i32 to index
        %parallel_loop3A_378 = tpu.vector_load %arg11[%parallel_loop3A_377] {strides = array<i32>} : memref<8192xf32, #tpu.memory_space<vmem>>, vector<16xf32>,
        tpu.vector_store %arg11[%parallel_loop3A_377], %parallel_loop3A_376 {strides = array<i32>} : memref<8192xf32, #tpu.memory_space<vmem>>, vector<16xf32>,
      } {sc.loop_unroll_factor = 8 : i64, sc.parallel_access}
      %add3A_245 = arith.constant 2 : i32
      %add3A_246 = arith.addi %mul3A_0, %add3A_245 : i32
      %dma_start3A_247 = arith.constant 2 : i32
      %dma_start3A_248 = arith.constant 0 : i32
      %dma_start3A_249 = tpu.memref_slice %arg6[%dma_start3A_247, %add3A_246, %dma_start3A_248] : memref<4x64x8192xf32, #tpu.memory_space<hbm>> -> memref<1x1x8192xf32, #tpu.memory_space<hbm>>
      %dma_start3A_250 = tpu.memref_squeeze %dma_start3A_249 : memref<1x1x8192xf32, #tpu.memory_space<hbm>> -> memref<8192xf32, #tpu.memory_space<hbm>>
      %dma_start3A_251 = arith.constant 0 : i32
      %dma_start3A_252 = tpu.memref_slice %arg6[%dma_start3A_247, %add3A_246, %dma_start3A_251] : memref<4x64x8192xf32, #tpu.memory_space<hbm>> -> memref<1x1x8192xf32, #tpu.memory_space<hbm>>
      %dma_start3A_253 = tpu.memref_squeeze %dma_start3A_252 : memref<1x1x8192xf32, #tpu.memory_space<hbm>> -> memref<8192xf32, #tpu.memory_space<hbm>>
      tpu.enqueue_dma source(%arg11 : memref<8192xf32, #tpu.memory_space<vmem>>) target(%dma_start3A_253 : memref<8192xf32, #tpu.memory_space<hbm>>) target_semaphore(%arg16 : memref<!tpu.dma_semaphore, #tpu.memory_space<semaphore_mem>>)
      %dma_wait3A_254 = arith.constant 1 : i32
      %dma_wait3A_255 = arith.constant 0 : i32
      %dma_wait3A_256 = tpu.memref_slice %arg6[%dma_wait3A_254, %add3A_227, %dma_wait3A_255] : memref<4x64x8192xf32, #tpu.memory_space<hbm>> -> memref<1x1x8192xf32, #tpu.memory_space<hbm>>
      %dma_wait3A_257 = tpu.memref_squeeze %dma_wait3A_256 : memref<1x1x8192xf32, #tpu.memory_space<hbm>> -> memref<8192xf32, #tpu.memory_space<hbm>>
      %dma_wait3A_258 = arith.constant 0 : i32
      %dma_wait3A_259 = tpu.memref_slice %arg6[%dma_wait3A_254, %add3A_227, %dma_wait3A_258] : memref<4x64x8192xf32, #tpu.memory_space<hbm>> -> memref<1x1x8192xf32, #tpu.memory_space<hbm>>
      %dma_wait3A_260 = tpu.memref_squeeze %dma_wait3A_259 : memref<1x1x8192xf32, #tpu.memory_space<hbm>> -> memref<8192xf32, #tpu.memory_space<hbm>>
      tpu.wait_dma2 semaphore(%arg16 : memref<!tpu.dma_semaphore, #tpu.memory_space<semaphore_mem>>) src(%arg12 : memref<8192xf32, #tpu.memory_space<vmem>>) dst(%dma_wait3A_260 : memref<8192xf32, #tpu.memory_space<hbm>>)
      %parallel_loop3A_261 = arith.constant 0 : i32
      %parallel_loop3A_262 = arith.constant 512 : i32
      %parallel_loop3A_263 = arith.constant 1 : i32
      scf.for %parallel_loop3A_369 = %parallel_loop3A_261 to %parallel_loop3A_262 step %parallel_loop3A_263  : i32 {
        %parallel_loop3A_370 = arith.constant 16 : i32
        %parallel_loop3A_371 = arith.muli %parallel_loop3A_369, %parallel_loop3A_370 : i32
        %parallel_loop3A_372 = arith.constant 3 : i32
        %parallel_loop3A_373 = arith.index_cast %parallel_loop3A_372 : i32 to index
        %parallel_loop3A_374 = arith.index_cast %parallel_loop3A_371 : i32 to index
        %parallel_loop3A_375 = tpu.vector_load %arg8[%parallel_loop3A_373, %parallel_loop3A_374] {strides = array<i32>} : memref<4x8192xi32, #tpu.memory_space<vmem>>, vector<16xi32>,
        %parallel_loop3A_376 = tpu.vector_load_idx %arg9[%parallel_loop3A_375] : memref<32768xf32, #tpu.memory_space<vmem>>[vector<16xi32>], vector<16xf32>,
        %parallel_loop3A_377 = arith.index_cast %parallel_loop3A_371 : i32 to index
        %parallel_loop3A_378 = tpu.vector_load %arg12[%parallel_loop3A_377] {strides = array<i32>} : memref<8192xf32, #tpu.memory_space<vmem>>, vector<16xf32>,
        tpu.vector_store %arg12[%parallel_loop3A_377], %parallel_loop3A_376 {strides = array<i32>} : memref<8192xf32, #tpu.memory_space<vmem>>, vector<16xf32>,
      } {sc.loop_unroll_factor = 8 : i64, sc.parallel_access}
      %add3A_264 = arith.constant 2 : i32
      %add3A_265 = arith.addi %mul3A_0, %add3A_264 : i32
      %dma_start3A_266 = arith.constant 3 : i32
      %dma_start3A_267 = arith.constant 0 : i32
      %dma_start3A_268 = tpu.memref_slice %arg6[%dma_start3A_266, %add3A_265, %dma_start3A_267] : memref<4x64x8192xf32, #tpu.memory_space<hbm>> -> memref<1x1x8192xf32, #tpu.memory_space<hbm>>
      %dma_start3A_269 = tpu.memref_squeeze %dma_start3A_268 : memref<1x1x8192xf32, #tpu.memory_space<hbm>> -> memref<8192xf32, #tpu.memory_space<hbm>>
      %dma_start3A_270 = arith.constant 0 : i32
      %dma_start3A_271 = tpu.memref_slice %arg6[%dma_start3A_266, %add3A_265, %dma_start3A_270] : memref<4x64x8192xf32, #tpu.memory_space<hbm>> -> memref<1x1x8192xf32, #tpu.memory_space<hbm>>
      %dma_start3A_272 = tpu.memref_squeeze %dma_start3A_271 : memref<1x1x8192xf32, #tpu.memory_space<hbm>> -> memref<8192xf32, #tpu.memory_space<hbm>>
      tpu.enqueue_dma source(%arg12 : memref<8192xf32, #tpu.memory_space<vmem>>) target(%dma_start3A_272 : memref<8192xf32, #tpu.memory_space<hbm>>) target_semaphore(%arg16 : memref<!tpu.dma_semaphore, #tpu.memory_space<semaphore_mem>>)
      %dma_wait3A_273 = arith.constant 0 : i32
      %dma_wait3A_274 = tpu.memref_slice %arg4[%add3A_184, %dma_wait3A_273] : memref<64x32768xf32, #tpu.memory_space<hbm>> -> memref<1x32768xf32, #tpu.memory_space<hbm>>
      %dma_wait3A_275 = tpu.memref_squeeze %dma_wait3A_274 : memref<1x32768xf32, #tpu.memory_space<hbm>> -> memref<32768xf32, #tpu.memory_space<hbm>>
      %dma_wait3A_276 = arith.constant 0 : i32
      %dma_wait3A_277 = tpu.memref_slice %arg4[%add3A_184, %dma_wait3A_276] : memref<64x32768xf32, #tpu.memory_space<hbm>> -> memref<1x32768xf32, #tpu.memory_space<hbm>>
      %dma_wait3A_278 = tpu.memref_squeeze %dma_wait3A_277 : memref<1x32768xf32, #tpu.memory_space<hbm>> -> memref<32768xf32, #tpu.memory_space<hbm>>
      tpu.wait_dma2 semaphore(%arg15 : memref<!tpu.dma_semaphore, #tpu.memory_space<semaphore_mem>>) src(%dma_wait3A_278 : memref<32768xf32, #tpu.memory_space<hbm>>) dst(%arg10 : memref<32768xf32, #tpu.memory_space<vmem>>)
      %dma_wait3A_279 = arith.constant 2 : i32
      %dma_wait3A_280 = arith.constant 0 : i32
      %dma_wait3A_281 = tpu.memref_slice %arg6[%dma_wait3A_279, %add3A_246, %dma_wait3A_280] : memref<4x64x8192xf32, #tpu.memory_space<hbm>> -> memref<1x1x8192xf32, #tpu.memory_space<hbm>>
      %dma_wait3A_282 = tpu.memref_squeeze %dma_wait3A_281 : memref<1x1x8192xf32, #tpu.memory_space<hbm>> -> memref<8192xf32, #tpu.memory_space<hbm>>
      %dma_wait3A_283 = arith.constant 0 : i32
      %dma_wait3A_284 = tpu.memref_slice %arg6[%dma_wait3A_279, %add3A_246, %dma_wait3A_283] : memref<4x64x8192xf32, #tpu.memory_space<hbm>> -> memref<1x1x8192xf32, #tpu.memory_space<hbm>>
      %dma_wait3A_285 = tpu.memref_squeeze %dma_wait3A_284 : memref<1x1x8192xf32, #tpu.memory_space<hbm>> -> memref<8192xf32, #tpu.memory_space<hbm>>
      tpu.wait_dma2 semaphore(%arg16 : memref<!tpu.dma_semaphore, #tpu.memory_space<semaphore_mem>>) src(%arg11 : memref<8192xf32, #tpu.memory_space<vmem>>) dst(%dma_wait3A_285 : memref<8192xf32, #tpu.memory_space<hbm>>)
      %parallel_loop3A_286 = arith.constant 0 : i32
      %parallel_loop3A_287 = arith.constant 512 : i32
      %parallel_loop3A_288 = arith.constant 1 : i32
      scf.for %parallel_loop3A_369 = %parallel_loop3A_286 to %parallel_loop3A_287 step %parallel_loop3A_288  : i32 {
        %parallel_loop3A_370 = arith.constant 16 : i32
        %parallel_loop3A_371 = arith.muli %parallel_loop3A_369, %parallel_loop3A_370 : i32
        %parallel_loop3A_372 = arith.constant 0 : i32
        %parallel_loop3A_373 = arith.index_cast %parallel_loop3A_372 : i32 to index
        %parallel_loop3A_374 = arith.index_cast %parallel_loop3A_371 : i32 to index
        %parallel_loop3A_375 = tpu.vector_load %arg8[%parallel_loop3A_373, %parallel_loop3A_374] {strides = array<i32>} : memref<4x8192xi32, #tpu.memory_space<vmem>>, vector<16xi32>,
        %parallel_loop3A_376 = tpu.vector_load_idx %arg10[%parallel_loop3A_375] : memref<32768xf32, #tpu.memory_space<vmem>>[vector<16xi32>], vector<16xf32>,
        %parallel_loop3A_377 = arith.index_cast %parallel_loop3A_371 : i32 to index
        %parallel_loop3A_378 = tpu.vector_load %arg11[%parallel_loop3A_377] {strides = array<i32>} : memref<8192xf32, #tpu.memory_space<vmem>>, vector<16xf32>,
        tpu.vector_store %arg11[%parallel_loop3A_377], %parallel_loop3A_376 {strides = array<i32>} : memref<8192xf32, #tpu.memory_space<vmem>>, vector<16xf32>,
      } {sc.loop_unroll_factor = 8 : i64, sc.parallel_access}
      %add3A_289 = arith.constant 3 : i32
      %add3A_290 = arith.addi %mul3A_0, %add3A_289 : i32
      %dma_start3A_291 = arith.constant 0 : i32
      %dma_start3A_292 = arith.constant 0 : i32
      %dma_start3A_293 = tpu.memref_slice %arg6[%dma_start3A_291, %add3A_290, %dma_start3A_292] : memref<4x64x8192xf32, #tpu.memory_space<hbm>> -> memref<1x1x8192xf32, #tpu.memory_space<hbm>>
      %dma_start3A_294 = tpu.memref_squeeze %dma_start3A_293 : memref<1x1x8192xf32, #tpu.memory_space<hbm>> -> memref<8192xf32, #tpu.memory_space<hbm>>
      %dma_start3A_295 = arith.constant 0 : i32
      %dma_start3A_296 = tpu.memref_slice %arg6[%dma_start3A_291, %add3A_290, %dma_start3A_295] : memref<4x64x8192xf32, #tpu.memory_space<hbm>> -> memref<1x1x8192xf32, #tpu.memory_space<hbm>>
      %dma_start3A_297 = tpu.memref_squeeze %dma_start3A_296 : memref<1x1x8192xf32, #tpu.memory_space<hbm>> -> memref<8192xf32, #tpu.memory_space<hbm>>
      tpu.enqueue_dma source(%arg11 : memref<8192xf32, #tpu.memory_space<vmem>>) target(%dma_start3A_297 : memref<8192xf32, #tpu.memory_space<hbm>>) target_semaphore(%arg16 : memref<!tpu.dma_semaphore, #tpu.memory_space<semaphore_mem>>)
      %dma_wait3A_298 = arith.constant 3 : i32
      %dma_wait3A_299 = arith.constant 0 : i32
      %dma_wait3A_300 = tpu.memref_slice %arg6[%dma_wait3A_298, %add3A_265, %dma_wait3A_299] : memref<4x64x8192xf32, #tpu.memory_space<hbm>> -> memref<1x1x8192xf32, #tpu.memory_space<hbm>>
      %dma_wait3A_301 = tpu.memref_squeeze %dma_wait3A_300 : memref<1x1x8192xf32, #tpu.memory_space<hbm>> -> memref<8192xf32, #tpu.memory_space<hbm>>
      %dma_wait3A_302 = arith.constant 0 : i32
      %dma_wait3A_303 = tpu.memref_slice %arg6[%dma_wait3A_298, %add3A_265, %dma_wait3A_302] : memref<4x64x8192xf32, #tpu.memory_space<hbm>> -> memref<1x1x8192xf32, #tpu.memory_space<hbm>>
      %dma_wait3A_304 = tpu.memref_squeeze %dma_wait3A_303 : memref<1x1x8192xf32, #tpu.memory_space<hbm>> -> memref<8192xf32, #tpu.memory_space<hbm>>
      tpu.wait_dma2 semaphore(%arg16 : memref<!tpu.dma_semaphore, #tpu.memory_space<semaphore_mem>>) src(%arg12 : memref<8192xf32, #tpu.memory_space<vmem>>) dst(%dma_wait3A_304 : memref<8192xf32, #tpu.memory_space<hbm>>)
      %parallel_loop3A_305 = arith.constant 0 : i32
      %parallel_loop3A_306 = arith.constant 512 : i32
      %parallel_loop3A_307 = arith.constant 1 : i32
      scf.for %parallel_loop3A_369 = %parallel_loop3A_305 to %parallel_loop3A_306 step %parallel_loop3A_307  : i32 {
        %parallel_loop3A_370 = arith.constant 16 : i32
        %parallel_loop3A_371 = arith.muli %parallel_loop3A_369, %parallel_loop3A_370 : i32
        %parallel_loop3A_372 = arith.constant 1 : i32
        %parallel_loop3A_373 = arith.index_cast %parallel_loop3A_372 : i32 to index
        %parallel_loop3A_374 = arith.index_cast %parallel_loop3A_371 : i32 to index
        %parallel_loop3A_375 = tpu.vector_load %arg8[%parallel_loop3A_373, %parallel_loop3A_374] {strides = array<i32>} : memref<4x8192xi32, #tpu.memory_space<vmem>>, vector<16xi32>,
        %parallel_loop3A_376 = tpu.vector_load_idx %arg10[%parallel_loop3A_375] : memref<32768xf32, #tpu.memory_space<vmem>>[vector<16xi32>], vector<16xf32>,
        %parallel_loop3A_377 = arith.index_cast %parallel_loop3A_371 : i32 to index
        %parallel_loop3A_378 = tpu.vector_load %arg12[%parallel_loop3A_377] {strides = array<i32>} : memref<8192xf32, #tpu.memory_space<vmem>>, vector<16xf32>,
        tpu.vector_store %arg12[%parallel_loop3A_377], %parallel_loop3A_376 {strides = array<i32>} : memref<8192xf32, #tpu.memory_space<vmem>>, vector<16xf32>,
      } {sc.loop_unroll_factor = 8 : i64, sc.parallel_access}
      %add3A_308 = arith.constant 3 : i32
      %add3A_309 = arith.addi %mul3A_0, %add3A_308 : i32
      %dma_start3A_310 = arith.constant 1 : i32
      %dma_start3A_311 = arith.constant 0 : i32
      %dma_start3A_312 = tpu.memref_slice %arg6[%dma_start3A_310, %add3A_309, %dma_start3A_311] : memref<4x64x8192xf32, #tpu.memory_space<hbm>> -> memref<1x1x8192xf32, #tpu.memory_space<hbm>>
      %dma_start3A_313 = tpu.memref_squeeze %dma_start3A_312 : memref<1x1x8192xf32, #tpu.memory_space<hbm>> -> memref<8192xf32, #tpu.memory_space<hbm>>
      %dma_start3A_314 = arith.constant 0 : i32
      %dma_start3A_315 = tpu.memref_slice %arg6[%dma_start3A_310, %add3A_309, %dma_start3A_314] : memref<4x64x8192xf32, #tpu.memory_space<hbm>> -> memref<1x1x8192xf32, #tpu.memory_space<hbm>>
      %dma_start3A_316 = tpu.memref_squeeze %dma_start3A_315 : memref<1x1x8192xf32, #tpu.memory_space<hbm>> -> memref<8192xf32, #tpu.memory_space<hbm>>
      tpu.enqueue_dma source(%arg12 : memref<8192xf32, #tpu.memory_space<vmem>>) target(%dma_start3A_316 : memref<8192xf32, #tpu.memory_space<hbm>>) target_semaphore(%arg16 : memref<!tpu.dma_semaphore, #tpu.memory_space<semaphore_mem>>)
      %dma_wait3A_317 = arith.constant 0 : i32
      %dma_wait3A_318 = arith.constant 0 : i32
      %dma_wait3A_319 = tpu.memref_slice %arg6[%dma_wait3A_317, %add3A_290, %dma_wait3A_318] : memref<4x64x8192xf32, #tpu.memory_space<hbm>> -> memref<1x1x8192xf32, #tpu.memory_space<hbm>>
      %dma_wait3A_320 = tpu.memref_squeeze %dma_wait3A_319 : memref<1x1x8192xf32, #tpu.memory_space<hbm>> -> memref<8192xf32, #tpu.memory_space<hbm>>
      %dma_wait3A_321 = arith.constant 0 : i32
      %dma_wait3A_322 = tpu.memref_slice %arg6[%dma_wait3A_317, %add3A_290, %dma_wait3A_321] : memref<4x64x8192xf32, #tpu.memory_space<hbm>> -> memref<1x1x8192xf32, #tpu.memory_space<hbm>>
      %dma_wait3A_323 = tpu.memref_squeeze %dma_wait3A_322 : memref<1x1x8192xf32, #tpu.memory_space<hbm>> -> memref<8192xf32, #tpu.memory_space<hbm>>
      tpu.wait_dma2 semaphore(%arg16 : memref<!tpu.dma_semaphore, #tpu.memory_space<semaphore_mem>>) src(%arg11 : memref<8192xf32, #tpu.memory_space<vmem>>) dst(%dma_wait3A_323 : memref<8192xf32, #tpu.memory_space<hbm>>)
      %parallel_loop3A_324 = arith.constant 0 : i32
      %parallel_loop3A_325 = arith.constant 512 : i32
      %parallel_loop3A_326 = arith.constant 1 : i32
      scf.for %parallel_loop3A_369 = %parallel_loop3A_324 to %parallel_loop3A_325 step %parallel_loop3A_326  : i32 {
        %parallel_loop3A_370 = arith.constant 16 : i32
        %parallel_loop3A_371 = arith.muli %parallel_loop3A_369, %parallel_loop3A_370 : i32
        %parallel_loop3A_372 = arith.constant 2 : i32
        %parallel_loop3A_373 = arith.index_cast %parallel_loop3A_372 : i32 to index
        %parallel_loop3A_374 = arith.index_cast %parallel_loop3A_371 : i32 to index
        %parallel_loop3A_375 = tpu.vector_load %arg8[%parallel_loop3A_373, %parallel_loop3A_374] {strides = array<i32>} : memref<4x8192xi32, #tpu.memory_space<vmem>>, vector<16xi32>,
        %parallel_loop3A_376 = tpu.vector_load_idx %arg10[%parallel_loop3A_375] : memref<32768xf32, #tpu.memory_space<vmem>>[vector<16xi32>], vector<16xf32>,
        %parallel_loop3A_377 = arith.index_cast %parallel_loop3A_371 : i32 to index
        %parallel_loop3A_378 = tpu.vector_load %arg11[%parallel_loop3A_377] {strides = array<i32>} : memref<8192xf32, #tpu.memory_space<vmem>>, vector<16xf32>,
        tpu.vector_store %arg11[%parallel_loop3A_377], %parallel_loop3A_376 {strides = array<i32>} : memref<8192xf32, #tpu.memory_space<vmem>>, vector<16xf32>,
      } {sc.loop_unroll_factor = 8 : i64, sc.parallel_access}
      %add3A_327 = arith.constant 3 : i32
      %add3A_328 = arith.addi %mul3A_0, %add3A_327 : i32
      %dma_start3A_329 = arith.constant 2 : i32
      %dma_start3A_330 = arith.constant 0 : i32
      %dma_start3A_331 = tpu.memref_slice %arg6[%dma_start3A_329, %add3A_328, %dma_start3A_330] : memref<4x64x8192xf32, #tpu.memory_space<hbm>> -> memref<1x1x8192xf32, #tpu.memory_space<hbm>>
      %dma_start3A_332 = tpu.memref_squeeze %dma_start3A_331 : memref<1x1x8192xf32, #tpu.memory_space<hbm>> -> memref<8192xf32, #tpu.memory_space<hbm>>
      %dma_start3A_333 = arith.constant 0 : i32
      %dma_start3A_334 = tpu.memref_slice %arg6[%dma_start3A_329, %add3A_328, %dma_start3A_333] : memref<4x64x8192xf32, #tpu.memory_space<hbm>> -> memref<1x1x8192xf32, #tpu.memory_space<hbm>>
      %dma_start3A_335 = tpu.memref_squeeze %dma_start3A_334 : memref<1x1x8192xf32, #tpu.memory_space<hbm>> -> memref<8192xf32, #tpu.memory_space<hbm>>
      tpu.enqueue_dma source(%arg11 : memref<8192xf32, #tpu.memory_space<vmem>>) target(%dma_start3A_335 : memref<8192xf32, #tpu.memory_space<hbm>>) target_semaphore(%arg16 : memref<!tpu.dma_semaphore, #tpu.memory_space<semaphore_mem>>)
      %dma_wait3A_336 = arith.constant 1 : i32
      %dma_wait3A_337 = arith.constant 0 : i32
      %dma_wait3A_338 = tpu.memref_slice %arg6[%dma_wait3A_336, %add3A_309, %dma_wait3A_337] : memref<4x64x8192xf32, #tpu.memory_space<hbm>> -> memref<1x1x8192xf32, #tpu.memory_space<hbm>>
      %dma_wait3A_339 = tpu.memref_squeeze %dma_wait3A_338 : memref<1x1x8192xf32, #tpu.memory_space<hbm>> -> memref<8192xf32, #tpu.memory_space<hbm>>
      %dma_wait3A_340 = arith.constant 0 : i32
      %dma_wait3A_341 = tpu.memref_slice %arg6[%dma_wait3A_336, %add3A_309, %dma_wait3A_340] : memref<4x64x8192xf32, #tpu.memory_space<hbm>> -> memref<1x1x8192xf32, #tpu.memory_space<hbm>>
      %dma_wait3A_342 = tpu.memref_squeeze %dma_wait3A_341 : memref<1x1x8192xf32, #tpu.memory_space<hbm>> -> memref<8192xf32, #tpu.memory_space<hbm>>
      tpu.wait_dma2 semaphore(%arg16 : memref<!tpu.dma_semaphore, #tpu.memory_space<semaphore_mem>>) src(%arg12 : memref<8192xf32, #tpu.memory_space<vmem>>) dst(%dma_wait3A_342 : memref<8192xf32, #tpu.memory_space<hbm>>)
      %parallel_loop3A_343 = arith.constant 0 : i32
      %parallel_loop3A_344 = arith.constant 512 : i32
      %parallel_loop3A_345 = arith.constant 1 : i32
      scf.for %parallel_loop3A_369 = %parallel_loop3A_343 to %parallel_loop3A_344 step %parallel_loop3A_345  : i32 {
        %parallel_loop3A_370 = arith.constant 16 : i32
        %parallel_loop3A_371 = arith.muli %parallel_loop3A_369, %parallel_loop3A_370 : i32
        %parallel_loop3A_372 = arith.constant 3 : i32
        %parallel_loop3A_373 = arith.index_cast %parallel_loop3A_372 : i32 to index
        %parallel_loop3A_374 = arith.index_cast %parallel_loop3A_371 : i32 to index
        %parallel_loop3A_375 = tpu.vector_load %arg8[%parallel_loop3A_373, %parallel_loop3A_374] {strides = array<i32>} : memref<4x8192xi32, #tpu.memory_space<vmem>>, vector<16xi32>,
        %parallel_loop3A_376 = tpu.vector_load_idx %arg10[%parallel_loop3A_375] : memref<32768xf32, #tpu.memory_space<vmem>>[vector<16xi32>], vector<16xf32>,
        %parallel_loop3A_377 = arith.index_cast %parallel_loop3A_371 : i32 to index
        %parallel_loop3A_378 = tpu.vector_load %arg12[%parallel_loop3A_377] {strides = array<i32>} : memref<8192xf32, #tpu.memory_space<vmem>>, vector<16xf32>,
        tpu.vector_store %arg12[%parallel_loop3A_377], %parallel_loop3A_376 {strides = array<i32>} : memref<8192xf32, #tpu.memory_space<vmem>>, vector<16xf32>,
      } {sc.loop_unroll_factor = 8 : i64, sc.parallel_access}
      %add3A_346 = arith.constant 3 : i32
      %add3A_347 = arith.addi %mul3A_0, %add3A_346 : i32
      %dma_start3A_348 = arith.constant 3 : i32
      %dma_start3A_349 = arith.constant 0 : i32
      %dma_start3A_350 = tpu.memref_slice %arg6[%dma_start3A_348, %add3A_347, %dma_start3A_349] : memref<4x64x8192xf32, #tpu.memory_space<hbm>> -> memref<1x1x8192xf32, #tpu.memory_space<hbm>>
      %dma_start3A_351 = tpu.memref_squeeze %dma_start3A_350 : memref<1x1x8192xf32, #tpu.memory_space<hbm>> -> memref<8192xf32, #tpu.memory_space<hbm>>
      %dma_start3A_352 = arith.constant 0 : i32
      %dma_start3A_353 = tpu.memref_slice %arg6[%dma_start3A_348, %add3A_347, %dma_start3A_352] : memref<4x64x8192xf32, #tpu.memory_space<hbm>> -> memref<1x1x8192xf32, #tpu.memory_space<hbm>>
      %dma_start3A_354 = tpu.memref_squeeze %dma_start3A_353 : memref<1x1x8192xf32, #tpu.memory_space<hbm>> -> memref<8192xf32, #tpu.memory_space<hbm>>
      tpu.enqueue_dma source(%arg12 : memref<8192xf32, #tpu.memory_space<vmem>>) target(%dma_start3A_354 : memref<8192xf32, #tpu.memory_space<hbm>>) target_semaphore(%arg16 : memref<!tpu.dma_semaphore, #tpu.memory_space<semaphore_mem>>)
      %dma_wait3A_355 = arith.constant 2 : i32
      %dma_wait3A_356 = arith.constant 0 : i32
      %dma_wait3A_357 = tpu.memref_slice %arg6[%dma_wait3A_355, %add3A_328, %dma_wait3A_356] : memref<4x64x8192xf32, #tpu.memory_space<hbm>> -> memref<1x1x8192xf32, #tpu.memory_space<hbm>>
      %dma_wait3A_358 = tpu.memref_squeeze %dma_wait3A_357 : memref<1x1x8192xf32, #tpu.memory_space<hbm>> -> memref<8192xf32, #tpu.memory_space<hbm>>
      %dma_wait3A_359 = arith.constant 0 : i32
      %dma_wait3A_360 = tpu.memref_slice %arg6[%dma_wait3A_355, %add3A_328, %dma_wait3A_359] : memref<4x64x8192xf32, #tpu.memory_space<hbm>> -> memref<1x1x8192xf32, #tpu.memory_space<hbm>>
      %dma_wait3A_361 = tpu.memref_squeeze %dma_wait3A_360 : memref<1x1x8192xf32, #tpu.memory_space<hbm>> -> memref<8192xf32, #tpu.memory_space<hbm>>
      tpu.wait_dma2 semaphore(%arg16 : memref<!tpu.dma_semaphore, #tpu.memory_space<semaphore_mem>>) src(%arg11 : memref<8192xf32, #tpu.memory_space<vmem>>) dst(%dma_wait3A_361 : memref<8192xf32, #tpu.memory_space<hbm>>)
      %dma_wait3A_362 = arith.constant 3 : i32
      %dma_wait3A_363 = arith.constant 0 : i32
      %dma_wait3A_364 = tpu.memref_slice %arg6[%dma_wait3A_362, %add3A_347, %dma_wait3A_363] : memref<4x64x8192xf32, #tpu.memory_space<hbm>> -> memref<1x1x8192xf32, #tpu.memory_space<hbm>>
      %dma_wait3A_365 = tpu.memref_squeeze %dma_wait3A_364 : memref<1x1x8192xf32, #tpu.memory_space<hbm>> -> memref<8192xf32, #tpu.memory_space<hbm>>
      %dma_wait3A_366 = arith.constant 0 : i32
      %dma_wait3A_367 = tpu.memref_slice %arg6[%dma_wait3A_362, %add3A_347, %dma_wait3A_366] : memref<4x64x8192xf32, #tpu.memory_space<hbm>> -> memref<1x1x8192xf32, #tpu.memory_space<hbm>>
      %dma_wait3A_368 = tpu.memref_squeeze %dma_wait3A_367 : memref<1x1x8192xf32, #tpu.memory_space<hbm>> -> memref<8192xf32, #tpu.memory_space<hbm>>
      tpu.wait_dma2 semaphore(%arg16 : memref<!tpu.dma_semaphore, #tpu.memory_space<semaphore_mem>>) src(%arg12 : memref<8192xf32, #tpu.memory_space<vmem>>) dst(%dma_wait3A_368 : memref<8192xf32, #tpu.memory_space<hbm>>)
    } else {
    }
    return
  }
}

</mosaic_0001>

<sc_bundles>
// kernel: kernel.3.cloned.1.call-start
scs
__scs_entry_jumppad:
0x0: {  	(pc) =	sbr.rel $0x88, $3  }
0x1: {  	(tag) =	ssettag $0x0;
	lr =	simm.s32 $0x1  }
0x2: {  	[smem:$0x3F9E] =	sst lr;
	_ =	strace $0xD0000000  }
0x3: {  	_ = 	snop  }
0x4: {  	_ = 	snop  }
0x5: {  	_ = 	snop  }
0x6: {  	_ = 	snop  }
0x7: {  	_ = 	snop  }
__scs_overlays_trampoline_lowered:
0x8: {  	[smem:$0x3FAD] =	sst s0  }
0x9: {  	[smem:$0x3FAE] =	sst s1  }
0xa: {  	[smem:$0x3FAF] =	sst s2  }
0xb: {  	[smem:$0x3FB0] =	sst s3  }
0xc: {  	[smem:$0x3FB1] =	sst s4  }
0xd: {  	[smem:$0x3FB2] =	sst s5  }
0xe: {  	[smem:$0x3FB3] =	sst s6  }
0xf: {  	[smem:$0x3FB4] =	sst s7  }
0x10: {  	[smem:$0x3FB5] =	sst s8  }
0x11: {  	[smem:$0x3FB6] =	sst s9;
	s0 =	simm.s32 @!p0 $0x0  }
0x12: {  	s1 =	sld [smem:$0x3F9C];
	s0 =	simm.s32 @p0 $0x1  }
0x13: {  	[smem:$0x3FB7] =	sst s0;
	s0 =	simm.s32 @!p1 $0x0  }
0x14: {  	s2 =	sld [smem:$0x3F9B];
	s0 =	simm.s32 @p1 $0x1  }
0x15: {  	[smem:$0x3FB8] =	sst s0;
	s0 =	simm.s32 @!p2 $0x0  }
0x16: {  	s3 =	sld [smem:$0x3FDB];
	s0 =	simm.s32 @p2 $0x1  }
0x17: {  	s4 =	simm.s32 $0x1BF5;
	[smem:$0x3FBA] =	sst s0  }
0x18: {  	s0 =	sld [smem:$0x3F9D];
	_ =	swait.ge [sflag:s4], $0x0  }
0x19: {  	s7 =	sld [smem:$0x3F9E]  }
0x1a: {  	s8 =	sadd.s32 $0xFFFFE003, lr  }
0x1b: {  	s9 =	sadd.s32 $0xFFFFFEF7, lr;
	s5 =	simm.s32 $0xFFFFFFFF;
	p2 =	slt.u32 s8, $0xFFFFF086  }
0x1c: {  	p1 =	slt.u32 s9, $0xF7A;
	s5 =	simm.s32 @!p2 $0x0  }
0x1d: {  	s5 =	simm.s32 @p1 $0x1;
	p0 =	seq.s32 s7, s2  }
0x1e: {  	s7 =	smul.u32 @!p0 $0xF7A, s2;
	p2 =	seq.s32 @!p0 s5, $0x0  }
0x1f: {  	s9 =	smul.u32 $0xF7A, s1;
	s8 =	simm.s32 @!p0 $0x1BF5;
	p2 =	por !p2, p0  }
0x20: {  	[sflag:s8] =	ssyncset.s32 @!p0 $0xFFFFF086;
	s6 =	sadd.s32 @!p0 s3, s7;
	s7 =	simm.s32 @!p0 $0x108  }
0x21: {  	s3 =	sadd.s32 s3, s9;
	s6 =	sadd.s32 @!p0 $0x88, s6;
	s7 =	simm.s32 @p2 $0x1082  }
0x22: {  	[simem:s7], [sflag:s8] =	dma.local @!p0 [hbm:s6], $0xF7A  }
0x23: {  	s9 =	sor.u32 $0xD0000000, s2;
	s6 =	simm.s32 $0x108;
	_ =	swait.ge @!p0 [sflag:s8], $0x0  }
0x24: {  	s3 =	sadd.s32 $0x88, s3;
	s6 =	simm.s32 @!p1 $0x1082;
	[sflag:s4] =	ssyncset.s32 $0xFFFFF086  }
0x25: {  	[simem:s6], [sflag:s4] =	dma.local [hbm:s3], $0xF7A  }
0x26: {  	[smem:$0x3F9E] =	sst s1;
	(tag) =	ssettag s2;
	_ =	strace s9  }
0x27: {  	s1 =	sld [smem:$0x3FAE]  }
0x28: {  	s2 =	sld [smem:$0x3FAF]  }
0x29: {  	s4 =	sld [smem:$0x3FB1]  }
0x2a: {  	p0 =	seq.s32 s5, $0x0;
	s5 =	sld [smem:$0x3FB2]  }
0x2b: {  	s6 =	sld [smem:$0x3FB3]  }
0x2c: {  	s7 =	sld [smem:$0x3FB4]  }
0x2d: {  	s3 =	simm.s32 $0x108;
	s8 =	sld [smem:$0x3FB5]  }
0x2e: {  	s3 =	simm.s32 @!p0 $0x1082;
	s9 =	sld [smem:$0x3FB6]  }
0x2f: {  	lr =	sadd.s32 s0, s3;
	s0 =	sld [smem:$0x3FAD]  }
0x30: {  	s3 =	sld [smem:$0x3FB0]  }
0x31: {  	[smem:$0x3FB9] =	sst s10  }
0x32: {  	s10 =	sld [smem:$0x3FB7];
	_ =	sdelay $0x3  }
0x33: {  	p0 =	seq.s32 s10, $0x1;
	s10 =	sld [smem:$0x3FB9];
	_ =	sdelay $0x3  }
0x34: {  	[smem:$0x3FB9] =	sst s10  }
0x35: {  	s10 =	sld [smem:$0x3FB8];
	_ =	sdelay $0x3  }
0x36: {  	p1 =	seq.s32 s10, $0x1;
	s10 =	sld [smem:$0x3FB9];
	_ =	sdelay $0x3  }
0x37: {  	[smem:$0x3FB9] =	sst s10  }
0x38: {  	s10 =	sld [smem:$0x3FBA]  }
0x39: {  	_ = 	snop;
	(pc) =	sbr.ind lr, $3  }
0x3a: {  	_ = 	snop  }
0x3b: {  	_ = 	snop  }
0x3c: {  	p2 =	seq.s32 s10, $0x1;
	s10 =	sld [smem:$0x3FB9]  }
0x3d: {  	_ =	shalt  }
0x3e: {  	_ =	shalt  }
0x3f: {  	_ =	shalt  }
0x40: {  	_ =	shalt  }
0x41: {  	_ =	shalt  }
0x42: {  	_ =	shalt  }
0x43: {  	_ =	shalt  }
0x44: {  	_ =	shalt  }
0x45: {  	_ =	shalt  }
0x46: {  	_ =	shalt  }
0x47: {  	_ =	shalt  }
0x48: {  	_ =	shalt  }
0x49: {  	_ =	shalt  }
0x4a: {  	_ =	shalt  }
0x4b: {  	_ =	shalt  }
0x4c: {  	_ =	shalt  }
0x4d: {  	_ =	shalt  }
0x4e: {  	_ =	shalt  }
0x4f: {  	_ =	shalt  }
0x50: {  	_ =	shalt  }
0x51: {  	_ =	shalt  }
0x52: {  	_ =	shalt  }
0x53: {  	_ =	shalt  }
0x54: {  	_ =	shalt  }
0x55: {  	_ =	shalt  }
0x56: {  	_ =	shalt  }
0x57: {  	_ =	shalt  }
0x58: {  	_ =	shalt  }
0x59: {  	_ =	shalt  }
0x5a: {  	_ =	shalt  }
0x5b: {  	_ =	shalt  }
0x5c: {  	_ =	shalt  }
0x5d: {  	_ =	shalt  }
0x5e: {  	_ =	shalt  }
0x5f: {  	_ =	shalt  }
0x60: {  	_ =	shalt  }
0x61: {  	_ =	shalt  }
0x62: {  	_ =	shalt  }
0x63: {  	_ =	shalt  }
0x64: {  	_ =	shalt  }
0x65: {  	_ =	shalt  }
0x66: {  	_ =	shalt  }
0x67: {  	_ =	shalt  }
0x68: {  	_ =	shalt  }
0x69: {  	_ =	shalt  }
0x6a: {  	_ =	shalt  }
0x6b: {  	_ =	shalt  }
0x6c: {  	_ =	shalt  }
0x6d: {  	_ =	shalt  }
0x6e: {  	_ =	shalt  }
0x6f: {  	_ =	shalt  }
0x70: {  	_ =	shalt  }
0x71: {  	_ =	shalt  }
0x72: {  	_ =	shalt  }
0x73: {  	_ =	shalt  }
0x74: {  	_ =	shalt  }
0x75: {  	_ =	shalt  }
0x76: {  	_ =	shalt  }
0x77: {  	_ =	shalt  }
0x78: {  	_ =	shalt  }
0x79: {  	_ =	shalt  }
0x7a: {  	_ =	shalt  }
0x7b: {  	_ =	shalt  }
0x7c: {  	_ =	shalt  }
0x7d: {  	_ =	shalt  }
0x7e: {  	_ =	shalt  }
0x7f: {  	_ =	shalt  }
0x80: {  	_ =	shalt  }
0x81: {  	_ =	shalt  }
0x82: {  	_ =	shalt  }
0x83: {  	_ =	shalt  }
0x84: {  	_ =	shalt  }
0x85: {  	_ =	shalt  }
0x86: {  	_ =	shalt  }
0x87: {  	_ =	shalt  }
.Lfunc_end0:
.L_simem_size_0:
called_computation_lowered:
.L_overlay_start_0:
0x88: {  	s2 =	sld [smem:$0x3FD9]  }
0x89: {  	s3 =	sld [smem:$0x3FFE];
	_ =	sdelay $0x1  }
0x8a: {  	s1 =	srdreg.scid  }
0x8b: {  	s0 =	sand.u32 $0x1, s1  }
0x8c: {  	s15 =	sshll.u32 s0, $0xA;
	s2 =	sadd.s32 s3, s2  }
0x8d: {  	s2 =	sadd.s32 s2, s15  }
0x8e: {  	[smem:$0x3FC5] =	sst s2  }
0x8f: {  	_ = 	snop  }
0x90: {  	s2 =	sld [smem:$0x3FD0]  }
0x91: {  	s16 =	sld [smem:$0x3FC9]  }
0x92: {  	s4 =	sld [smem:$0x3FC8]  }
0x93: {  	s6 =	simm.s32 $0xA;
	s7 =	simm.s32 $0x10;
	s5 =	sld [smem:$0x3FC7]  }
0x94: {  	[smem:s7], [sflag:s6] =	dma.local [hbm:s2], $0x1  }
0x95: {  	_ =	swait.eq [sflag:s6], $0x1  }
0x96: {  	[sflag:s6] =	ssyncset.done $0x0  }
0x97: {  	s17 =	sld [smem:$0x10];
	[sflag:s6] =	ssyncadd.s32 $0xFFFFFFFF  }
0x98: {  	s18 =	sld [smem:$0x11];
	(tm) =	ssettm $0x1  }
0x99: {  	s19 =	sld [smem:$0x3FFB];
	_ =	sdelay $0x3  }
0x9a: {  	_ =	strace s19  }
0x9b: {  	s7 =	sld [smem:$0x3FFC];
	_ =	sdelay $0x3  }
0x9c: {  	_ =	strace s7  }
0x9d: {  	s7 =	sld [smem:$0x3FFD];
	_ =	sdelay $0x3  }
0x9e: {  	_ =	strace s7  }
0x9f: {  	_ =	strace $0x8FFFFFFF  }
0xa0: {  	s20 =	sld [smem:$0x3FDB];
	_ =	sdelay $0x1  }
0xa1: {  	s8 =	simm.s32 $_scs_section_size  }
0xa2: {  	s9 =	simm.s32 $_size__tile_overlayer_lowered;
	s10 =	simm.s32 $_tile_overlayer_lowered  }
0xa3: {  	s23 =	simm.s32 $0x1BFF;
	s22 =	sshll.u32 s10, $0x1;
	s7 =	sadd.s32 s8, s20  }
0xa4: {  	s11 =	simm.s32 $0x0;
	s21 =	sshll.u32 s9, $0x1;
	s9 =	sadd.s32 s22, s7  }
0xa5: {  	[timem:s11], [sflag:s23] =	dma.local [hbm:s9], s21  }
0xa6: {  	_ =	swait.ge [sflag:s23], s21  }
0xa7: {  	s8 =	ssub.s32 $0x0, s21;
	[sflag:s23] =	ssyncset.done $0x0  }
0xa8: {  	[sflag:s23] =	ssyncadd.s32 s8;
	_ =	sdelay $0x1  }
0xa9: {  	s24 =	simm.s32 $0x1B8B  }
0xaa: {  	_ =	swait.ge [sflag:s24], $0x1  }
0xab: {  	[sflag:s24] =	ssyncset.done $0x0  }
0xac: {  	s25 =	simm.s32 $0x1B8E;
	[sflag:s24] =	ssyncadd.s32 $0xFFFFFFFF  }
0xad: {  	s26 =	simm.s32 $execute0_lowered;
	[smem:$0x3FD2] =	sst s25  }
0xae: {  	s8 =	sshll.u32 s26, $0x1;
	_ =	strace $0x80000046;
	[dreg:$0x1] =	wrdreg $0xFFFFFFFF  }
0xaf: {  	s28 =	simm.s32 $_size_execute0_lowered;
	s7 =	sadd.s32 s7, s8;
	[dreg:$0x0] =	wrdreg $0x0  }
0xb0: {  	s8 =	sshll.u32 s28, $0x1;
	[dreg:$0x2] =	wrdreg s7  }
0xb1: {  	[dreg:$0x3] =	wrdreg s8  }
0xb2: {  	[dreg:$0x4] =	wrdreg $0xC0  }
0xb3: {  	_ =	task [dreg:s11], $0x5FFFF  }
0xb4: {  	[dreg:$0x1] =	wrdreg $0xFFFFFFFF  }
0xb5: {  	[dreg:$0x0] =	wrdreg $0x60  }
0xb6: {  	[dreg:$0x2] =	wrdreg s16  }
0xb7: {  	[dreg:$0x3] =	wrdreg s4  }
0xb8: {  	[dreg:$0x4] =	wrdreg s5  }
0xb9: {  	[dreg:$0x5] =	wrdreg s17  }
0xba: {  	[dreg:$0x6] =	wrdreg s18  }
0xbb: {  	[dreg:$0x7] =	wrdreg $0x0  }
0xbc: {  	[dreg:$0x8] =	wrdreg $0x9  }
0xbd: {  	_ =	task.clear_ibuf [dreg:s11], $0x9FFFF;
	_ =	strace $0x90000046  }
0xbe: {  	s29 =	simm.s32 $0x9;
	_ =	strace $0x80000048  }
0xbf: {  	_ =	swait.ge [sflag:s29], $0x1  }
0xc0: {  	[sflag:s29] =	ssyncadd.s32 $0xFFFFFFFF  }
0xc1: {  	_ =	strace $0x90000048  }
0xc2: {  	_ =	sfence  }
0xc3: {  	s30 =	sld [smem:$0x0];
	_ =	sdelay $0x2  }
0xc4: {  	s31 =	sshll.u32 s1, $0xD;
	s1 =	sshrl.u32 s1, $0x2  }
0xc5: {  	s3 =	sand.u32 $0x4000, s31;
	s1 =	sadd.s32 s1, s30  }
0xc6: {  	s0 =	sor.u32 s3, s0;
	s1 =	sshll.u32 s1, $0x11  }
0xc7: {  	s0 =	sor.u32 s1, s0  }
0xc8: {  	s0 =	sadd.s32 $0x8F2B, s0  }
0xc9: {  	[sflag:s0] =	ssyncadd.remote.s32 $0x1  }
0xca: {  	_ =	sfence.sel $0xFFFF  }
0xcb: {  	[dreg:$0x0] =	wrdreg $0xFFFFFFFF;
	(pc) =	sbr.abs _section_cstart, $3  }
0xcc: {  	[dreg:$0x1] =	wrdreg $0xFFFFFFFF  }
0xcd: {  	_ =	task.clear_ibuf [dreg:s11], $0x2FFFF;
	_ =	strace $0x9FFFFFFF  }
0xce: {  	(tm) =	ssettm $0x7FFFFFFF  }
0xcf: {  	_ =	shalt  }
tec
execute0_lowered:
.L_overlay_start_1:
0x0: {  	(tag) =	ssettag $0x1  }
0x1: {  	s2 =	rddreg [dreg:$0x1]  }
0x2: {  	s0 =	srdreg.scid;
	s3 =	rddreg [dreg:$0x2]  }
0x3: {  	s4 =	stileid.u32;
	s28 =	rddreg [dreg:$0x3];
	s0 =	sand.u32 $0x1, s0  }
0x4: {  	s26 =	sshrl.u32 s4, $0x1;
	s29 =	sshll.u32 s4, $0x9;
	p1 =	sne.s32 s4, $0x0  }
0x5: {  	s1 =	ssub.s32 $0x2, s0;
	s30 =	sand.u32 $0x200, s29;
	s31 =	sshll.u32 s26, $0x12  }
0x6: {  	p0 =	seq.s32 s0, $0x1;
	s5 =	sshrl.u32 s1, $0x1;
	s6 =	sor.u32 s30, s31  }
0x7: {  	s7 =	sor.u32 $0x80, s30;
	s16 =	sor.u32 $0x100, s30;
	s0 =	sor.u32 $0x180, s30  }
0x8: {  	s17 =	ssub.s32 s1, s5;
	s1 =	sshll.u32 s26, $0x10;
	s8 =	sor.u32 s31, s7  }
0x9: {  	s18 =	sor.u32 s31, s16;
	s5 =	sor.u32 s31, s0;
	s6 =	sshrl.u32 s6, $0x3  }
0xa: {  	s9 =	sor.u32 s30, s1;
	s10 =	sor.u32 $0x80000, s1;
	s11 =	sor.u32 $0x100000, s1  }
0xb: {  	s13 =	sor.u32 $0x180000, s1;
	s19 =	sor.u32 s1, s7;
	s22 =	sor.u32 s1, s16  }
0xc: {  	s25 =	sor.u32 s1, s0;
	s1 =	simm.s32 $0x0;
	s8 =	sshrl.u32 s8, $0x3  }
0xd: {  	s18 =	sshrl.u32 s18, $0x3;
	s5 =	sshrl.u32 s5, $0x3;
	s29 =	sadd.s32 s2, s6  }
0xe: {  	s6 =	sadd.s32 s3, s6;
	s12 =	sor.u32 s30, s10;
	[smem:$0x7FF] =	sst s1  }
0xf: {  	s14 =	sor.u32 s30, s11;
	s15 =	sor.u32 s30, s13;
	[dreg:$0x7] =	wrdreg s29  }
0x10: {  	s20 =	sor.u32 s7, s10;
	s21 =	sor.u32 s7, s11;
	s29 =	rddreg [dreg:$0x4]  }
0x11: {  	s7 =	sor.u32 s7, s13;
	s30 =	sadd.s32 s2, s8;
	[dreg:$0xb] =	wrdreg s6  }
0x12: {  	s23 =	sor.u32 s16, s10;
	s31 =	sadd.s32 s2, s18;
	[dreg:$0x8] =	wrdreg s30  }
0x13: {  	s24 =	sor.u32 s16, s11;
	s2 =	sadd.s32 s2, s5;
	[dreg:$0x9] =	wrdreg s31  }
0x14: {  	s26 =	sor.u32 s0, s11;
	s11 =	sadd.s32 s3, s8;
	[dreg:$0xa] =	wrdreg s2  }
0x15: {  	s16 =	sor.u32 s16, s13;
	s10 =	sor.u32 s0, s10;
	[dreg:$0xc] =	wrdreg s11  }
0x16: {  	s0 =	sor.u32 s0, s13;
	s13 =	sadd.s32 s3, s18;
	s11 =	rddreg [dreg:$0x5]  }
0x17: {  	s17 =	smax.u32 s17, $0x1;
	s18 =	sadd.s32 s3, s5;
	[dreg:$0xd] =	wrdreg s13  }
0x18: {  	s6 =	sshrl.u32 s19, $0x3;
	[dreg:$0xe] =	wrdreg s18;
	s30 =	sshrl.u32 s9, $0x3  }
0x19: {  	s31 =	sshrl.u32 s12, $0x3;
	s4 =	sshrl.u32 s14, $0x3;
	s5 =	sshrl.u32 s15, $0x3  }
0x1a: {  	s8 =	sshrl.u32 s20, $0x3;
	s9 =	sshrl.u32 s21, $0x3;
	s7 =	sshrl.u32 s7, $0x3  }
0x1b: {  	s12 =	sshrl.u32 s22, $0x3;
	s13 =	sshrl.u32 s23, $0x3;
	s15 =	sshrl.u32 s24, $0x3  }
0x1c: {  	s16 =	sshrl.u32 s16, $0x3;
	s18 =	sshrl.u32 s25, $0x3;
	s21 =	sadd.s32 s28, s6  }
0x1d: {  	s22 =	sadd.s32 s29, s6;
	_ =	strace $0x80000047;
	[dreg:$0x17] =	wrdreg s21  }
0x1e: {  	s19 =	sshrl.u32 s10, $0x3;
	s25 =	sadd.s32 s28, s30;
	[dreg:$0x18] =	wrdreg s22  }
0x1f: {  	s20 =	sshrl.u32 s26, $0x3;
	s26 =	sadd.s32 s29, s30;
	[dreg:$0xf] =	wrdreg s25  }
0x20: {  	s14 =	sshrl.u32 s0, $0x3;
	s30 =	sadd.s32 s28, s31;
	[dreg:$0x10] =	wrdreg s26  }
0x21: {  	s31 =	sadd.s32 s29, s31;
	s2 =	sadd.s32 s28, s4;
	[dreg:$0x11] =	wrdreg s30  }
0x22: {  	s3 =	sadd.s32 s29, s4;
	s4 =	sadd.s32 s28, s5;
	[dreg:$0x12] =	wrdreg s31  }
0x23: {  	s10 =	sadd.s32 s29, s5;
	s23 =	sadd.s32 s28, s8;
	[dreg:$0x13] =	wrdreg s2  }
0x24: {  	s24 =	sadd.s32 s29, s8;
	s8 =	sadd.s32 s28, s12;
	[dreg:$0x14] =	wrdreg s3  }
0x25: {  	s0 =	sadd.s32 s29, s13;
	s5 =	sadd.s32 s28, s16;
	[dreg:$0x15] =	wrdreg s4  }
0x26: {  	s6 =	sadd.s32 s29, s16;
	s16 =	sadd.s32 s29, s20;
	[dreg:$0x16] =	wrdreg s10  }
0x27: {  	s21 =	simm.s32 $0x1;
	s22 =	simm.s32 $0x10800;
	[dreg:$0x19] =	wrdreg s23  }
0x28: {  	[dreg:$0x1a] =	wrdreg s24;
	s25 =	sadd.s32 s28, s9;
	s26 =	sadd.s32 s29, s9  }
0x29: {  	s30 =	sadd.s32 s28, s7;
	s31 =	sadd.s32 s29, s7;
	s2 =	sadd.s32 s29, s12  }
0x2a: {  	s7 =	sadd.s32 s28, s13;
	s3 =	sadd.s32 s28, s15;
	s4 =	sadd.s32 s29, s15  }
0x2b: {  	s9 =	sadd.s32 s28, s18;
	s10 =	sadd.s32 s29, s18;
	s12 =	sadd.s32 s28, s19  }
.Ltmp0:
0x2c: {  	s13 =	sadd.s32 s29, s19;
	s15 =	sadd.s32 s28, s20;
	(pc) =	sbr.rel .LBB2_1-.Ltmp0, $4  }
0x2d: {  	s18 =	simm.s32 $0x80;
	s19 =	simm.s32 $0x400;
	[dreg:$0x1b] =	wrdreg s25  }
0x2e: {  	s20 =	simm.s32 $0x8800;
	s23 =	simm.s32 $0x2;
	[dreg:$0x1c] =	wrdreg s26  }
0x2f: {  	s24 =	simm.s32 $0x18800;
	s28 =	simm.s32 $0x3;
	[dreg:$0x1d] =	wrdreg s30  }
0x30: {  	[dreg:$0x1e] =	wrdreg s31;
	s25 =	simm.s32 $0x1A800;
	s26 =	simm.s32 $0x4  }
.LBB2_67:
0x31: {  	[tilespmem:s29+$0xFFFFFFE0] =	vst v5  }
0x32: {  	[tilespmem:s29+$0xFFFFFFF0] =	vst v3  }
0x33: {  	[tilespmem:s29+$0x0] =	vst v0  }
0x34: {  	[tilespmem:s29+$0x10] =	vst v1  }
0x35: {  	[tilespmem:s29+$0x20] =	vst v2  }
0x36: {  	[tilespmem:s29+$0xFFFFFFC0] =	vst v4;
	s29 =	rddreg [dreg:$0x4]  }
.LBB2_68:
0x37: {  	s29 =	sadd.s32 s29, s14;
	s1 =	sadd.s32 $0x1, s1  }
0x38: {  	[hbm4b:s29+s18] =	stream.strided.scatter [tilespmem:s25], [sflag:$0x4], $0x2000, s19, s18, $0x38;
	[tilespmem:$0x1C800] =	vst v63  }
0x39: {  	p2 =	sne.s32 s1, s17;
	_ =	swait.ge [sflag:s26], $0x2000  }
.Ltmp1:
0x3a: {  	[sflag:s26] =	ssyncset.done $0x0;
	(pc) =	sbr.rel @!p2 .LBB2_69-.Ltmp1, $4  }
0x3b: {  	[sflag:s26] =	ssyncadd.s32 $0xFFFFE000  }
0x3c: {  	_ =	swait.ge [sflag:s26], $0x2000  }
0x3d: {  	[sflag:s26] =	ssyncset.done $0x0  }
0x3e: {  	[sflag:s26] =	ssyncadd.s32 $0xFFFFE000  }
.LBB2_1:
.Ltmp2:
0x3f: {  	(pc) =	sbr.rel @!p0 .LBB2_2-.Ltmp2, $2  }
0x40: {  	_ =	sdelay $0x2  }
0x41: {  	s29 =	sshrl.u32 @!p1 s11, $0x3  }
0x42: {  	s30 =	rddreg [dreg:$0xb]  }
0x43: {  	[tilespmem:s20], [sflag:$0x2] =	stream.strided.gather [hbm4b:s30+s18], $0x8000, s19, s18, $0x38;
	[tilespmem:$0x1C800] =	vst v63  }
0x44: {  	s31 =	rddreg [dreg:$0x0];
	s30 =	simm.s32 @!p1 $0x1C05  }
0x45: {  	[spmem:s29], [sflag:s30] =	dma.local @!p1 [hbm:s31], $0x1000  }
0x46: {  	s29 =	simm.s32 @!p1 $0x5  }
0x47: {  	_ =	swait.ge @!p1 [sflag:s29], $0x1000  }
0x48: {  	[sflag:s29] =	ssyncset.done @!p1 $0x0  }
0x49: {  	[sflag:s29] =	ssyncadd.s32 @!p1 $0xFFFFF000  }
0x4a: {  	s29 =	simm.s32 $0x800;
	[bflag:$0x0] =	sbarrier.arrive $0xFFFF  }
0x4b: {  	[tilespmem:s29], [sflag:$0x1] =	stream.linear.gather [spmem:s11], $0x8000, $0x38;
	[tilespmem:$0x1C800] =	vst v63  }
0x4c: {  	_ =	swait.ge [sflag:s21], $0x8000  }
0x4d: {  	[sflag:s21] =	ssyncset.done $0x0  }
0x4e: {  	s29 =	rddreg [dreg:$0xc];
	[sflag:s21] =	ssyncadd.s32 $0xFFFF8000  }
0x4f: {  	[tilespmem:s22], [sflag:$0x3] =	stream.strided.gather [hbm4b:s29+s18], $0x8000, s19, s18, $0x38;
	[tilespmem:$0x1C800] =	vst v63  }
0x50: {  	_ =	swait.ge [sflag:s23], $0x8000  }
0x51: {  	[sflag:s23] =	ssyncset.done $0x0  }
0x52: {  	s29 =	simm.s32 $0x840;
	[sflag:s23] =	ssyncadd.s32 $0xFFFF8000  }
0x53: {  	v0 =	vld [tilespmem:s29+$0x30]  }
0x54: {  	v1 =	vld [tilespmem:s29+$0xFFFFFFD0]  }
0x55: {  	v2 =	vld [tilespmem:s29+$0xFFFFFFE0]  }
0x56: {  	v3 =	vld [tilespmem:s29+$0xFFFFFFF0]  }
0x57: {  	v4 =	vld [tilespmem:s29+$0x0]  }
0x58: {  	v6 =	vld [tilespmem:s29+$0x10]  }
0x59: {  	v7 =	vld [tilespmem:s29+$0x20]  }
0x5a: {  	v8 =	vld [tilespmem:s29+$0xFFFFFFC0]  }
0x5b: {  	v9 =	vld.idx.msk [tilespmem:v0+s20+$0x0], $0xffff  }
0x5c: {  	v10 =	vld.idx.msk [tilespmem:v1+s20+$0x0], $0xffff  }
0x5d: {  	v5 =	vld.idx.msk [tilespmem:v2+s20+$0x0], $0xffff  }
0x5e: {  	v3 =	vld.idx.msk [tilespmem:v3+s20+$0x0], $0xffff  }
0x5f: {  	v0 =	vld.idx.msk [tilespmem:v4+s20+$0x0], $0xffff  }
0x60: {  	s29 =	simm.s32 $0x18840;
	v1 =	vld.idx.msk [tilespmem:v6+s20+$0x0], $0xffff  }
0x61: {  	v2 =	vld.idx.msk [tilespmem:v7+s20+$0x0], $0xffff;
	[tilespmem:s29+$0x30] =	vst v9  }
0x62: {  	s30 =	simm.s32 $0x0;
	s31 =	simm.s32 $0xA40;
	v4 =	vld.idx.msk [tilespmem:v8+s20+$0x0], $0xffff;
	[tilespmem:s29+$0xFFFFFFD0] =	vst v10  }
.LBB2_36:
0x63: {  	v6 =	vld [tilespmem:s31+$0x30];
	s30 =	sadd.s32 $0x8, s30;
	[tilespmem:s29+$0xFFFFFFE0] =	vst v5  }
0x64: {  	v5 =	vld [tilespmem:s31+$0xFFFFFFD0];
	p2 =	slt.u32 s30, $0x1F8;
	[tilespmem:s29+$0xFFFFFFF0] =	vst v3  }
0x65: {  	v3 =	vld [tilespmem:s31+$0xFFFFFFE0];
	[tilespmem:s29+$0x0] =	vst v0  }
0x66: {  	v0 =	vld [tilespmem:s31+$0xFFFFFFF0];
	[tilespmem:s29+$0x10] =	vst v1  }
0x67: {  	v1 =	vld [tilespmem:s31+$0x0];
	[tilespmem:s29+$0x20] =	vst v2  }
0x68: {  	v2 =	vld [tilespmem:s31+$0x10];
	[tilespmem:s29+$0xFFFFFFC0] =	vst v4  }
0x69: {  	v4 =	vld [tilespmem:s31+$0x20]  }
0x6a: {  	v7 =	vld [tilespmem:s31+$0xFFFFFFC0]  }
0x6b: {  	v6 =	vld.idx.msk [tilespmem:v6+s20+$0x0], $0xffff  }
0x6c: {  	v8 =	vld.idx.msk [tilespmem:v5+s20+$0x0], $0xffff  }
0x6d: {  	v5 =	vld.idx.msk [tilespmem:v3+s20+$0x0], $0xffff  }
.Ltmp3:
0x6e: {  	v3 =	vld.idx.msk [tilespmem:v0+s20+$0x0], $0xffff;
	(pc) =	sbr.rel @p2 .LBB2_36-.Ltmp3, $4  }
0x6f: {  	v0 =	vld.idx.msk [tilespmem:v1+s20+$0x0], $0xffff  }
0x70: {  	s29 =	sadd.s32 $0x80, s29;
	v1 =	vld.idx.msk [tilespmem:v2+s20+$0x0], $0xffff  }
0x71: {  	v2 =	vld.idx.msk [tilespmem:v4+s20+$0x0], $0xffff;
	[tilespmem:s29+$0x30] =	vst v6  }
0x72: {  	s31 =	sadd.s32 $0x200, s31;
	v4 =	vld.idx.msk [tilespmem:v7+s20+$0x0], $0xffff;
	[tilespmem:s29+$0xFFFFFFD0] =	vst v8  }
0x73: {  	[tilespmem:s29+$0xFFFFFFE0] =	vst v5  }
0x74: {  	[tilespmem:s29+$0xFFFFFFF0] =	vst v3  }
0x75: {  	[tilespmem:s29+$0x0] =	vst v0  }
0x76: {  	[tilespmem:s29+$0x10] =	vst v1  }
0x77: {  	[tilespmem:s29+$0x20] =	vst v2  }
0x78: {  	[tilespmem:s29+$0xFFFFFFC0] =	vst v4  }
0x79: {  	s29 =	rddreg [dreg:$0x10]  }
0x7a: {  	[hbm4b:s29+s18] =	stream.strided.scatter [tilespmem:s24], [sflag:$0x4], $0x2000, s19, s18, $0x38;
	[tilespmem:$0x1C800] =	vst v63  }
0x7b: {  	s29 =	simm.s32 $0x8F0  }
0x7c: {  	v0 =	vld [tilespmem:s29+$0x0]  }
0x7d: {  	v1 =	vld [tilespmem:s29+$0xFFFFFFA0]  }
0x7e: {  	v2 =	vld [tilespmem:s29+$0xFFFFFFB0]  }
0x7f: {  	v3 =	vld [tilespmem:s29+$0xFFFFFFC0]  }
0x80: {  	v4 =	vld [tilespmem:s29+$0xFFFFFFD0]  }
0x81: {  	v6 =	vld [tilespmem:s29+$0xFFFFFFE0]  }
0x82: {  	v7 =	vld [tilespmem:s29+$0xFFFFFFF0]  }
0x83: {  	v8 =	vld [tilespmem:s29+$0xFFFFFF90]  }
0x84: {  	v9 =	vld.idx.msk [tilespmem:v0+s20+$0x0], $0xffff  }
0x85: {  	v10 =	vld.idx.msk [tilespmem:v1+s20+$0x0], $0xffff  }
0x86: {  	v5 =	vld.idx.msk [tilespmem:v2+s20+$0x0], $0xffff  }
0x87: {  	v3 =	vld.idx.msk [tilespmem:v3+s20+$0x0], $0xffff  }
0x88: {  	v0 =	vld.idx.msk [tilespmem:v4+s20+$0x0], $0xffff  }
0x89: {  	s29 =	simm.s32 $0x1A840;
	v1 =	vld.idx.msk [tilespmem:v6+s20+$0x0], $0xffff  }
0x8a: {  	v2 =	vld.idx.msk [tilespmem:v7+s20+$0x0], $0xffff;
	[tilespmem:s29+$0x30] =	vst v9  }
0x8b: {  	s30 =	simm.s32 $0x0;
	s31 =	simm.s32 $0xAF0;
	v4 =	vld.idx.msk [tilespmem:v8+s20+$0x0], $0xffff;
	[tilespmem:s29+$0xFFFFFFD0] =	vst v10  }
.LBB2_38:
0x8c: {  	v6 =	vld [tilespmem:s31+$0x0];
	s30 =	sadd.s32 $0x8, s30;
	[tilespmem:s29+$0xFFFFFFE0] =	vst v5  }
0x8d: {  	v5 =	vld [tilespmem:s31+$0xFFFFFFA0];
	p2 =	slt.u32 s30, $0x1F8;
	[tilespmem:s29+$0xFFFFFFF0] =	vst v3  }
0x8e: {  	v3 =	vld [tilespmem:s31+$0xFFFFFFB0];
	[tilespmem:s29+$0x0] =	vst v0  }
0x8f: {  	v0 =	vld [tilespmem:s31+$0xFFFFFFC0];
	[tilespmem:s29+$0x10] =	vst v1  }
0x90: {  	v1 =	vld [tilespmem:s31+$0xFFFFFFD0];
	[tilespmem:s29+$0x20] =	vst v2  }
0x91: {  	v2 =	vld [tilespmem:s31+$0xFFFFFFE0];
	[tilespmem:s29+$0xFFFFFFC0] =	vst v4  }
0x92: {  	v4 =	vld [tilespmem:s31+$0xFFFFFFF0]  }
0x93: {  	v7 =	vld [tilespmem:s31+$0xFFFFFF90]  }
0x94: {  	v6 =	vld.idx.msk [tilespmem:v6+s20+$0x0], $0xffff  }
0x95: {  	v8 =	vld.idx.msk [tilespmem:v5+s20+$0x0], $0xffff  }
0x96: {  	v5 =	vld.idx.msk [tilespmem:v3+s20+$0x0], $0xffff  }
.Ltmp4:
0x97: {  	v3 =	vld.idx.msk [tilespmem:v0+s20+$0x0], $0xffff;
	(pc) =	sbr.rel @p2 .LBB2_38-.Ltmp4, $4  }
0x98: {  	v0 =	vld.idx.msk [tilespmem:v1+s20+$0x0], $0xffff  }
0x99: {  	s29 =	sadd.s32 $0x80, s29;
	v1 =	vld.idx.msk [tilespmem:v2+s20+$0x0], $0xffff  }
0x9a: {  	v2 =	vld.idx.msk [tilespmem:v4+s20+$0x0], $0xffff;
	[tilespmem:s29+$0x30] =	vst v6  }
0x9b: {  	s31 =	sadd.s32 $0x200, s31;
	v4 =	vld.idx.msk [tilespmem:v7+s20+$0x0], $0xffff;
	[tilespmem:s29+$0xFFFFFFD0] =	vst v8  }
0x9c: {  	[tilespmem:s29+$0xFFFFFFE0] =	vst v5  }
0x9d: {  	[tilespmem:s29+$0xFFFFFFF0] =	vst v3  }
0x9e: {  	[tilespmem:s29+$0x0] =	vst v0  }
0x9f: {  	[tilespmem:s29+$0x10] =	vst v1  }
0xa0: {  	[tilespmem:s29+$0x20] =	vst v2  }
0xa1: {  	[tilespmem:s29+$0xFFFFFFC0] =	vst v4  }
0xa2: {  	s29 =	rddreg [dreg:$0x12]  }
0xa3: {  	[hbm4b:s29+s18] =	stream.strided.scatter [tilespmem:s25], [sflag:$0x4], $0x2000, s19, s18, $0x38;
	[tilespmem:$0x1C800] =	vst v63  }
0xa4: {  	_ =	swait.ge [sflag:s26], $0x2000  }
0xa5: {  	[sflag:s26] =	ssyncset.done $0x0  }
0xa6: {  	s29 =	simm.s32 $0x970;
	[sflag:s26] =	ssyncadd.s32 $0xFFFFE000  }
0xa7: {  	v0 =	vld [tilespmem:s29+$0x0]  }
0xa8: {  	v1 =	vld [tilespmem:s29+$0xFFFFFFA0]  }
0xa9: {  	v2 =	vld [tilespmem:s29+$0xFFFFFFB0]  }
0xaa: {  	v3 =	vld [tilespmem:s29+$0xFFFFFFC0]  }
0xab: {  	v4 =	vld [tilespmem:s29+$0xFFFFFFD0]  }
0xac: {  	v6 =	vld [tilespmem:s29+$0xFFFFFFE0]  }
0xad: {  	v7 =	vld [tilespmem:s29+$0xFFFFFFF0]  }
0xae: {  	v8 =	vld [tilespmem:s29+$0xFFFFFF90]  }
0xaf: {  	v9 =	vld.idx.msk [tilespmem:v0+s20+$0x0], $0xffff  }
0xb0: {  	v10 =	vld.idx.msk [tilespmem:v1+s20+$0x0], $0xffff  }
0xb1: {  	v5 =	vld.idx.msk [tilespmem:v2+s20+$0x0], $0xffff  }
0xb2: {  	v3 =	vld.idx.msk [tilespmem:v3+s20+$0x0], $0xffff  }
0xb3: {  	v0 =	vld.idx.msk [tilespmem:v4+s20+$0x0], $0xffff  }
0xb4: {  	s29 =	simm.s32 $0x18840;
	v1 =	vld.idx.msk [tilespmem:v6+s20+$0x0], $0xffff  }
0xb5: {  	v2 =	vld.idx.msk [tilespmem:v7+s20+$0x0], $0xffff;
	[tilespmem:s29+$0x30] =	vst v9  }
0xb6: {  	s30 =	simm.s32 $0x0;
	s31 =	simm.s32 $0xB70;
	v4 =	vld.idx.msk [tilespmem:v8+s20+$0x0], $0xffff;
	[tilespmem:s29+$0xFFFFFFD0] =	vst v10  }
.LBB2_40:
0xb7: {  	v6 =	vld [tilespmem:s31+$0x0];
	s30 =	sadd.s32 $0x8, s30;
	[tilespmem:s29+$0xFFFFFFE0] =	vst v5  }
0xb8: {  	v5 =	vld [tilespmem:s31+$0xFFFFFFA0];
	p2 =	slt.u32 s30, $0x1F8;
	[tilespmem:s29+$0xFFFFFFF0] =	vst v3  }
0xb9: {  	v3 =	vld [tilespmem:s31+$0xFFFFFFB0];
	[tilespmem:s29+$0x0] =	vst v0  }
0xba: {  	v0 =	vld [tilespmem:s31+$0xFFFFFFC0];
	[tilespmem:s29+$0x10] =	vst v1  }
0xbb: {  	v1 =	vld [tilespmem:s31+$0xFFFFFFD0];
	[tilespmem:s29+$0x20] =	vst v2  }
0xbc: {  	v2 =	vld [tilespmem:s31+$0xFFFFFFE0];
	[tilespmem:s29+$0xFFFFFFC0] =	vst v4  }
0xbd: {  	v4 =	vld [tilespmem:s31+$0xFFFFFFF0]  }
0xbe: {  	v7 =	vld [tilespmem:s31+$0xFFFFFF90]  }
0xbf: {  	v6 =	vld.idx.msk [tilespmem:v6+s20+$0x0], $0xffff  }
0xc0: {  	v8 =	vld.idx.msk [tilespmem:v5+s20+$0x0], $0xffff  }
0xc1: {  	v5 =	vld.idx.msk [tilespmem:v3+s20+$0x0], $0xffff  }
.Ltmp5:
0xc2: {  	v3 =	vld.idx.msk [tilespmem:v0+s20+$0x0], $0xffff;
	(pc) =	sbr.rel @p2 .LBB2_40-.Ltmp5, $4  }
0xc3: {  	v0 =	vld.idx.msk [tilespmem:v1+s20+$0x0], $0xffff  }
0xc4: {  	s29 =	sadd.s32 $0x80, s29;
	v1 =	vld.idx.msk [tilespmem:v2+s20+$0x0], $0xffff  }
0xc5: {  	v2 =	vld.idx.msk [tilespmem:v4+s20+$0x0], $0xffff;
	[tilespmem:s29+$0x30] =	vst v6  }
0xc6: {  	s31 =	sadd.s32 $0x200, s31;
	v4 =	vld.idx.msk [tilespmem:v7+s20+$0x0], $0xffff;
	[tilespmem:s29+$0xFFFFFFD0] =	vst v8  }
0xc7: {  	[tilespmem:s29+$0xFFFFFFE0] =	vst v5  }
0xc8: {  	[tilespmem:s29+$0xFFFFFFF0] =	vst v3  }
0xc9: {  	[tilespmem:s29+$0x0] =	vst v0  }
0xca: {  	[tilespmem:s29+$0x10] =	vst v1  }
0xcb: {  	[tilespmem:s29+$0x20] =	vst v2  }
0xcc: {  	[tilespmem:s29+$0xFFFFFFC0] =	vst v4  }
0xcd: {  	s29 =	rddreg [dreg:$0x14]  }
0xce: {  	[hbm4b:s29+s18] =	stream.strided.scatter [tilespmem:s24], [sflag:$0x4], $0x2000, s19, s18, $0x38;
	[tilespmem:$0x1C800] =	vst v63  }
0xcf: {  	_ =	swait.ge [sflag:s26], $0x2000  }
0xd0: {  	[sflag:s26] =	ssyncset.done $0x0  }
0xd1: {  	s29 =	simm.s32 $0x9F0;
	[sflag:s26] =	ssyncadd.s32 $0xFFFFE000  }
0xd2: {  	v0 =	vld [tilespmem:s29+$0x0]  }
0xd3: {  	v1 =	vld [tilespmem:s29+$0xFFFFFFA0]  }
0xd4: {  	v2 =	vld [tilespmem:s29+$0xFFFFFFB0]  }
0xd5: {  	v3 =	vld [tilespmem:s29+$0xFFFFFFC0]  }
0xd6: {  	v4 =	vld [tilespmem:s29+$0xFFFFFFD0]  }
0xd7: {  	v6 =	vld [tilespmem:s29+$0xFFFFFFE0]  }
0xd8: {  	v7 =	vld [tilespmem:s29+$0xFFFFFFF0]  }
0xd9: {  	v8 =	vld [tilespmem:s29+$0xFFFFFF90]  }
0xda: {  	v9 =	vld.idx.msk [tilespmem:v0+s20+$0x0], $0xffff  }
0xdb: {  	v10 =	vld.idx.msk [tilespmem:v1+s20+$0x0], $0xffff  }
0xdc: {  	v5 =	vld.idx.msk [tilespmem:v2+s20+$0x0], $0xffff  }
0xdd: {  	v3 =	vld.idx.msk [tilespmem:v3+s20+$0x0], $0xffff  }
0xde: {  	v0 =	vld.idx.msk [tilespmem:v4+s20+$0x0], $0xffff  }
0xdf: {  	s29 =	simm.s32 $0x1A840;
	v1 =	vld.idx.msk [tilespmem:v6+s20+$0x0], $0xffff  }
0xe0: {  	v2 =	vld.idx.msk [tilespmem:v7+s20+$0x0], $0xffff;
	[tilespmem:s29+$0x30] =	vst v9  }
0xe1: {  	s30 =	simm.s32 $0x0;
	s31 =	simm.s32 $0xBF0;
	v4 =	vld.idx.msk [tilespmem:v8+s20+$0x0], $0xffff;
	[tilespmem:s29+$0xFFFFFFD0] =	vst v10  }
.LBB2_42:
0xe2: {  	v6 =	vld [tilespmem:s31+$0x0];
	s30 =	sadd.s32 $0x8, s30;
	[tilespmem:s29+$0xFFFFFFE0] =	vst v5  }
0xe3: {  	v5 =	vld [tilespmem:s31+$0xFFFFFFA0];
	p2 =	slt.u32 s30, $0x1F8;
	[tilespmem:s29+$0xFFFFFFF0] =	vst v3  }
0xe4: {  	v3 =	vld [tilespmem:s31+$0xFFFFFFB0];
	[tilespmem:s29+$0x0] =	vst v0  }
0xe5: {  	v0 =	vld [tilespmem:s31+$0xFFFFFFC0];
	[tilespmem:s29+$0x10] =	vst v1  }
0xe6: {  	v1 =	vld [tilespmem:s31+$0xFFFFFFD0];
	[tilespmem:s29+$0x20] =	vst v2  }
0xe7: {  	v2 =	vld [tilespmem:s31+$0xFFFFFFE0];
	[tilespmem:s29+$0xFFFFFFC0] =	vst v4  }
0xe8: {  	v4 =	vld [tilespmem:s31+$0xFFFFFFF0]  }
0xe9: {  	v7 =	vld [tilespmem:s31+$0xFFFFFF90]  }
0xea: {  	v6 =	vld.idx.msk [tilespmem:v6+s20+$0x0], $0xffff  }
0xeb: {  	v8 =	vld.idx.msk [tilespmem:v5+s20+$0x0], $0xffff  }
0xec: {  	v5 =	vld.idx.msk [tilespmem:v3+s20+$0x0], $0xffff  }
.Ltmp6:
0xed: {  	v3 =	vld.idx.msk [tilespmem:v0+s20+$0x0], $0xffff;
	(pc) =	sbr.rel @p2 .LBB2_42-.Ltmp6, $4  }
0xee: {  	v0 =	vld.idx.msk [tilespmem:v1+s20+$0x0], $0xffff  }
0xef: {  	s29 =	sadd.s32 $0x80, s29;
	v1 =	vld.idx.msk [tilespmem:v2+s20+$0x0], $0xffff  }
0xf0: {  	v2 =	vld.idx.msk [tilespmem:v4+s20+$0x0], $0xffff;
	[tilespmem:s29+$0x30] =	vst v6  }
0xf1: {  	s31 =	sadd.s32 $0x200, s31;
	v4 =	vld.idx.msk [tilespmem:v7+s20+$0x0], $0xffff;
	[tilespmem:s29+$0xFFFFFFD0] =	vst v8  }
0xf2: {  	[tilespmem:s29+$0xFFFFFFE0] =	vst v5  }
0xf3: {  	[tilespmem:s29+$0xFFFFFFF0] =	vst v3  }
0xf4: {  	[tilespmem:s29+$0x0] =	vst v0  }
0xf5: {  	[tilespmem:s29+$0x10] =	vst v1  }
0xf6: {  	[tilespmem:s29+$0x20] =	vst v2  }
0xf7: {  	[tilespmem:s29+$0xFFFFFFC0] =	vst v4  }
0xf8: {  	s29 =	rddreg [dreg:$0x16]  }
0xf9: {  	[hbm4b:s29+s18] =	stream.strided.scatter [tilespmem:s25], [sflag:$0x4], $0x2000, s19, s18, $0x38;
	[tilespmem:$0x1C800] =	vst v63  }
0xfa: {  	s29 =	rddreg [dreg:$0xd]  }
0xfb: {  	[tilespmem:s20], [sflag:$0x2] =	stream.strided.gather [hbm4b:s29+s18], $0x8000, s19, s18, $0x38;
	[tilespmem:$0x1C800] =	vst v63  }
0xfc: {  	_ =	swait.ge [sflag:s28], $0x8000  }
0xfd: {  	[sflag:s28] =	ssyncset.done $0x0  }
0xfe: {  	[sflag:s28] =	ssyncadd.s32 $0xFFFF8000  }
0xff: {  	_ =	swait.ge [sflag:s26], $0x2000  }
0x100: {  	[sflag:s26] =	ssyncset.done $0x0  }
0x101: {  	s29 =	simm.s32 $0x840;
	[sflag:s26] =	ssyncadd.s32 $0xFFFFE000  }
0x102: {  	v0 =	vld [tilespmem:s29+$0x30]  }
0x103: {  	v1 =	vld [tilespmem:s29+$0xFFFFFFD0]  }
0x104: {  	v2 =	vld [tilespmem:s29+$0xFFFFFFE0]  }
0x105: {  	v3 =	vld [tilespmem:s29+$0xFFFFFFF0]  }
0x106: {  	v4 =	vld [tilespmem:s29+$0x0]  }
0x107: {  	v6 =	vld [tilespmem:s29+$0x10]  }
0x108: {  	v7 =	vld [tilespmem:s29+$0x20]  }
0x109: {  	v8 =	vld [tilespmem:s29+$0xFFFFFFC0]  }
0x10a: {  	v9 =	vld.idx.msk [tilespmem:v0+s22+$0x0], $0xffff  }
0x10b: {  	v10 =	vld.idx.msk [tilespmem:v1+s22+$0x0], $0xffff  }
0x10c: {  	v5 =	vld.idx.msk [tilespmem:v2+s22+$0x0], $0xffff  }
0x10d: {  	v3 =	vld.idx.msk [tilespmem:v3+s22+$0x0], $0xffff  }
0x10e: {  	v0 =	vld.idx.msk [tilespmem:v4+s22+$0x0], $0xffff  }
0x10f: {  	s29 =	simm.s32 $0x18840;
	v1 =	vld.idx.msk [tilespmem:v6+s22+$0x0], $0xffff  }
0x110: {  	v2 =	vld.idx.msk [tilespmem:v7+s22+$0x0], $0xffff;
	[tilespmem:s29+$0x30] =	vst v9  }
0x111: {  	s30 =	simm.s32 $0x0;
	s31 =	simm.s32 $0xA40;
	v4 =	vld.idx.msk [tilespmem:v8+s22+$0x0], $0xffff;
	[tilespmem:s29+$0xFFFFFFD0] =	vst v10  }
.LBB2_44:
0x112: {  	v6 =	vld [tilespmem:s31+$0x30];
	s30 =	sadd.s32 $0x8, s30;
	[tilespmem:s29+$0xFFFFFFE0] =	vst v5  }
0x113: {  	v5 =	vld [tilespmem:s31+$0xFFFFFFD0];
	p2 =	slt.u32 s30, $0x1F8;
	[tilespmem:s29+$0xFFFFFFF0] =	vst v3  }
0x114: {  	v3 =	vld [tilespmem:s31+$0xFFFFFFE0];
	[tilespmem:s29+$0x0] =	vst v0  }
0x115: {  	v0 =	vld [tilespmem:s31+$0xFFFFFFF0];
	[tilespmem:s29+$0x10] =	vst v1  }
0x116: {  	v1 =	vld [tilespmem:s31+$0x0];
	[tilespmem:s29+$0x20] =	vst v2  }
0x117: {  	v2 =	vld [tilespmem:s31+$0x10];
	[tilespmem:s29+$0xFFFFFFC0] =	vst v4  }
0x118: {  	v4 =	vld [tilespmem:s31+$0x20]  }
0x119: {  	v7 =	vld [tilespmem:s31+$0xFFFFFFC0]  }
0x11a: {  	v6 =	vld.idx.msk [tilespmem:v6+s22+$0x0], $0xffff  }
0x11b: {  	v8 =	vld.idx.msk [tilespmem:v5+s22+$0x0], $0xffff  }
0x11c: {  	v5 =	vld.idx.msk [tilespmem:v3+s22+$0x0], $0xffff  }
.Ltmp7:
0x11d: {  	v3 =	vld.idx.msk [tilespmem:v0+s22+$0x0], $0xffff;
	(pc) =	sbr.rel @p2 .LBB2_44-.Ltmp7, $4  }
0x11e: {  	v0 =	vld.idx.msk [tilespmem:v1+s22+$0x0], $0xffff  }
0x11f: {  	s29 =	sadd.s32 $0x80, s29;
	v1 =	vld.idx.msk [tilespmem:v2+s22+$0x0], $0xffff  }
0x120: {  	v2 =	vld.idx.msk [tilespmem:v4+s22+$0x0], $0xffff;
	[tilespmem:s29+$0x30] =	vst v6  }
0x121: {  	s31 =	sadd.s32 $0x200, s31;
	v4 =	vld.idx.msk [tilespmem:v7+s22+$0x0], $0xffff;
	[tilespmem:s29+$0xFFFFFFD0] =	vst v8  }
0x122: {  	[tilespmem:s29+$0xFFFFFFE0] =	vst v5  }
0x123: {  	[tilespmem:s29+$0xFFFFFFF0] =	vst v3  }
0x124: {  	[tilespmem:s29+$0x0] =	vst v0  }
0x125: {  	[tilespmem:s29+$0x10] =	vst v1  }
0x126: {  	[tilespmem:s29+$0x20] =	vst v2  }
0x127: {  	[tilespmem:s29+$0xFFFFFFC0] =	vst v4  }
0x128: {  	s29 =	rddreg [dreg:$0x18]  }
0x129: {  	[hbm4b:s29+s18] =	stream.strided.scatter [tilespmem:s24], [sflag:$0x4], $0x2000, s19, s18, $0x38;
	[tilespmem:$0x1C800] =	vst v63  }
0x12a: {  	_ =	swait.ge [sflag:s26], $0x2000  }
0x12b: {  	[sflag:s26] =	ssyncset.done $0x0  }
0x12c: {  	s29 =	simm.s32 $0x8F0;
	[sflag:s26] =	ssyncadd.s32 $0xFFFFE000  }
0x12d: {  	v0 =	vld [tilespmem:s29+$0x0]  }
0x12e: {  	v1 =	vld [tilespmem:s29+$0xFFFFFFA0]  }
0x12f: {  	v2 =	vld [tilespmem:s29+$0xFFFFFFB0]  }
0x130: {  	v3 =	vld [tilespmem:s29+$0xFFFFFFC0]  }
0x131: {  	v4 =	vld [tilespmem:s29+$0xFFFFFFD0]  }
0x132: {  	v6 =	vld [tilespmem:s29+$0xFFFFFFE0]  }
0x133: {  	v7 =	vld [tilespmem:s29+$0xFFFFFFF0]  }
0x134: {  	v8 =	vld [tilespmem:s29+$0xFFFFFF90]  }
0x135: {  	v9 =	vld.idx.msk [tilespmem:v0+s22+$0x0], $0xffff  }
0x136: {  	v10 =	vld.idx.msk [tilespmem:v1+s22+$0x0], $0xffff  }
0x137: {  	v5 =	vld.idx.msk [tilespmem:v2+s22+$0x0], $0xffff  }
0x138: {  	v3 =	vld.idx.msk [tilespmem:v3+s22+$0x0], $0xffff  }
0x139: {  	v0 =	vld.idx.msk [tilespmem:v4+s22+$0x0], $0xffff  }
0x13a: {  	s29 =	simm.s32 $0x1A840;
	v1 =	vld.idx.msk [tilespmem:v6+s22+$0x0], $0xffff  }
0x13b: {  	v2 =	vld.idx.msk [tilespmem:v7+s22+$0x0], $0xffff;
	[tilespmem:s29+$0x30] =	vst v9  }
0x13c: {  	s30 =	simm.s32 $0x0;
	s31 =	simm.s32 $0xAF0;
	v4 =	vld.idx.msk [tilespmem:v8+s22+$0x0], $0xffff;
	[tilespmem:s29+$0xFFFFFFD0] =	vst v10  }
.LBB2_46:
0x13d: {  	v6 =	vld [tilespmem:s31+$0x0];
	s30 =	sadd.s32 $0x8, s30;
	[tilespmem:s29+$0xFFFFFFE0] =	vst v5  }
0x13e: {  	v5 =	vld [tilespmem:s31+$0xFFFFFFA0];
	p2 =	slt.u32 s30, $0x1F8;
	[tilespmem:s29+$0xFFFFFFF0] =	vst v3  }
0x13f: {  	v3 =	vld [tilespmem:s31+$0xFFFFFFB0];
	[tilespmem:s29+$0x0] =	vst v0  }
0x140: {  	v0 =	vld [tilespmem:s31+$0xFFFFFFC0];
	[tilespmem:s29+$0x10] =	vst v1  }
0x141: {  	v1 =	vld [tilespmem:s31+$0xFFFFFFD0];
	[tilespmem:s29+$0x20] =	vst v2  }
0x142: {  	v2 =	vld [tilespmem:s31+$0xFFFFFFE0];
	[tilespmem:s29+$0xFFFFFFC0] =	vst v4  }
0x143: {  	v4 =	vld [tilespmem:s31+$0xFFFFFFF0]  }
0x144: {  	v7 =	vld [tilespmem:s31+$0xFFFFFF90]  }
0x145: {  	v6 =	vld.idx.msk [tilespmem:v6+s22+$0x0], $0xffff  }
0x146: {  	v8 =	vld.idx.msk [tilespmem:v5+s22+$0x0], $0xffff  }
0x147: {  	v5 =	vld.idx.msk [tilespmem:v3+s22+$0x0], $0xffff  }
.Ltmp8:
0x148: {  	v3 =	vld.idx.msk [tilespmem:v0+s22+$0x0], $0xffff;
	(pc) =	sbr.rel @p2 .LBB2_46-.Ltmp8, $4  }
0x149: {  	v0 =	vld.idx.msk [tilespmem:v1+s22+$0x0], $0xffff  }
0x14a: {  	s29 =	sadd.s32 $0x80, s29;
	v1 =	vld.idx.msk [tilespmem:v2+s22+$0x0], $0xffff  }
0x14b: {  	v2 =	vld.idx.msk [tilespmem:v4+s22+$0x0], $0xffff;
	[tilespmem:s29+$0x30] =	vst v6  }
0x14c: {  	s31 =	sadd.s32 $0x200, s31;
	v4 =	vld.idx.msk [tilespmem:v7+s22+$0x0], $0xffff;
	[tilespmem:s29+$0xFFFFFFD0] =	vst v8  }
0x14d: {  	[tilespmem:s29+$0xFFFFFFE0] =	vst v5  }
0x14e: {  	[tilespmem:s29+$0xFFFFFFF0] =	vst v3  }
0x14f: {  	[tilespmem:s29+$0x0] =	vst v0  }
0x150: {  	[tilespmem:s29+$0x10] =	vst v1  }
0x151: {  	[tilespmem:s29+$0x20] =	vst v2  }
0x152: {  	[tilespmem:s29+$0xFFFFFFC0] =	vst v4  }
0x153: {  	s29 =	rddreg [dreg:$0x1a]  }
0x154: {  	[hbm4b:s29+s18] =	stream.strided.scatter [tilespmem:s25], [sflag:$0x4], $0x2000, s19, s18, $0x38;
	[tilespmem:$0x1C800] =	vst v63  }
0x155: {  	_ =	swait.ge [sflag:s26], $0x2000  }
0x156: {  	[sflag:s26] =	ssyncset.done $0x0  }
0x157: {  	s29 =	simm.s32 $0x970;
	[sflag:s26] =	ssyncadd.s32 $0xFFFFE000  }
0x158: {  	v0 =	vld [tilespmem:s29+$0x0]  }
0x159: {  	v1 =	vld [tilespmem:s29+$0xFFFFFFA0]  }
0x15a: {  	v2 =	vld [tilespmem:s29+$0xFFFFFFB0]  }
0x15b: {  	v3 =	vld [tilespmem:s29+$0xFFFFFFC0]  }
0x15c: {  	v4 =	vld [tilespmem:s29+$0xFFFFFFD0]  }
0x15d: {  	v6 =	vld [tilespmem:s29+$0xFFFFFFE0]  }
0x15e: {  	v7 =	vld [tilespmem:s29+$0xFFFFFFF0]  }
0x15f: {  	v8 =	vld [tilespmem:s29+$0xFFFFFF90]  }
0x160: {  	v9 =	vld.idx.msk [tilespmem:v0+s22+$0x0], $0xffff  }
0x161: {  	v10 =	vld.idx.msk [tilespmem:v1+s22+$0x0], $0xffff  }
0x162: {  	v5 =	vld.idx.msk [tilespmem:v2+s22+$0x0], $0xffff  }
0x163: {  	v3 =	vld.idx.msk [tilespmem:v3+s22+$0x0], $0xffff  }
0x164: {  	v0 =	vld.idx.msk [tilespmem:v4+s22+$0x0], $0xffff  }
0x165: {  	s29 =	simm.s32 $0x18840;
	v1 =	vld.idx.msk [tilespmem:v6+s22+$0x0], $0xffff  }
0x166: {  	v2 =	vld.idx.msk [tilespmem:v7+s22+$0x0], $0xffff;
	[tilespmem:s29+$0x30] =	vst v9  }
0x167: {  	s30 =	simm.s32 $0x0;
	s31 =	simm.s32 $0xB70;
	v4 =	vld.idx.msk [tilespmem:v8+s22+$0x0], $0xffff;
	[tilespmem:s29+$0xFFFFFFD0] =	vst v10  }
.LBB2_48:
0x168: {  	v6 =	vld [tilespmem:s31+$0x0];
	s30 =	sadd.s32 $0x8, s30;
	[tilespmem:s29+$0xFFFFFFE0] =	vst v5  }
0x169: {  	v5 =	vld [tilespmem:s31+$0xFFFFFFA0];
	p2 =	slt.u32 s30, $0x1F8;
	[tilespmem:s29+$0xFFFFFFF0] =	vst v3  }
0x16a: {  	v3 =	vld [tilespmem:s31+$0xFFFFFFB0];
	[tilespmem:s29+$0x0] =	vst v0  }
0x16b: {  	v0 =	vld [tilespmem:s31+$0xFFFFFFC0];
	[tilespmem:s29+$0x10] =	vst v1  }
0x16c: {  	v1 =	vld [tilespmem:s31+$0xFFFFFFD0];
	[tilespmem:s29+$0x20] =	vst v2  }
0x16d: {  	v2 =	vld [tilespmem:s31+$0xFFFFFFE0];
	[tilespmem:s29+$0xFFFFFFC0] =	vst v4  }
0x16e: {  	v4 =	vld [tilespmem:s31+$0xFFFFFFF0]  }
0x16f: {  	v7 =	vld [tilespmem:s31+$0xFFFFFF90]  }
0x170: {  	v6 =	vld.idx.msk [tilespmem:v6+s22+$0x0], $0xffff  }
0x171: {  	v8 =	vld.idx.msk [tilespmem:v5+s22+$0x0], $0xffff  }
0x172: {  	v5 =	vld.idx.msk [tilespmem:v3+s22+$0x0], $0xffff  }
.Ltmp9:
0x173: {  	v3 =	vld.idx.msk [tilespmem:v0+s22+$0x0], $0xffff;
	(pc) =	sbr.rel @p2 .LBB2_48-.Ltmp9, $4  }
0x174: {  	v0 =	vld.idx.msk [tilespmem:v1+s22+$0x0], $0xffff  }
0x175: {  	s29 =	sadd.s32 $0x80, s29;
	v1 =	vld.idx.msk [tilespmem:v2+s22+$0x0], $0xffff  }
0x176: {  	v2 =	vld.idx.msk [tilespmem:v4+s22+$0x0], $0xffff;
	[tilespmem:s29+$0x30] =	vst v6  }
0x177: {  	s31 =	sadd.s32 $0x200, s31;
	v4 =	vld.idx.msk [tilespmem:v7+s22+$0x0], $0xffff;
	[tilespmem:s29+$0xFFFFFFD0] =	vst v8  }
0x178: {  	[tilespmem:s29+$0xFFFFFFE0] =	vst v5  }
0x179: {  	[tilespmem:s29+$0xFFFFFFF0] =	vst v3  }
0x17a: {  	[tilespmem:s29+$0x0] =	vst v0  }
0x17b: {  	[tilespmem:s29+$0x10] =	vst v1  }
0x17c: {  	[tilespmem:s29+$0x20] =	vst v2  }
0x17d: {  	[tilespmem:s29+$0xFFFFFFC0] =	vst v4  }
0x17e: {  	s29 =	rddreg [dreg:$0x1c]  }
0x17f: {  	[hbm4b:s29+s18] =	stream.strided.scatter [tilespmem:s24], [sflag:$0x4], $0x2000, s19, s18, $0x38;
	[tilespmem:$0x1C800] =	vst v63  }
0x180: {  	_ =	swait.ge [sflag:s26], $0x2000  }
0x181: {  	[sflag:s26] =	ssyncset.done $0x0  }
0x182: {  	s29 =	simm.s32 $0x9F0;
	[sflag:s26] =	ssyncadd.s32 $0xFFFFE000  }
0x183: {  	v0 =	vld [tilespmem:s29+$0x0]  }
0x184: {  	v1 =	vld [tilespmem:s29+$0xFFFFFFA0]  }
0x185: {  	v2 =	vld [tilespmem:s29+$0xFFFFFFB0]  }
0x186: {  	v3 =	vld [tilespmem:s29+$0xFFFFFFC0]  }
0x187: {  	v4 =	vld [tilespmem:s29+$0xFFFFFFD0]  }
0x188: {  	v6 =	vld [tilespmem:s29+$0xFFFFFFE0]  }
0x189: {  	v7 =	vld [tilespmem:s29+$0xFFFFFFF0]  }
0x18a: {  	v8 =	vld [tilespmem:s29+$0xFFFFFF90]  }
0x18b: {  	v9 =	vld.idx.msk [tilespmem:v0+s22+$0x0], $0xffff  }
0x18c: {  	v10 =	vld.idx.msk [tilespmem:v1+s22+$0x0], $0xffff  }
0x18d: {  	v5 =	vld.idx.msk [tilespmem:v2+s22+$0x0], $0xffff  }
0x18e: {  	v3 =	vld.idx.msk [tilespmem:v3+s22+$0x0], $0xffff  }
0x18f: {  	v0 =	vld.idx.msk [tilespmem:v4+s22+$0x0], $0xffff  }
0x190: {  	s29 =	simm.s32 $0x1A840;
	v1 =	vld.idx.msk [tilespmem:v6+s22+$0x0], $0xffff  }
0x191: {  	v2 =	vld.idx.msk [tilespmem:v7+s22+$0x0], $0xffff;
	[tilespmem:s29+$0x30] =	vst v9  }
0x192: {  	s30 =	simm.s32 $0x0;
	s31 =	simm.s32 $0xBF0;
	v4 =	vld.idx.msk [tilespmem:v8+s22+$0x0], $0xffff;
	[tilespmem:s29+$0xFFFFFFD0] =	vst v10  }
.LBB2_50:
0x193: {  	v6 =	vld [tilespmem:s31+$0x0];
	s30 =	sadd.s32 $0x8, s30;
	[tilespmem:s29+$0xFFFFFFE0] =	vst v5  }
0x194: {  	v5 =	vld [tilespmem:s31+$0xFFFFFFA0];
	p2 =	slt.u32 s30, $0x1F8;
	[tilespmem:s29+$0xFFFFFFF0] =	vst v3  }
0x195: {  	v3 =	vld [tilespmem:s31+$0xFFFFFFB0];
	[tilespmem:s29+$0x0] =	vst v0  }
0x196: {  	v0 =	vld [tilespmem:s31+$0xFFFFFFC0];
	[tilespmem:s29+$0x10] =	vst v1  }
0x197: {  	v1 =	vld [tilespmem:s31+$0xFFFFFFD0];
	[tilespmem:s29+$0x20] =	vst v2  }
0x198: {  	v2 =	vld [tilespmem:s31+$0xFFFFFFE0];
	[tilespmem:s29+$0xFFFFFFC0] =	vst v4  }
0x199: {  	v4 =	vld [tilespmem:s31+$0xFFFFFFF0]  }
0x19a: {  	v7 =	vld [tilespmem:s31+$0xFFFFFF90]  }
0x19b: {  	v6 =	vld.idx.msk [tilespmem:v6+s22+$0x0], $0xffff  }
0x19c: {  	v8 =	vld.idx.msk [tilespmem:v5+s22+$0x0], $0xffff  }
0x19d: {  	v5 =	vld.idx.msk [tilespmem:v3+s22+$0x0], $0xffff  }
.Ltmp10:
0x19e: {  	v3 =	vld.idx.msk [tilespmem:v0+s22+$0x0], $0xffff;
	(pc) =	sbr.rel @p2 .LBB2_50-.Ltmp10, $4  }
0x19f: {  	v0 =	vld.idx.msk [tilespmem:v1+s22+$0x0], $0xffff  }
0x1a0: {  	s29 =	sadd.s32 $0x80, s29;
	v1 =	vld.idx.msk [tilespmem:v2+s22+$0x0], $0xffff  }
0x1a1: {  	v2 =	vld.idx.msk [tilespmem:v4+s22+$0x0], $0xffff;
	[tilespmem:s29+$0x30] =	vst v6  }
0x1a2: {  	s31 =	sadd.s32 $0x200, s31;
	v4 =	vld.idx.msk [tilespmem:v7+s22+$0x0], $0xffff;
	[tilespmem:s29+$0xFFFFFFD0] =	vst v8  }
0x1a3: {  	[tilespmem:s29+$0xFFFFFFE0] =	vst v5  }
0x1a4: {  	[tilespmem:s29+$0xFFFFFFF0] =	vst v3  }
0x1a5: {  	[tilespmem:s29+$0x0] =	vst v0  }
0x1a6: {  	[tilespmem:s29+$0x10] =	vst v1  }
0x1a7: {  	[tilespmem:s29+$0x20] =	vst v2  }
0x1a8: {  	[tilespmem:s29+$0xFFFFFFC0] =	vst v4  }
0x1a9: {  	s29 =	rddreg [dreg:$0x1e]  }
0x1aa: {  	[hbm4b:s29+s18] =	stream.strided.scatter [tilespmem:s25], [sflag:$0x4], $0x2000, s19, s18, $0x38;
	[tilespmem:$0x1C800] =	vst v63  }
0x1ab: {  	s29 =	rddreg [dreg:$0xe]  }
0x1ac: {  	[tilespmem:s22], [sflag:$0x3] =	stream.strided.gather [hbm4b:s29+s18], $0x8000, s19, s18, $0x38;
	[tilespmem:$0x1C800] =	vst v63  }
0x1ad: {  	_ =	swait.ge [sflag:s23], $0x8000  }
0x1ae: {  	[sflag:s23] =	ssyncset.done $0x0  }
0x1af: {  	[sflag:s23] =	ssyncadd.s32 $0xFFFF8000  }
0x1b0: {  	_ =	swait.ge [sflag:s26], $0x2000  }
0x1b1: {  	[sflag:s26] =	ssyncset.done $0x0  }
0x1b2: {  	s29 =	simm.s32 $0x840;
	[sflag:s26] =	ssyncadd.s32 $0xFFFFE000  }
0x1b3: {  	v0 =	vld [tilespmem:s29+$0x30]  }
0x1b4: {  	v1 =	vld [tilespmem:s29+$0xFFFFFFD0]  }
0x1b5: {  	v2 =	vld [tilespmem:s29+$0xFFFFFFE0]  }
0x1b6: {  	v3 =	vld [tilespmem:s29+$0xFFFFFFF0]  }
0x1b7: {  	v4 =	vld [tilespmem:s29+$0x0]  }
0x1b8: {  	v6 =	vld [tilespmem:s29+$0x10]  }
0x1b9: {  	v7 =	vld [tilespmem:s29+$0x20]  }
0x1ba: {  	v8 =	vld [tilespmem:s29+$0xFFFFFFC0]  }
0x1bb: {  	v9 =	vld.idx.msk [tilespmem:v0+s20+$0x0], $0xffff  }
0x1bc: {  	v10 =	vld.idx.msk [tilespmem:v1+s20+$0x0], $0xffff  }
0x1bd: {  	v5 =	vld.idx.msk [tilespmem:v2+s20+$0x0], $0xffff  }
0x1be: {  	v3 =	vld.idx.msk [tilespmem:v3+s20+$0x0], $0xffff  }
0x1bf: {  	v0 =	vld.idx.msk [tilespmem:v4+s20+$0x0], $0xffff  }
0x1c0: {  	s29 =	simm.s32 $0x18840;
	v1 =	vld.idx.msk [tilespmem:v6+s20+$0x0], $0xffff  }
0x1c1: {  	v2 =	vld.idx.msk [tilespmem:v7+s20+$0x0], $0xffff;
	[tilespmem:s29+$0x30] =	vst v9  }
0x1c2: {  	s30 =	simm.s32 $0x0;
	s31 =	simm.s32 $0xA40;
	v4 =	vld.idx.msk [tilespmem:v8+s20+$0x0], $0xffff;
	[tilespmem:s29+$0xFFFFFFD0] =	vst v10  }
.LBB2_52:
0x1c3: {  	v6 =	vld [tilespmem:s31+$0x30];
	s30 =	sadd.s32 $0x8, s30;
	[tilespmem:s29+$0xFFFFFFE0] =	vst v5  }
0x1c4: {  	v5 =	vld [tilespmem:s31+$0xFFFFFFD0];
	p2 =	slt.u32 s30, $0x1F8;
	[tilespmem:s29+$0xFFFFFFF0] =	vst v3  }
0x1c5: {  	v3 =	vld [tilespmem:s31+$0xFFFFFFE0];
	[tilespmem:s29+$0x0] =	vst v0  }
0x1c6: {  	v0 =	vld [tilespmem:s31+$0xFFFFFFF0];
	[tilespmem:s29+$0x10] =	vst v1  }
0x1c7: {  	v1 =	vld [tilespmem:s31+$0x0];
	[tilespmem:s29+$0x20] =	vst v2  }
0x1c8: {  	v2 =	vld [tilespmem:s31+$0x10];
	[tilespmem:s29+$0xFFFFFFC0] =	vst v4  }
0x1c9: {  	v4 =	vld [tilespmem:s31+$0x20]  }
0x1ca: {  	v7 =	vld [tilespmem:s31+$0xFFFFFFC0]  }
0x1cb: {  	v6 =	vld.idx.msk [tilespmem:v6+s20+$0x0], $0xffff  }
0x1cc: {  	v8 =	vld.idx.msk [tilespmem:v5+s20+$0x0], $0xffff  }
0x1cd: {  	v5 =	vld.idx.msk [tilespmem:v3+s20+$0x0], $0xffff  }
.Ltmp11:
0x1ce: {  	v3 =	vld.idx.msk [tilespmem:v0+s20+$0x0], $0xffff;
	(pc) =	sbr.rel @p2 .LBB2_52-.Ltmp11, $4  }
0x1cf: {  	v0 =	vld.idx.msk [tilespmem:v1+s20+$0x0], $0xffff  }
0x1d0: {  	s29 =	sadd.s32 $0x80, s29;
	v1 =	vld.idx.msk [tilespmem:v2+s20+$0x0], $0xffff  }
0x1d1: {  	v2 =	vld.idx.msk [tilespmem:v4+s20+$0x0], $0xffff;
	[tilespmem:s29+$0x30] =	vst v6  }
0x1d2: {  	s31 =	sadd.s32 $0x200, s31;
	v4 =	vld.idx.msk [tilespmem:v7+s20+$0x0], $0xffff;
	[tilespmem:s29+$0xFFFFFFD0] =	vst v8  }
0x1d3: {  	[tilespmem:s29+$0xFFFFFFE0] =	vst v5  }
0x1d4: {  	[tilespmem:s29+$0xFFFFFFF0] =	vst v3  }
0x1d5: {  	[tilespmem:s29+$0x0] =	vst v0  }
0x1d6: {  	[tilespmem:s29+$0x10] =	vst v1  }
0x1d7: {  	[tilespmem:s29+$0x20] =	vst v2  }
0x1d8: {  	[tilespmem:s29+$0xFFFFFFC0] =	vst v4  }
0x1d9: {  	[hbm4b:s2+s18] =	stream.strided.scatter [tilespmem:s24], [sflag:$0x4], $0x2000, s19, s18, $0x38;
	[tilespmem:$0x1C800] =	vst v63  }
0x1da: {  	_ =	swait.ge [sflag:s26], $0x2000  }
0x1db: {  	[sflag:s26] =	ssyncset.done $0x0  }
0x1dc: {  	s29 =	simm.s32 $0x8F0;
	[sflag:s26] =	ssyncadd.s32 $0xFFFFE000  }
0x1dd: {  	v0 =	vld [tilespmem:s29+$0x0]  }
0x1de: {  	v1 =	vld [tilespmem:s29+$0xFFFFFFA0]  }
0x1df: {  	v2 =	vld [tilespmem:s29+$0xFFFFFFB0]  }
0x1e0: {  	v3 =	vld [tilespmem:s29+$0xFFFFFFC0]  }
0x1e1: {  	v4 =	vld [tilespmem:s29+$0xFFFFFFD0]  }
0x1e2: {  	v6 =	vld [tilespmem:s29+$0xFFFFFFE0]  }
0x1e3: {  	v7 =	vld [tilespmem:s29+$0xFFFFFFF0]  }
0x1e4: {  	v8 =	vld [tilespmem:s29+$0xFFFFFF90]  }
0x1e5: {  	v9 =	vld.idx.msk [tilespmem:v0+s20+$0x0], $0xffff  }
0x1e6: {  	v10 =	vld.idx.msk [tilespmem:v1+s20+$0x0], $0xffff  }
0x1e7: {  	v5 =	vld.idx.msk [tilespmem:v2+s20+$0x0], $0xffff  }
0x1e8: {  	v3 =	vld.idx.msk [tilespmem:v3+s20+$0x0], $0xffff  }
0x1e9: {  	v0 =	vld.idx.msk [tilespmem:v4+s20+$0x0], $0xffff  }
0x1ea: {  	s29 =	simm.s32 $0x1A840;
	v1 =	vld.idx.msk [tilespmem:v6+s20+$0x0], $0xffff  }
0x1eb: {  	v2 =	vld.idx.msk [tilespmem:v7+s20+$0x0], $0xffff;
	[tilespmem:s29+$0x30] =	vst v9  }
0x1ec: {  	s30 =	simm.s32 $0x0;
	s31 =	simm.s32 $0xAF0;
	v4 =	vld.idx.msk [tilespmem:v8+s20+$0x0], $0xffff;
	[tilespmem:s29+$0xFFFFFFD0] =	vst v10  }
.LBB2_54:
0x1ed: {  	v6 =	vld [tilespmem:s31+$0x0];
	s30 =	sadd.s32 $0x8, s30;
	[tilespmem:s29+$0xFFFFFFE0] =	vst v5  }
0x1ee: {  	v5 =	vld [tilespmem:s31+$0xFFFFFFA0];
	p2 =	slt.u32 s30, $0x1F8;
	[tilespmem:s29+$0xFFFFFFF0] =	vst v3  }
0x1ef: {  	v3 =	vld [tilespmem:s31+$0xFFFFFFB0];
	[tilespmem:s29+$0x0] =	vst v0  }
0x1f0: {  	v0 =	vld [tilespmem:s31+$0xFFFFFFC0];
	[tilespmem:s29+$0x10] =	vst v1  }
0x1f1: {  	v1 =	vld [tilespmem:s31+$0xFFFFFFD0];
	[tilespmem:s29+$0x20] =	vst v2  }
0x1f2: {  	v2 =	vld [tilespmem:s31+$0xFFFFFFE0];
	[tilespmem:s29+$0xFFFFFFC0] =	vst v4  }
0x1f3: {  	v4 =	vld [tilespmem:s31+$0xFFFFFFF0]  }
0x1f4: {  	v7 =	vld [tilespmem:s31+$0xFFFFFF90]  }
0x1f5: {  	v6 =	vld.idx.msk [tilespmem:v6+s20+$0x0], $0xffff  }
0x1f6: {  	v8 =	vld.idx.msk [tilespmem:v5+s20+$0x0], $0xffff  }
0x1f7: {  	v5 =	vld.idx.msk [tilespmem:v3+s20+$0x0], $0xffff  }
.Ltmp12:
0x1f8: {  	v3 =	vld.idx.msk [tilespmem:v0+s20+$0x0], $0xffff;
	(pc) =	sbr.rel @p2 .LBB2_54-.Ltmp12, $4  }
0x1f9: {  	v0 =	vld.idx.msk [tilespmem:v1+s20+$0x0], $0xffff  }
0x1fa: {  	s29 =	sadd.s32 $0x80, s29;
	v1 =	vld.idx.msk [tilespmem:v2+s20+$0x0], $0xffff  }
0x1fb: {  	v2 =	vld.idx.msk [tilespmem:v4+s20+$0x0], $0xffff;
	[tilespmem:s29+$0x30] =	vst v6  }
0x1fc: {  	s31 =	sadd.s32 $0x200, s31;
	v4 =	vld.idx.msk [tilespmem:v7+s20+$0x0], $0xffff;
	[tilespmem:s29+$0xFFFFFFD0] =	vst v8  }
0x1fd: {  	[tilespmem:s29+$0xFFFFFFE0] =	vst v5  }
0x1fe: {  	[tilespmem:s29+$0xFFFFFFF0] =	vst v3  }
0x1ff: {  	[tilespmem:s29+$0x0] =	vst v0  }
0x200: {  	[tilespmem:s29+$0x10] =	vst v1  }
0x201: {  	[tilespmem:s29+$0x20] =	vst v2  }
0x202: {  	[tilespmem:s29+$0xFFFFFFC0] =	vst v4  }
0x203: {  	[hbm4b:s0+s18] =	stream.strided.scatter [tilespmem:s25], [sflag:$0x4], $0x2000, s19, s18, $0x38;
	[tilespmem:$0x1C800] =	vst v63  }
0x204: {  	_ =	swait.ge [sflag:s26], $0x2000  }
0x205: {  	[sflag:s26] =	ssyncset.done $0x0  }
0x206: {  	s29 =	simm.s32 $0x970;
	[sflag:s26] =	ssyncadd.s32 $0xFFFFE000  }
0x207: {  	v0 =	vld [tilespmem:s29+$0x0]  }
0x208: {  	v1 =	vld [tilespmem:s29+$0xFFFFFFA0]  }
0x209: {  	v2 =	vld [tilespmem:s29+$0xFFFFFFB0]  }
0x20a: {  	v3 =	vld [tilespmem:s29+$0xFFFFFFC0]  }
0x20b: {  	v4 =	vld [tilespmem:s29+$0xFFFFFFD0]  }
0x20c: {  	v6 =	vld [tilespmem:s29+$0xFFFFFFE0]  }
0x20d: {  	v7 =	vld [tilespmem:s29+$0xFFFFFFF0]  }
0x20e: {  	v8 =	vld [tilespmem:s29+$0xFFFFFF90]  }
0x20f: {  	v9 =	vld.idx.msk [tilespmem:v0+s20+$0x0], $0xffff  }
0x210: {  	v10 =	vld.idx.msk [tilespmem:v1+s20+$0x0], $0xffff  }
0x211: {  	v5 =	vld.idx.msk [tilespmem:v2+s20+$0x0], $0xffff  }
0x212: {  	v3 =	vld.idx.msk [tilespmem:v3+s20+$0x0], $0xffff  }
0x213: {  	v0 =	vld.idx.msk [tilespmem:v4+s20+$0x0], $0xffff  }
0x214: {  	s29 =	simm.s32 $0x18840;
	v1 =	vld.idx.msk [tilespmem:v6+s20+$0x0], $0xffff  }
0x215: {  	v2 =	vld.idx.msk [tilespmem:v7+s20+$0x0], $0xffff;
	[tilespmem:s29+$0x30] =	vst v9  }
0x216: {  	s30 =	simm.s32 $0x0;
	s31 =	simm.s32 $0xB70;
	v4 =	vld.idx.msk [tilespmem:v8+s20+$0x0], $0xffff;
	[tilespmem:s29+$0xFFFFFFD0] =	vst v10  }
.LBB2_56:
0x217: {  	v6 =	vld [tilespmem:s31+$0x0];
	s30 =	sadd.s32 $0x8, s30;
	[tilespmem:s29+$0xFFFFFFE0] =	vst v5  }
0x218: {  	v5 =	vld [tilespmem:s31+$0xFFFFFFA0];
	p2 =	slt.u32 s30, $0x1F8;
	[tilespmem:s29+$0xFFFFFFF0] =	vst v3  }
0x219: {  	v3 =	vld [tilespmem:s31+$0xFFFFFFB0];
	[tilespmem:s29+$0x0] =	vst v0  }
0x21a: {  	v0 =	vld [tilespmem:s31+$0xFFFFFFC0];
	[tilespmem:s29+$0x10] =	vst v1  }
0x21b: {  	v1 =	vld [tilespmem:s31+$0xFFFFFFD0];
	[tilespmem:s29+$0x20] =	vst v2  }
0x21c: {  	v2 =	vld [tilespmem:s31+$0xFFFFFFE0];
	[tilespmem:s29+$0xFFFFFFC0] =	vst v4  }
0x21d: {  	v4 =	vld [tilespmem:s31+$0xFFFFFFF0]  }
0x21e: {  	v7 =	vld [tilespmem:s31+$0xFFFFFF90]  }
0x21f: {  	v6 =	vld.idx.msk [tilespmem:v6+s20+$0x0], $0xffff  }
0x220: {  	v8 =	vld.idx.msk [tilespmem:v5+s20+$0x0], $0xffff  }
0x221: {  	v5 =	vld.idx.msk [tilespmem:v3+s20+$0x0], $0xffff  }
.Ltmp13:
0x222: {  	v3 =	vld.idx.msk [tilespmem:v0+s20+$0x0], $0xffff;
	(pc) =	sbr.rel @p2 .LBB2_56-.Ltmp13, $4  }
0x223: {  	v0 =	vld.idx.msk [tilespmem:v1+s20+$0x0], $0xffff  }
0x224: {  	s29 =	sadd.s32 $0x80, s29;
	v1 =	vld.idx.msk [tilespmem:v2+s20+$0x0], $0xffff  }
0x225: {  	v2 =	vld.idx.msk [tilespmem:v4+s20+$0x0], $0xffff;
	[tilespmem:s29+$0x30] =	vst v6  }
0x226: {  	s31 =	sadd.s32 $0x200, s31;
	v4 =	vld.idx.msk [tilespmem:v7+s20+$0x0], $0xffff;
	[tilespmem:s29+$0xFFFFFFD0] =	vst v8  }
0x227: {  	[tilespmem:s29+$0xFFFFFFE0] =	vst v5  }
0x228: {  	[tilespmem:s29+$0xFFFFFFF0] =	vst v3  }
0x229: {  	[tilespmem:s29+$0x0] =	vst v0  }
0x22a: {  	[tilespmem:s29+$0x10] =	vst v1  }
0x22b: {  	[tilespmem:s29+$0x20] =	vst v2  }
0x22c: {  	[tilespmem:s29+$0xFFFFFFC0] =	vst v4  }
0x22d: {  	[hbm4b:s4+s18] =	stream.strided.scatter [tilespmem:s24], [sflag:$0x4], $0x2000, s19, s18, $0x38;
	[tilespmem:$0x1C800] =	vst v63  }
0x22e: {  	_ =	swait.ge [sflag:s26], $0x2000  }
0x22f: {  	[sflag:s26] =	ssyncset.done $0x0  }
0x230: {  	s29 =	simm.s32 $0x9F0;
	[sflag:s26] =	ssyncadd.s32 $0xFFFFE000  }
0x231: {  	v0 =	vld [tilespmem:s29+$0x0]  }
0x232: {  	v1 =	vld [tilespmem:s29+$0xFFFFFFA0]  }
0x233: {  	v2 =	vld [tilespmem:s29+$0xFFFFFFB0]  }
0x234: {  	v3 =	vld [tilespmem:s29+$0xFFFFFFC0]  }
0x235: {  	v4 =	vld [tilespmem:s29+$0xFFFFFFD0]  }
0x236: {  	v6 =	vld [tilespmem:s29+$0xFFFFFFE0]  }
0x237: {  	v7 =	vld [tilespmem:s29+$0xFFFFFFF0]  }
0x238: {  	v8 =	vld [tilespmem:s29+$0xFFFFFF90]  }
0x239: {  	v9 =	vld.idx.msk [tilespmem:v0+s20+$0x0], $0xffff  }
0x23a: {  	v10 =	vld.idx.msk [tilespmem:v1+s20+$0x0], $0xffff  }
0x23b: {  	v5 =	vld.idx.msk [tilespmem:v2+s20+$0x0], $0xffff  }
0x23c: {  	v3 =	vld.idx.msk [tilespmem:v3+s20+$0x0], $0xffff  }
0x23d: {  	v0 =	vld.idx.msk [tilespmem:v4+s20+$0x0], $0xffff  }
0x23e: {  	s29 =	simm.s32 $0x1A840;
	v1 =	vld.idx.msk [tilespmem:v6+s20+$0x0], $0xffff  }
0x23f: {  	v2 =	vld.idx.msk [tilespmem:v7+s20+$0x0], $0xffff;
	[tilespmem:s29+$0x30] =	vst v9  }
0x240: {  	s30 =	simm.s32 $0x0;
	s31 =	simm.s32 $0xBF0;
	v4 =	vld.idx.msk [tilespmem:v8+s20+$0x0], $0xffff;
	[tilespmem:s29+$0xFFFFFFD0] =	vst v10  }
.LBB2_58:
0x241: {  	v6 =	vld [tilespmem:s31+$0x0];
	s30 =	sadd.s32 $0x8, s30;
	[tilespmem:s29+$0xFFFFFFE0] =	vst v5  }
0x242: {  	v5 =	vld [tilespmem:s31+$0xFFFFFFA0];
	p2 =	slt.u32 s30, $0x1F8;
	[tilespmem:s29+$0xFFFFFFF0] =	vst v3  }
0x243: {  	v3 =	vld [tilespmem:s31+$0xFFFFFFB0];
	[tilespmem:s29+$0x0] =	vst v0  }
0x244: {  	v0 =	vld [tilespmem:s31+$0xFFFFFFC0];
	[tilespmem:s29+$0x10] =	vst v1  }
0x245: {  	v1 =	vld [tilespmem:s31+$0xFFFFFFD0];
	[tilespmem:s29+$0x20] =	vst v2  }
0x246: {  	v2 =	vld [tilespmem:s31+$0xFFFFFFE0];
	[tilespmem:s29+$0xFFFFFFC0] =	vst v4  }
0x247: {  	v4 =	vld [tilespmem:s31+$0xFFFFFFF0]  }
0x248: {  	v7 =	vld [tilespmem:s31+$0xFFFFFF90]  }
0x249: {  	v6 =	vld.idx.msk [tilespmem:v6+s20+$0x0], $0xffff  }
0x24a: {  	v8 =	vld.idx.msk [tilespmem:v5+s20+$0x0], $0xffff  }
0x24b: {  	v5 =	vld.idx.msk [tilespmem:v3+s20+$0x0], $0xffff  }
.Ltmp14:
0x24c: {  	v3 =	vld.idx.msk [tilespmem:v0+s20+$0x0], $0xffff;
	(pc) =	sbr.rel @p2 .LBB2_58-.Ltmp14, $4  }
0x24d: {  	v0 =	vld.idx.msk [tilespmem:v1+s20+$0x0], $0xffff  }
0x24e: {  	s29 =	sadd.s32 $0x80, s29;
	v1 =	vld.idx.msk [tilespmem:v2+s20+$0x0], $0xffff  }
0x24f: {  	v2 =	vld.idx.msk [tilespmem:v4+s20+$0x0], $0xffff;
	[tilespmem:s29+$0x30] =	vst v6  }
0x250: {  	s31 =	sadd.s32 $0x200, s31;
	v4 =	vld.idx.msk [tilespmem:v7+s20+$0x0], $0xffff;
	[tilespmem:s29+$0xFFFFFFD0] =	vst v8  }
0x251: {  	[tilespmem:s29+$0xFFFFFFE0] =	vst v5  }
0x252: {  	[tilespmem:s29+$0xFFFFFFF0] =	vst v3  }
0x253: {  	[tilespmem:s29+$0x0] =	vst v0  }
0x254: {  	[tilespmem:s29+$0x10] =	vst v1  }
0x255: {  	[tilespmem:s29+$0x20] =	vst v2  }
0x256: {  	[tilespmem:s29+$0xFFFFFFC0] =	vst v4  }
0x257: {  	[hbm4b:s6+s18] =	stream.strided.scatter [tilespmem:s25], [sflag:$0x4], $0x2000, s19, s18, $0x38;
	[tilespmem:$0x1C800] =	vst v63  }
0x258: {  	_ =	swait.ge [sflag:s28], $0x8000  }
0x259: {  	[sflag:s28] =	ssyncset.done $0x0  }
0x25a: {  	[sflag:s28] =	ssyncadd.s32 $0xFFFF8000  }
0x25b: {  	_ =	swait.ge [sflag:s26], $0x2000  }
0x25c: {  	[sflag:s26] =	ssyncset.done $0x0  }
0x25d: {  	s29 =	simm.s32 $0x840;
	[sflag:s26] =	ssyncadd.s32 $0xFFFFE000  }
0x25e: {  	v0 =	vld [tilespmem:s29+$0x30]  }
0x25f: {  	v1 =	vld [tilespmem:s29+$0xFFFFFFD0]  }
0x260: {  	v2 =	vld [tilespmem:s29+$0xFFFFFFE0]  }
0x261: {  	v3 =	vld [tilespmem:s29+$0xFFFFFFF0]  }
0x262: {  	v4 =	vld [tilespmem:s29+$0x0]  }
0x263: {  	v6 =	vld [tilespmem:s29+$0x10]  }
0x264: {  	v7 =	vld [tilespmem:s29+$0x20]  }
0x265: {  	v8 =	vld [tilespmem:s29+$0xFFFFFFC0]  }
0x266: {  	v9 =	vld.idx.msk [tilespmem:v0+s22+$0x0], $0xffff  }
0x267: {  	v10 =	vld.idx.msk [tilespmem:v1+s22+$0x0], $0xffff  }
0x268: {  	v5 =	vld.idx.msk [tilespmem:v2+s22+$0x0], $0xffff  }
0x269: {  	v3 =	vld.idx.msk [tilespmem:v3+s22+$0x0], $0xffff  }
0x26a: {  	v0 =	vld.idx.msk [tilespmem:v4+s22+$0x0], $0xffff  }
0x26b: {  	s29 =	simm.s32 $0x18840;
	v1 =	vld.idx.msk [tilespmem:v6+s22+$0x0], $0xffff  }
0x26c: {  	v2 =	vld.idx.msk [tilespmem:v7+s22+$0x0], $0xffff;
	[tilespmem:s29+$0x30] =	vst v9  }
0x26d: {  	s30 =	simm.s32 $0x0;
	s31 =	simm.s32 $0xA40;
	v4 =	vld.idx.msk [tilespmem:v8+s22+$0x0], $0xffff;
	[tilespmem:s29+$0xFFFFFFD0] =	vst v10  }
.LBB2_60:
0x26e: {  	v6 =	vld [tilespmem:s31+$0x30];
	s30 =	sadd.s32 $0x8, s30;
	[tilespmem:s29+$0xFFFFFFE0] =	vst v5  }
0x26f: {  	v5 =	vld [tilespmem:s31+$0xFFFFFFD0];
	p2 =	slt.u32 s30, $0x1F8;
	[tilespmem:s29+$0xFFFFFFF0] =	vst v3  }
0x270: {  	v3 =	vld [tilespmem:s31+$0xFFFFFFE0];
	[tilespmem:s29+$0x0] =	vst v0  }
0x271: {  	v0 =	vld [tilespmem:s31+$0xFFFFFFF0];
	[tilespmem:s29+$0x10] =	vst v1  }
0x272: {  	v1 =	vld [tilespmem:s31+$0x0];
	[tilespmem:s29+$0x20] =	vst v2  }
0x273: {  	v2 =	vld [tilespmem:s31+$0x10];
	[tilespmem:s29+$0xFFFFFFC0] =	vst v4  }
0x274: {  	v4 =	vld [tilespmem:s31+$0x20]  }
0x275: {  	v7 =	vld [tilespmem:s31+$0xFFFFFFC0]  }
0x276: {  	v6 =	vld.idx.msk [tilespmem:v6+s22+$0x0], $0xffff  }
0x277: {  	v8 =	vld.idx.msk [tilespmem:v5+s22+$0x0], $0xffff  }
0x278: {  	v5 =	vld.idx.msk [tilespmem:v3+s22+$0x0], $0xffff  }
.Ltmp15:
0x279: {  	v3 =	vld.idx.msk [tilespmem:v0+s22+$0x0], $0xffff;
	(pc) =	sbr.rel @p2 .LBB2_60-.Ltmp15, $4  }
0x27a: {  	v0 =	vld.idx.msk [tilespmem:v1+s22+$0x0], $0xffff  }
0x27b: {  	s29 =	sadd.s32 $0x80, s29;
	v1 =	vld.idx.msk [tilespmem:v2+s22+$0x0], $0xffff  }
0x27c: {  	v2 =	vld.idx.msk [tilespmem:v4+s22+$0x0], $0xffff;
	[tilespmem:s29+$0x30] =	vst v6  }
0x27d: {  	s31 =	sadd.s32 $0x200, s31;
	v4 =	vld.idx.msk [tilespmem:v7+s22+$0x0], $0xffff;
	[tilespmem:s29+$0xFFFFFFD0] =	vst v8  }
0x27e: {  	[tilespmem:s29+$0xFFFFFFE0] =	vst v5  }
0x27f: {  	[tilespmem:s29+$0xFFFFFFF0] =	vst v3  }
0x280: {  	[tilespmem:s29+$0x0] =	vst v0  }
0x281: {  	[tilespmem:s29+$0x10] =	vst v1  }
0x282: {  	[tilespmem:s29+$0x20] =	vst v2  }
0x283: {  	[tilespmem:s29+$0xFFFFFFC0] =	vst v4  }
0x284: {  	[hbm4b:s10+s18] =	stream.strided.scatter [tilespmem:s24], [sflag:$0x4], $0x2000, s19, s18, $0x38;
	[tilespmem:$0x1C800] =	vst v63  }
0x285: {  	_ =	swait.ge [sflag:s26], $0x2000  }
0x286: {  	[sflag:s26] =	ssyncset.done $0x0  }
0x287: {  	s29 =	simm.s32 $0x8F0;
	[sflag:s26] =	ssyncadd.s32 $0xFFFFE000  }
0x288: {  	v0 =	vld [tilespmem:s29+$0x0]  }
0x289: {  	v1 =	vld [tilespmem:s29+$0xFFFFFFA0]  }
0x28a: {  	v2 =	vld [tilespmem:s29+$0xFFFFFFB0]  }
0x28b: {  	v3 =	vld [tilespmem:s29+$0xFFFFFFC0]  }
0x28c: {  	v4 =	vld [tilespmem:s29+$0xFFFFFFD0]  }
0x28d: {  	v6 =	vld [tilespmem:s29+$0xFFFFFFE0]  }
0x28e: {  	v7 =	vld [tilespmem:s29+$0xFFFFFFF0]  }
0x28f: {  	v8 =	vld [tilespmem:s29+$0xFFFFFF90]  }
0x290: {  	v9 =	vld.idx.msk [tilespmem:v0+s22+$0x0], $0xffff  }
0x291: {  	v10 =	vld.idx.msk [tilespmem:v1+s22+$0x0], $0xffff  }
0x292: {  	v5 =	vld.idx.msk [tilespmem:v2+s22+$0x0], $0xffff  }
0x293: {  	v3 =	vld.idx.msk [tilespmem:v3+s22+$0x0], $0xffff  }
0x294: {  	v0 =	vld.idx.msk [tilespmem:v4+s22+$0x0], $0xffff  }
0x295: {  	s29 =	simm.s32 $0x1A840;
	v1 =	vld.idx.msk [tilespmem:v6+s22+$0x0], $0xffff  }
0x296: {  	v2 =	vld.idx.msk [tilespmem:v7+s22+$0x0], $0xffff;
	[tilespmem:s29+$0x30] =	vst v9  }
0x297: {  	s30 =	simm.s32 $0x0;
	s31 =	simm.s32 $0xAF0;
	v4 =	vld.idx.msk [tilespmem:v8+s22+$0x0], $0xffff;
	[tilespmem:s29+$0xFFFFFFD0] =	vst v10  }
.LBB2_62:
0x298: {  	v6 =	vld [tilespmem:s31+$0x0];
	s30 =	sadd.s32 $0x8, s30;
	[tilespmem:s29+$0xFFFFFFE0] =	vst v5  }
0x299: {  	v5 =	vld [tilespmem:s31+$0xFFFFFFA0];
	p2 =	slt.u32 s30, $0x1F8;
	[tilespmem:s29+$0xFFFFFFF0] =	vst v3  }
0x29a: {  	v3 =	vld [tilespmem:s31+$0xFFFFFFB0];
	[tilespmem:s29+$0x0] =	vst v0  }
0x29b: {  	v0 =	vld [tilespmem:s31+$0xFFFFFFC0];
	[tilespmem:s29+$0x10] =	vst v1  }
0x29c: {  	v1 =	vld [tilespmem:s31+$0xFFFFFFD0];
	[tilespmem:s29+$0x20] =	vst v2  }
0x29d: {  	v2 =	vld [tilespmem:s31+$0xFFFFFFE0];
	[tilespmem:s29+$0xFFFFFFC0] =	vst v4  }
0x29e: {  	v4 =	vld [tilespmem:s31+$0xFFFFFFF0]  }
0x29f: {  	v7 =	vld [tilespmem:s31+$0xFFFFFF90]  }
0x2a0: {  	v6 =	vld.idx.msk [tilespmem:v6+s22+$0x0], $0xffff  }
0x2a1: {  	v8 =	vld.idx.msk [tilespmem:v5+s22+$0x0], $0xffff  }
0x2a2: {  	v5 =	vld.idx.msk [tilespmem:v3+s22+$0x0], $0xffff  }
.Ltmp16:
0x2a3: {  	v3 =	vld.idx.msk [tilespmem:v0+s22+$0x0], $0xffff;
	(pc) =	sbr.rel @p2 .LBB2_62-.Ltmp16, $4  }
0x2a4: {  	v0 =	vld.idx.msk [tilespmem:v1+s22+$0x0], $0xffff  }
0x2a5: {  	s29 =	sadd.s32 $0x80, s29;
	v1 =	vld.idx.msk [tilespmem:v2+s22+$0x0], $0xffff  }
0x2a6: {  	v2 =	vld.idx.msk [tilespmem:v4+s22+$0x0], $0xffff;
	[tilespmem:s29+$0x30] =	vst v6  }
0x2a7: {  	s31 =	sadd.s32 $0x200, s31;
	v4 =	vld.idx.msk [tilespmem:v7+s22+$0x0], $0xffff;
	[tilespmem:s29+$0xFFFFFFD0] =	vst v8  }
0x2a8: {  	[tilespmem:s29+$0xFFFFFFE0] =	vst v5  }
0x2a9: {  	[tilespmem:s29+$0xFFFFFFF0] =	vst v3  }
0x2aa: {  	[tilespmem:s29+$0x0] =	vst v0  }
0x2ab: {  	[tilespmem:s29+$0x10] =	vst v1  }
0x2ac: {  	[tilespmem:s29+$0x20] =	vst v2  }
0x2ad: {  	[tilespmem:s29+$0xFFFFFFC0] =	vst v4  }
0x2ae: {  	[hbm4b:s13+s18] =	stream.strided.scatter [tilespmem:s25], [sflag:$0x4], $0x2000, s19, s18, $0x38;
	[tilespmem:$0x1C800] =	vst v63  }
0x2af: {  	_ =	swait.ge [sflag:s26], $0x2000  }
0x2b0: {  	[sflag:s26] =	ssyncset.done $0x0  }
0x2b1: {  	s29 =	simm.s32 $0x970;
	[sflag:s26] =	ssyncadd.s32 $0xFFFFE000  }
0x2b2: {  	v0 =	vld [tilespmem:s29+$0x0]  }
0x2b3: {  	v1 =	vld [tilespmem:s29+$0xFFFFFFA0]  }
0x2b4: {  	v2 =	vld [tilespmem:s29+$0xFFFFFFB0]  }
0x2b5: {  	v3 =	vld [tilespmem:s29+$0xFFFFFFC0]  }
0x2b6: {  	v4 =	vld [tilespmem:s29+$0xFFFFFFD0]  }
0x2b7: {  	v6 =	vld [tilespmem:s29+$0xFFFFFFE0]  }
0x2b8: {  	v7 =	vld [tilespmem:s29+$0xFFFFFFF0]  }
0x2b9: {  	v8 =	vld [tilespmem:s29+$0xFFFFFF90]  }
0x2ba: {  	v9 =	vld.idx.msk [tilespmem:v0+s22+$0x0], $0xffff  }
0x2bb: {  	v10 =	vld.idx.msk [tilespmem:v1+s22+$0x0], $0xffff  }
0x2bc: {  	v5 =	vld.idx.msk [tilespmem:v2+s22+$0x0], $0xffff  }
0x2bd: {  	v3 =	vld.idx.msk [tilespmem:v3+s22+$0x0], $0xffff  }
0x2be: {  	v0 =	vld.idx.msk [tilespmem:v4+s22+$0x0], $0xffff  }
0x2bf: {  	s29 =	simm.s32 $0x18840;
	v1 =	vld.idx.msk [tilespmem:v6+s22+$0x0], $0xffff  }
0x2c0: {  	v2 =	vld.idx.msk [tilespmem:v7+s22+$0x0], $0xffff;
	[tilespmem:s29+$0x30] =	vst v9  }
0x2c1: {  	s30 =	simm.s32 $0x0;
	s31 =	simm.s32 $0xB70;
	v4 =	vld.idx.msk [tilespmem:v8+s22+$0x0], $0xffff;
	[tilespmem:s29+$0xFFFFFFD0] =	vst v10  }
.LBB2_64:
0x2c2: {  	v6 =	vld [tilespmem:s31+$0x0];
	s30 =	sadd.s32 $0x8, s30;
	[tilespmem:s29+$0xFFFFFFE0] =	vst v5  }
0x2c3: {  	v5 =	vld [tilespmem:s31+$0xFFFFFFA0];
	p2 =	slt.u32 s30, $0x1F8;
	[tilespmem:s29+$0xFFFFFFF0] =	vst v3  }
0x2c4: {  	v3 =	vld [tilespmem:s31+$0xFFFFFFB0];
	[tilespmem:s29+$0x0] =	vst v0  }
0x2c5: {  	v0 =	vld [tilespmem:s31+$0xFFFFFFC0];
	[tilespmem:s29+$0x10] =	vst v1  }
0x2c6: {  	v1 =	vld [tilespmem:s31+$0xFFFFFFD0];
	[tilespmem:s29+$0x20] =	vst v2  }
0x2c7: {  	v2 =	vld [tilespmem:s31+$0xFFFFFFE0];
	[tilespmem:s29+$0xFFFFFFC0] =	vst v4  }
0x2c8: {  	v4 =	vld [tilespmem:s31+$0xFFFFFFF0]  }
0x2c9: {  	v7 =	vld [tilespmem:s31+$0xFFFFFF90]  }
0x2ca: {  	v6 =	vld.idx.msk [tilespmem:v6+s22+$0x0], $0xffff  }
0x2cb: {  	v8 =	vld.idx.msk [tilespmem:v5+s22+$0x0], $0xffff  }
0x2cc: {  	v5 =	vld.idx.msk [tilespmem:v3+s22+$0x0], $0xffff  }
.Ltmp17:
0x2cd: {  	v3 =	vld.idx.msk [tilespmem:v0+s22+$0x0], $0xffff;
	(pc) =	sbr.rel @p2 .LBB2_64-.Ltmp17, $4  }
0x2ce: {  	v0 =	vld.idx.msk [tilespmem:v1+s22+$0x0], $0xffff  }
0x2cf: {  	s29 =	sadd.s32 $0x80, s29;
	v1 =	vld.idx.msk [tilespmem:v2+s22+$0x0], $0xffff  }
0x2d0: {  	v2 =	vld.idx.msk [tilespmem:v4+s22+$0x0], $0xffff;
	[tilespmem:s29+$0x30] =	vst v6  }
0x2d1: {  	s31 =	sadd.s32 $0x200, s31;
	v4 =	vld.idx.msk [tilespmem:v7+s22+$0x0], $0xffff;
	[tilespmem:s29+$0xFFFFFFD0] =	vst v8  }
0x2d2: {  	[tilespmem:s29+$0xFFFFFFE0] =	vst v5  }
0x2d3: {  	[tilespmem:s29+$0xFFFFFFF0] =	vst v3  }
0x2d4: {  	[tilespmem:s29+$0x0] =	vst v0  }
0x2d5: {  	[tilespmem:s29+$0x10] =	vst v1  }
0x2d6: {  	[tilespmem:s29+$0x20] =	vst v2  }
0x2d7: {  	[tilespmem:s29+$0xFFFFFFC0] =	vst v4  }
0x2d8: {  	[hbm4b:s16+s18] =	stream.strided.scatter [tilespmem:s24], [sflag:$0x4], $0x2000, s19, s18, $0x38;
	[tilespmem:$0x1C800] =	vst v63  }
0x2d9: {  	_ =	swait.ge [sflag:s26], $0x2000  }
0x2da: {  	[sflag:s26] =	ssyncset.done $0x0  }
0x2db: {  	s29 =	simm.s32 $0x9F0;
	[sflag:s26] =	ssyncadd.s32 $0xFFFFE000  }
0x2dc: {  	v0 =	vld [tilespmem:s29+$0x0]  }
0x2dd: {  	v1 =	vld [tilespmem:s29+$0xFFFFFFA0]  }
0x2de: {  	v2 =	vld [tilespmem:s29+$0xFFFFFFB0]  }
0x2df: {  	v3 =	vld [tilespmem:s29+$0xFFFFFFC0]  }
0x2e0: {  	v4 =	vld [tilespmem:s29+$0xFFFFFFD0]  }
0x2e1: {  	v6 =	vld [tilespmem:s29+$0xFFFFFFE0]  }
0x2e2: {  	v7 =	vld [tilespmem:s29+$0xFFFFFFF0]  }
0x2e3: {  	v8 =	vld [tilespmem:s29+$0xFFFFFF90]  }
0x2e4: {  	v9 =	vld.idx.msk [tilespmem:v0+s22+$0x0], $0xffff  }
0x2e5: {  	v10 =	vld.idx.msk [tilespmem:v1+s22+$0x0], $0xffff  }
0x2e6: {  	v5 =	vld.idx.msk [tilespmem:v2+s22+$0x0], $0xffff  }
0x2e7: {  	v3 =	vld.idx.msk [tilespmem:v3+s22+$0x0], $0xffff  }
0x2e8: {  	v0 =	vld.idx.msk [tilespmem:v4+s22+$0x0], $0xffff  }
0x2e9: {  	s29 =	simm.s32 $0x1A840;
	v1 =	vld.idx.msk [tilespmem:v6+s22+$0x0], $0xffff  }
0x2ea: {  	v2 =	vld.idx.msk [tilespmem:v7+s22+$0x0], $0xffff;
	[tilespmem:s29+$0x30] =	vst v9  }
0x2eb: {  	s30 =	simm.s32 $0x0;
	s31 =	simm.s32 $0xBF0;
	v4 =	vld.idx.msk [tilespmem:v8+s22+$0x0], $0xffff;
	[tilespmem:s29+$0xFFFFFFD0] =	vst v10  }
.LBB2_66:
0x2ec: {  	v6 =	vld [tilespmem:s31+$0x0];
	s30 =	sadd.s32 $0x8, s30;
	[tilespmem:s29+$0xFFFFFFE0] =	vst v5  }
0x2ed: {  	v5 =	vld [tilespmem:s31+$0xFFFFFFA0];
	p2 =	slt.u32 s30, $0x1F8;
	[tilespmem:s29+$0xFFFFFFF0] =	vst v3  }
0x2ee: {  	v3 =	vld [tilespmem:s31+$0xFFFFFFB0];
	[tilespmem:s29+$0x0] =	vst v0  }
0x2ef: {  	v0 =	vld [tilespmem:s31+$0xFFFFFFC0];
	[tilespmem:s29+$0x10] =	vst v1  }
0x2f0: {  	v1 =	vld [tilespmem:s31+$0xFFFFFFD0];
	[tilespmem:s29+$0x20] =	vst v2  }
0x2f1: {  	v2 =	vld [tilespmem:s31+$0xFFFFFFE0];
	[tilespmem:s29+$0xFFFFFFC0] =	vst v4  }
0x2f2: {  	v4 =	vld [tilespmem:s31+$0xFFFFFFF0]  }
0x2f3: {  	v7 =	vld [tilespmem:s31+$0xFFFFFF90]  }
0x2f4: {  	v6 =	vld.idx.msk [tilespmem:v6+s22+$0x0], $0xffff  }
0x2f5: {  	v8 =	vld.idx.msk [tilespmem:v5+s22+$0x0], $0xffff  }
0x2f6: {  	v5 =	vld.idx.msk [tilespmem:v3+s22+$0x0], $0xffff  }
.Ltmp18:
0x2f7: {  	v3 =	vld.idx.msk [tilespmem:v0+s22+$0x0], $0xffff;
	(pc) =	sbr.rel @p2 .LBB2_66-.Ltmp18, $4  }
0x2f8: {  	v0 =	vld.idx.msk [tilespmem:v1+s22+$0x0], $0xffff  }
0x2f9: {  	s29 =	sadd.s32 $0x80, s29;
	v1 =	vld.idx.msk [tilespmem:v2+s22+$0x0], $0xffff  }
0x2fa: {  	v2 =	vld.idx.msk [tilespmem:v4+s22+$0x0], $0xffff;
	[tilespmem:s29+$0x30] =	vst v6  }
0x2fb: {  	s31 =	sadd.s32 $0x200, s31;
	v4 =	vld.idx.msk [tilespmem:v7+s22+$0x0], $0xffff;
	[tilespmem:s29+$0xFFFFFFD0] =	vst v8  }
.Ltmp19:
0x2fc: {  	_ = 	snop;
	(pc) =	sbr.rel .LBB2_67-.Ltmp19, $1  }
0x2fd: {  	_ =	sdelay $0x3  }
.LBB2_2:
0x2fe: {  	s30 =	rddreg [dreg:$0x7]  }
0x2ff: {  	[tilespmem:s20], [sflag:$0x2] =	stream.strided.gather [hbm4b:s30+s18], $0x8000, s19, s18, $0x38;
	[tilespmem:$0x1C800] =	vst v63  }
0x300: {  	s31 =	rddreg [dreg:$0x0];
	s30 =	simm.s32 @!p1 $0x1C05  }
0x301: {  	[spmem:s29], [sflag:s30] =	dma.local @!p1 [hbm:s31], $0x1000  }
0x302: {  	s29 =	simm.s32 @!p1 $0x5  }
0x303: {  	_ =	swait.ge @!p1 [sflag:s29], $0x1000  }
0x304: {  	[sflag:s29] =	ssyncset.done @!p1 $0x0  }
0x305: {  	[sflag:s29] =	ssyncadd.s32 @!p1 $0xFFFFF000  }
0x306: {  	s29 =	simm.s32 $0x800;
	[bflag:$0x0] =	sbarrier.arrive $0xFFFF  }
0x307: {  	[tilespmem:s29], [sflag:$0x1] =	stream.linear.gather [spmem:s11], $0x8000, $0x38;
	[tilespmem:$0x1C800] =	vst v63  }
0x308: {  	_ =	swait.ge [sflag:s21], $0x8000  }
0x309: {  	[sflag:s21] =	ssyncset.done $0x0  }
0x30a: {  	s29 =	rddreg [dreg:$0x8];
	[sflag:s21] =	ssyncadd.s32 $0xFFFF8000  }
0x30b: {  	[tilespmem:s22], [sflag:$0x3] =	stream.strided.gather [hbm4b:s29+s18], $0x8000, s19, s18, $0x38;
	[tilespmem:$0x1C800] =	vst v63  }
0x30c: {  	_ =	swait.ge [sflag:s23], $0x8000  }
0x30d: {  	[sflag:s23] =	ssyncset.done $0x0  }
0x30e: {  	s29 =	simm.s32 $0x840;
	[sflag:s23] =	ssyncadd.s32 $0xFFFF8000  }
0x30f: {  	v0 =	vld [tilespmem:s29+$0x30]  }
0x310: {  	v1 =	vld [tilespmem:s29+$0xFFFFFFD0]  }
0x311: {  	v2 =	vld [tilespmem:s29+$0xFFFFFFE0]  }
0x312: {  	v3 =	vld [tilespmem:s29+$0xFFFFFFF0]  }
0x313: {  	v4 =	vld [tilespmem:s29+$0x0]  }
0x314: {  	v6 =	vld [tilespmem:s29+$0x10]  }
0x315: {  	v7 =	vld [tilespmem:s29+$0x20]  }
0x316: {  	v8 =	vld [tilespmem:s29+$0xFFFFFFC0]  }
0x317: {  	v9 =	vld.idx.msk [tilespmem:v0+s20+$0x0], $0xffff  }
0x318: {  	v10 =	vld.idx.msk [tilespmem:v1+s20+$0x0], $0xffff  }
0x319: {  	v5 =	vld.idx.msk [tilespmem:v2+s20+$0x0], $0xffff  }
0x31a: {  	v3 =	vld.idx.msk [tilespmem:v3+s20+$0x0], $0xffff  }
0x31b: {  	v0 =	vld.idx.msk [tilespmem:v4+s20+$0x0], $0xffff  }
0x31c: {  	s29 =	simm.s32 $0x18840;
	v1 =	vld.idx.msk [tilespmem:v6+s20+$0x0], $0xffff  }
0x31d: {  	v2 =	vld.idx.msk [tilespmem:v7+s20+$0x0], $0xffff;
	[tilespmem:s29+$0x30] =	vst v9  }
0x31e: {  	s30 =	simm.s32 $0x0;
	s31 =	simm.s32 $0xA40;
	v4 =	vld.idx.msk [tilespmem:v8+s20+$0x0], $0xffff;
	[tilespmem:s29+$0xFFFFFFD0] =	vst v10  }
.LBB2_3:
0x31f: {  	v6 =	vld [tilespmem:s31+$0x30];
	s30 =	sadd.s32 $0x8, s30;
	[tilespmem:s29+$0xFFFFFFE0] =	vst v5  }
0x320: {  	v5 =	vld [tilespmem:s31+$0xFFFFFFD0];
	p2 =	slt.u32 s30, $0x1F8;
	[tilespmem:s29+$0xFFFFFFF0] =	vst v3  }
0x321: {  	v3 =	vld [tilespmem:s31+$0xFFFFFFE0];
	[tilespmem:s29+$0x0] =	vst v0  }
0x322: {  	v0 =	vld [tilespmem:s31+$0xFFFFFFF0];
	[tilespmem:s29+$0x10] =	vst v1  }
0x323: {  	v1 =	vld [tilespmem:s31+$0x0];
	[tilespmem:s29+$0x20] =	vst v2  }
0x324: {  	v2 =	vld [tilespmem:s31+$0x10];
	[tilespmem:s29+$0xFFFFFFC0] =	vst v4  }
0x325: {  	v4 =	vld [tilespmem:s31+$0x20]  }
0x326: {  	v7 =	vld [tilespmem:s31+$0xFFFFFFC0]  }
0x327: {  	v6 =	vld.idx.msk [tilespmem:v6+s20+$0x0], $0xffff  }
0x328: {  	v8 =	vld.idx.msk [tilespmem:v5+s20+$0x0], $0xffff  }
0x329: {  	v5 =	vld.idx.msk [tilespmem:v3+s20+$0x0], $0xffff  }
.Ltmp20:
0x32a: {  	v3 =	vld.idx.msk [tilespmem:v0+s20+$0x0], $0xffff;
	(pc) =	sbr.rel @p2 .LBB2_3-.Ltmp20, $4  }
0x32b: {  	v0 =	vld.idx.msk [tilespmem:v1+s20+$0x0], $0xffff  }
0x32c: {  	s29 =	sadd.s32 $0x80, s29;
	v1 =	vld.idx.msk [tilespmem:v2+s20+$0x0], $0xffff  }
0x32d: {  	v2 =	vld.idx.msk [tilespmem:v4+s20+$0x0], $0xffff;
	[tilespmem:s29+$0x30] =	vst v6  }
0x32e: {  	s31 =	sadd.s32 $0x200, s31;
	v4 =	vld.idx.msk [tilespmem:v7+s20+$0x0], $0xffff;
	[tilespmem:s29+$0xFFFFFFD0] =	vst v8  }
0x32f: {  	[tilespmem:s29+$0xFFFFFFE0] =	vst v5  }
0x330: {  	[tilespmem:s29+$0xFFFFFFF0] =	vst v3  }
0x331: {  	[tilespmem:s29+$0x0] =	vst v0  }
0x332: {  	[tilespmem:s29+$0x10] =	vst v1  }
0x333: {  	[tilespmem:s29+$0x20] =	vst v2  }
0x334: {  	[tilespmem:s29+$0xFFFFFFC0] =	vst v4  }
0x335: {  	s29 =	rddreg [dreg:$0xf]  }
0x336: {  	[hbm4b:s29+s18] =	stream.strided.scatter [tilespmem:s24], [sflag:$0x4], $0x2000, s19, s18, $0x38;
	[tilespmem:$0x1C800] =	vst v63  }
0x337: {  	s29 =	simm.s32 $0x8F0  }
0x338: {  	v0 =	vld [tilespmem:s29+$0x0]  }
0x339: {  	v1 =	vld [tilespmem:s29+$0xFFFFFFA0]  }
0x33a: {  	v2 =	vld [tilespmem:s29+$0xFFFFFFB0]  }
0x33b: {  	v3 =	vld [tilespmem:s29+$0xFFFFFFC0]  }
0x33c: {  	v4 =	vld [tilespmem:s29+$0xFFFFFFD0]  }
0x33d: {  	v6 =	vld [tilespmem:s29+$0xFFFFFFE0]  }
0x33e: {  	v7 =	vld [tilespmem:s29+$0xFFFFFFF0]  }
0x33f: {  	v8 =	vld [tilespmem:s29+$0xFFFFFF90]  }
0x340: {  	v9 =	vld.idx.msk [tilespmem:v0+s20+$0x0], $0xffff  }
0x341: {  	v10 =	vld.idx.msk [tilespmem:v1+s20+$0x0], $0xffff  }
0x342: {  	v5 =	vld.idx.msk [tilespmem:v2+s20+$0x0], $0xffff  }
0x343: {  	v3 =	vld.idx.msk [tilespmem:v3+s20+$0x0], $0xffff  }
0x344: {  	v0 =	vld.idx.msk [tilespmem:v4+s20+$0x0], $0xffff  }
0x345: {  	s29 =	simm.s32 $0x1A840;
	v1 =	vld.idx.msk [tilespmem:v6+s20+$0x0], $0xffff  }
0x346: {  	v2 =	vld.idx.msk [tilespmem:v7+s20+$0x0], $0xffff;
	[tilespmem:s29+$0x30] =	vst v9  }
0x347: {  	s30 =	simm.s32 $0x0;
	s31 =	simm.s32 $0xAF0;
	v4 =	vld.idx.msk [tilespmem:v8+s20+$0x0], $0xffff;
	[tilespmem:s29+$0xFFFFFFD0] =	vst v10  }
.LBB2_5:
0x348: {  	v6 =	vld [tilespmem:s31+$0x0];
	s30 =	sadd.s32 $0x8, s30;
	[tilespmem:s29+$0xFFFFFFE0] =	vst v5  }
0x349: {  	v5 =	vld [tilespmem:s31+$0xFFFFFFA0];
	p2 =	slt.u32 s30, $0x1F8;
	[tilespmem:s29+$0xFFFFFFF0] =	vst v3  }
0x34a: {  	v3 =	vld [tilespmem:s31+$0xFFFFFFB0];
	[tilespmem:s29+$0x0] =	vst v0  }
0x34b: {  	v0 =	vld [tilespmem:s31+$0xFFFFFFC0];
	[tilespmem:s29+$0x10] =	vst v1  }
0x34c: {  	v1 =	vld [tilespmem:s31+$0xFFFFFFD0];
	[tilespmem:s29+$0x20] =	vst v2  }
0x34d: {  	v2 =	vld [tilespmem:s31+$0xFFFFFFE0];
	[tilespmem:s29+$0xFFFFFFC0] =	vst v4  }
0x34e: {  	v4 =	vld [tilespmem:s31+$0xFFFFFFF0]  }
0x34f: {  	v7 =	vld [tilespmem:s31+$0xFFFFFF90]  }
0x350: {  	v6 =	vld.idx.msk [tilespmem:v6+s20+$0x0], $0xffff  }
0x351: {  	v8 =	vld.idx.msk [tilespmem:v5+s20+$0x0], $0xffff  }
0x352: {  	v5 =	vld.idx.msk [tilespmem:v3+s20+$0x0], $0xffff  }
.Ltmp21:
0x353: {  	v3 =	vld.idx.msk [tilespmem:v0+s20+$0x0], $0xffff;
	(pc) =	sbr.rel @p2 .LBB2_5-.Ltmp21, $4  }
0x354: {  	v0 =	vld.idx.msk [tilespmem:v1+s20+$0x0], $0xffff  }
0x355: {  	s29 =	sadd.s32 $0x80, s29;
	v1 =	vld.idx.msk [tilespmem:v2+s20+$0x0], $0xffff  }
0x356: {  	v2 =	vld.idx.msk [tilespmem:v4+s20+$0x0], $0xffff;
	[tilespmem:s29+$0x30] =	vst v6  }
0x357: {  	s31 =	sadd.s32 $0x200, s31;
	v4 =	vld.idx.msk [tilespmem:v7+s20+$0x0], $0xffff;
	[tilespmem:s29+$0xFFFFFFD0] =	vst v8  }
0x358: {  	[tilespmem:s29+$0xFFFFFFE0] =	vst v5  }
0x359: {  	[tilespmem:s29+$0xFFFFFFF0] =	vst v3  }
0x35a: {  	[tilespmem:s29+$0x0] =	vst v0  }
0x35b: {  	[tilespmem:s29+$0x10] =	vst v1  }
0x35c: {  	[tilespmem:s29+$0x20] =	vst v2  }
0x35d: {  	[tilespmem:s29+$0xFFFFFFC0] =	vst v4  }
0x35e: {  	s29 =	rddreg [dreg:$0x11]  }
0x35f: {  	[hbm4b:s29+s18] =	stream.strided.scatter [tilespmem:s25], [sflag:$0x4], $0x2000, s19, s18, $0x38;
	[tilespmem:$0x1C800] =	vst v63  }
0x360: {  	_ =	swait.ge [sflag:s26], $0x2000  }
0x361: {  	[sflag:s26] =	ssyncset.done $0x0  }
0x362: {  	s29 =	simm.s32 $0x970;
	[sflag:s26] =	ssyncadd.s32 $0xFFFFE000  }
0x363: {  	v0 =	vld [tilespmem:s29+$0x0]  }
0x364: {  	v1 =	vld [tilespmem:s29+$0xFFFFFFA0]  }
0x365: {  	v2 =	vld [tilespmem:s29+$0xFFFFFFB0]  }
0x366: {  	v3 =	vld [tilespmem:s29+$0xFFFFFFC0]  }
0x367: {  	v4 =	vld [tilespmem:s29+$0xFFFFFFD0]  }
0x368: {  	v6 =	vld [tilespmem:s29+$0xFFFFFFE0]  }
0x369: {  	v7 =	vld [tilespmem:s29+$0xFFFFFFF0]  }
0x36a: {  	v8 =	vld [tilespmem:s29+$0xFFFFFF90]  }
0x36b: {  	v9 =	vld.idx.msk [tilespmem:v0+s20+$0x0], $0xffff  }
0x36c: {  	v10 =	vld.idx.msk [tilespmem:v1+s20+$0x0], $0xffff  }
0x36d: {  	v5 =	vld.idx.msk [tilespmem:v2+s20+$0x0], $0xffff  }
0x36e: {  	v3 =	vld.idx.msk [tilespmem:v3+s20+$0x0], $0xffff  }
0x36f: {  	v0 =	vld.idx.msk [tilespmem:v4+s20+$0x0], $0xffff  }
0x370: {  	s29 =	simm.s32 $0x18840;
	v1 =	vld.idx.msk [tilespmem:v6+s20+$0x0], $0xffff  }
0x371: {  	v2 =	vld.idx.msk [tilespmem:v7+s20+$0x0], $0xffff;
	[tilespmem:s29+$0x30] =	vst v9  }
0x372: {  	s30 =	simm.s32 $0x0;
	s31 =	simm.s32 $0xB70;
	v4 =	vld.idx.msk [tilespmem:v8+s20+$0x0], $0xffff;
	[tilespmem:s29+$0xFFFFFFD0] =	vst v10  }
.LBB2_7:
0x373: {  	v6 =	vld [tilespmem:s31+$0x0];
	s30 =	sadd.s32 $0x8, s30;
	[tilespmem:s29+$0xFFFFFFE0] =	vst v5  }
0x374: {  	v5 =	vld [tilespmem:s31+$0xFFFFFFA0];
	p2 =	slt.u32 s30, $0x1F8;
	[tilespmem:s29+$0xFFFFFFF0] =	vst v3  }
0x375: {  	v3 =	vld [tilespmem:s31+$0xFFFFFFB0];
	[tilespmem:s29+$0x0] =	vst v0  }
0x376: {  	v0 =	vld [tilespmem:s31+$0xFFFFFFC0];
	[tilespmem:s29+$0x10] =	vst v1  }
0x377: {  	v1 =	vld [tilespmem:s31+$0xFFFFFFD0];
	[tilespmem:s29+$0x20] =	vst v2  }
0x378: {  	v2 =	vld [tilespmem:s31+$0xFFFFFFE0];
	[tilespmem:s29+$0xFFFFFFC0] =	vst v4  }
0x379: {  	v4 =	vld [tilespmem:s31+$0xFFFFFFF0]  }
0x37a: {  	v7 =	vld [tilespmem:s31+$0xFFFFFF90]  }
0x37b: {  	v6 =	vld.idx.msk [tilespmem:v6+s20+$0x0], $0xffff  }
0x37c: {  	v8 =	vld.idx.msk [tilespmem:v5+s20+$0x0], $0xffff  }
0x37d: {  	v5 =	vld.idx.msk [tilespmem:v3+s20+$0x0], $0xffff  }
.Ltmp22:
0x37e: {  	v3 =	vld.idx.msk [tilespmem:v0+s20+$0x0], $0xffff;
	(pc) =	sbr.rel @p2 .LBB2_7-.Ltmp22, $4  }
0x37f: {  	v0 =	vld.idx.msk [tilespmem:v1+s20+$0x0], $0xffff  }
0x380: {  	s29 =	sadd.s32 $0x80, s29;
	v1 =	vld.idx.msk [tilespmem:v2+s20+$0x0], $0xffff  }
0x381: {  	v2 =	vld.idx.msk [tilespmem:v4+s20+$0x0], $0xffff;
	[tilespmem:s29+$0x30] =	vst v6  }
0x382: {  	s31 =	sadd.s32 $0x200, s31;
	v4 =	vld.idx.msk [tilespmem:v7+s20+$0x0], $0xffff;
	[tilespmem:s29+$0xFFFFFFD0] =	vst v8  }
0x383: {  	[tilespmem:s29+$0xFFFFFFE0] =	vst v5  }
0x384: {  	[tilespmem:s29+$0xFFFFFFF0] =	vst v3  }
0x385: {  	[tilespmem:s29+$0x0] =	vst v0  }
0x386: {  	[tilespmem:s29+$0x10] =	vst v1  }
0x387: {  	[tilespmem:s29+$0x20] =	vst v2  }
0x388: {  	[tilespmem:s29+$0xFFFFFFC0] =	vst v4  }
0x389: {  	s29 =	rddreg [dreg:$0x13]  }
0x38a: {  	[hbm4b:s29+s18] =	stream.strided.scatter [tilespmem:s24], [sflag:$0x4], $0x2000, s19, s18, $0x38;
	[tilespmem:$0x1C800] =	vst v63  }
0x38b: {  	_ =	swait.ge [sflag:s26], $0x2000  }
0x38c: {  	[sflag:s26] =	ssyncset.done $0x0  }
0x38d: {  	s29 =	simm.s32 $0x9F0;
	[sflag:s26] =	ssyncadd.s32 $0xFFFFE000  }
0x38e: {  	v0 =	vld [tilespmem:s29+$0x0]  }
0x38f: {  	v1 =	vld [tilespmem:s29+$0xFFFFFFA0]  }
0x390: {  	v2 =	vld [tilespmem:s29+$0xFFFFFFB0]  }
0x391: {  	v3 =	vld [tilespmem:s29+$0xFFFFFFC0]  }
0x392: {  	v4 =	vld [tilespmem:s29+$0xFFFFFFD0]  }
0x393: {  	v6 =	vld [tilespmem:s29+$0xFFFFFFE0]  }
0x394: {  	v7 =	vld [tilespmem:s29+$0xFFFFFFF0]  }
0x395: {  	v8 =	vld [tilespmem:s29+$0xFFFFFF90]  }
0x396: {  	v9 =	vld.idx.msk [tilespmem:v0+s20+$0x0], $0xffff  }
0x397: {  	v10 =	vld.idx.msk [tilespmem:v1+s20+$0x0], $0xffff  }
0x398: {  	v5 =	vld.idx.msk [tilespmem:v2+s20+$0x0], $0xffff  }
0x399: {  	v3 =	vld.idx.msk [tilespmem:v3+s20+$0x0], $0xffff  }
0x39a: {  	v0 =	vld.idx.msk [tilespmem:v4+s20+$0x0], $0xffff  }
0x39b: {  	s29 =	simm.s32 $0x1A840;
	v1 =	vld.idx.msk [tilespmem:v6+s20+$0x0], $0xffff  }
0x39c: {  	v2 =	vld.idx.msk [tilespmem:v7+s20+$0x0], $0xffff;
	[tilespmem:s29+$0x30] =	vst v9  }
0x39d: {  	s30 =	simm.s32 $0x0;
	s31 =	simm.s32 $0xBF0;
	v4 =	vld.idx.msk [tilespmem:v8+s20+$0x0], $0xffff;
	[tilespmem:s29+$0xFFFFFFD0] =	vst v10  }
.LBB2_9:
0x39e: {  	v6 =	vld [tilespmem:s31+$0x0];
	s30 =	sadd.s32 $0x8, s30;
	[tilespmem:s29+$0xFFFFFFE0] =	vst v5  }
0x39f: {  	v5 =	vld [tilespmem:s31+$0xFFFFFFA0];
	p2 =	slt.u32 s30, $0x1F8;
	[tilespmem:s29+$0xFFFFFFF0] =	vst v3  }
0x3a0: {  	v3 =	vld [tilespmem:s31+$0xFFFFFFB0];
	[tilespmem:s29+$0x0] =	vst v0  }
0x3a1: {  	v0 =	vld [tilespmem:s31+$0xFFFFFFC0];
	[tilespmem:s29+$0x10] =	vst v1  }
0x3a2: {  	v1 =	vld [tilespmem:s31+$0xFFFFFFD0];
	[tilespmem:s29+$0x20] =	vst v2  }
0x3a3: {  	v2 =	vld [tilespmem:s31+$0xFFFFFFE0];
	[tilespmem:s29+$0xFFFFFFC0] =	vst v4  }
0x3a4: {  	v4 =	vld [tilespmem:s31+$0xFFFFFFF0]  }
0x3a5: {  	v7 =	vld [tilespmem:s31+$0xFFFFFF90]  }
0x3a6: {  	v6 =	vld.idx.msk [tilespmem:v6+s20+$0x0], $0xffff  }
0x3a7: {  	v8 =	vld.idx.msk [tilespmem:v5+s20+$0x0], $0xffff  }
0x3a8: {  	v5 =	vld.idx.msk [tilespmem:v3+s20+$0x0], $0xffff  }
.Ltmp23:
0x3a9: {  	v3 =	vld.idx.msk [tilespmem:v0+s20+$0x0], $0xffff;
	(pc) =	sbr.rel @p2 .LBB2_9-.Ltmp23, $4  }
0x3aa: {  	v0 =	vld.idx.msk [tilespmem:v1+s20+$0x0], $0xffff  }
0x3ab: {  	s29 =	sadd.s32 $0x80, s29;
	v1 =	vld.idx.msk [tilespmem:v2+s20+$0x0], $0xffff  }
0x3ac: {  	v2 =	vld.idx.msk [tilespmem:v4+s20+$0x0], $0xffff;
	[tilespmem:s29+$0x30] =	vst v6  }
0x3ad: {  	s31 =	sadd.s32 $0x200, s31;
	v4 =	vld.idx.msk [tilespmem:v7+s20+$0x0], $0xffff;
	[tilespmem:s29+$0xFFFFFFD0] =	vst v8  }
0x3ae: {  	[tilespmem:s29+$0xFFFFFFE0] =	vst v5  }
0x3af: {  	[tilespmem:s29+$0xFFFFFFF0] =	vst v3  }
0x3b0: {  	[tilespmem:s29+$0x0] =	vst v0  }
0x3b1: {  	[tilespmem:s29+$0x10] =	vst v1  }
0x3b2: {  	[tilespmem:s29+$0x20] =	vst v2  }
0x3b3: {  	[tilespmem:s29+$0xFFFFFFC0] =	vst v4  }
0x3b4: {  	s29 =	rddreg [dreg:$0x15]  }
0x3b5: {  	[hbm4b:s29+s18] =	stream.strided.scatter [tilespmem:s25], [sflag:$0x4], $0x2000, s19, s18, $0x38;
	[tilespmem:$0x1C800] =	vst v63  }
0x3b6: {  	s29 =	rddreg [dreg:$0x9]  }
0x3b7: {  	[tilespmem:s20], [sflag:$0x2] =	stream.strided.gather [hbm4b:s29+s18], $0x8000, s19, s18, $0x38;
	[tilespmem:$0x1C800] =	vst v63  }
0x3b8: {  	_ =	swait.ge [sflag:s28], $0x8000  }
0x3b9: {  	[sflag:s28] =	ssyncset.done $0x0  }
0x3ba: {  	[sflag:s28] =	ssyncadd.s32 $0xFFFF8000  }
0x3bb: {  	_ =	swait.ge [sflag:s26], $0x2000  }
0x3bc: {  	[sflag:s26] =	ssyncset.done $0x0  }
0x3bd: {  	s29 =	simm.s32 $0x840;
	[sflag:s26] =	ssyncadd.s32 $0xFFFFE000  }
0x3be: {  	v0 =	vld [tilespmem:s29+$0x30]  }
0x3bf: {  	v1 =	vld [tilespmem:s29+$0xFFFFFFD0]  }
0x3c0: {  	v2 =	vld [tilespmem:s29+$0xFFFFFFE0]  }
0x3c1: {  	v3 =	vld [tilespmem:s29+$0xFFFFFFF0]  }
0x3c2: {  	v4 =	vld [tilespmem:s29+$0x0]  }
0x3c3: {  	v6 =	vld [tilespmem:s29+$0x10]  }
0x3c4: {  	v7 =	vld [tilespmem:s29+$0x20]  }
0x3c5: {  	v8 =	vld [tilespmem:s29+$0xFFFFFFC0]  }
0x3c6: {  	v9 =	vld.idx.msk [tilespmem:v0+s22+$0x0], $0xffff  }
0x3c7: {  	v10 =	vld.idx.msk [tilespmem:v1+s22+$0x0], $0xffff  }
0x3c8: {  	v5 =	vld.idx.msk [tilespmem:v2+s22+$0x0], $0xffff  }
0x3c9: {  	v3 =	vld.idx.msk [tilespmem:v3+s22+$0x0], $0xffff  }
0x3ca: {  	v0 =	vld.idx.msk [tilespmem:v4+s22+$0x0], $0xffff  }
0x3cb: {  	s29 =	simm.s32 $0x18840;
	v1 =	vld.idx.msk [tilespmem:v6+s22+$0x0], $0xffff  }
0x3cc: {  	v2 =	vld.idx.msk [tilespmem:v7+s22+$0x0], $0xffff;
	[tilespmem:s29+$0x30] =	vst v9  }
0x3cd: {  	s30 =	simm.s32 $0x0;
	s31 =	simm.s32 $0xA40;
	v4 =	vld.idx.msk [tilespmem:v8+s22+$0x0], $0xffff;
	[tilespmem:s29+$0xFFFFFFD0] =	vst v10  }
.LBB2_11:
0x3ce: {  	v6 =	vld [tilespmem:s31+$0x30];
	s30 =	sadd.s32 $0x8, s30;
	[tilespmem:s29+$0xFFFFFFE0] =	vst v5  }
0x3cf: {  	v5 =	vld [tilespmem:s31+$0xFFFFFFD0];
	p2 =	slt.u32 s30, $0x1F8;
	[tilespmem:s29+$0xFFFFFFF0] =	vst v3  }
0x3d0: {  	v3 =	vld [tilespmem:s31+$0xFFFFFFE0];
	[tilespmem:s29+$0x0] =	vst v0  }
0x3d1: {  	v0 =	vld [tilespmem:s31+$0xFFFFFFF0];
	[tilespmem:s29+$0x10] =	vst v1  }
0x3d2: {  	v1 =	vld [tilespmem:s31+$0x0];
	[tilespmem:s29+$0x20] =	vst v2  }
0x3d3: {  	v2 =	vld [tilespmem:s31+$0x10];
	[tilespmem:s29+$0xFFFFFFC0] =	vst v4  }
0x3d4: {  	v4 =	vld [tilespmem:s31+$0x20]  }
0x3d5: {  	v7 =	vld [tilespmem:s31+$0xFFFFFFC0]  }
0x3d6: {  	v6 =	vld.idx.msk [tilespmem:v6+s22+$0x0], $0xffff  }
0x3d7: {  	v8 =	vld.idx.msk [tilespmem:v5+s22+$0x0], $0xffff  }
0x3d8: {  	v5 =	vld.idx.msk [tilespmem:v3+s22+$0x0], $0xffff  }
.Ltmp24:
0x3d9: {  	v3 =	vld.idx.msk [tilespmem:v0+s22+$0x0], $0xffff;
	(pc) =	sbr.rel @p2 .LBB2_11-.Ltmp24, $4  }
0x3da: {  	v0 =	vld.idx.msk [tilespmem:v1+s22+$0x0], $0xffff  }
0x3db: {  	s29 =	sadd.s32 $0x80, s29;
	v1 =	vld.idx.msk [tilespmem:v2+s22+$0x0], $0xffff  }
0x3dc: {  	v2 =	vld.idx.msk [tilespmem:v4+s22+$0x0], $0xffff;
	[tilespmem:s29+$0x30] =	vst v6  }
0x3dd: {  	s31 =	sadd.s32 $0x200, s31;
	v4 =	vld.idx.msk [tilespmem:v7+s22+$0x0], $0xffff;
	[tilespmem:s29+$0xFFFFFFD0] =	vst v8  }
0x3de: {  	[tilespmem:s29+$0xFFFFFFE0] =	vst v5  }
0x3df: {  	[tilespmem:s29+$0xFFFFFFF0] =	vst v3  }
0x3e0: {  	[tilespmem:s29+$0x0] =	vst v0  }
0x3e1: {  	[tilespmem:s29+$0x10] =	vst v1  }
0x3e2: {  	[tilespmem:s29+$0x20] =	vst v2  }
0x3e3: {  	[tilespmem:s29+$0xFFFFFFC0] =	vst v4  }
0x3e4: {  	s29 =	rddreg [dreg:$0x17]  }
0x3e5: {  	[hbm4b:s29+s18] =	stream.strided.scatter [tilespmem:s24], [sflag:$0x4], $0x2000, s19, s18, $0x38;
	[tilespmem:$0x1C800] =	vst v63  }
0x3e6: {  	_ =	swait.ge [sflag:s26], $0x2000  }
0x3e7: {  	[sflag:s26] =	ssyncset.done $0x0  }
0x3e8: {  	s29 =	simm.s32 $0x8F0;
	[sflag:s26] =	ssyncadd.s32 $0xFFFFE000  }
0x3e9: {  	v0 =	vld [tilespmem:s29+$0x0]  }
0x3ea: {  	v1 =	vld [tilespmem:s29+$0xFFFFFFA0]  }
0x3eb: {  	v2 =	vld [tilespmem:s29+$0xFFFFFFB0]  }
0x3ec: {  	v3 =	vld [tilespmem:s29+$0xFFFFFFC0]  }
0x3ed: {  	v4 =	vld [tilespmem:s29+$0xFFFFFFD0]  }
0x3ee: {  	v6 =	vld [tilespmem:s29+$0xFFFFFFE0]  }
0x3ef: {  	v7 =	vld [tilespmem:s29+$0xFFFFFFF0]  }
0x3f0: {  	v8 =	vld [tilespmem:s29+$0xFFFFFF90]  }
0x3f1: {  	v9 =	vld.idx.msk [tilespmem:v0+s22+$0x0], $0xffff  }
0x3f2: {  	v10 =	vld.idx.msk [tilespmem:v1+s22+$0x0], $0xffff  }
0x3f3: {  	v5 =	vld.idx.msk [tilespmem:v2+s22+$0x0], $0xffff  }
0x3f4: {  	v3 =	vld.idx.msk [tilespmem:v3+s22+$0x0], $0xffff  }
0x3f5: {  	v0 =	vld.idx.msk [tilespmem:v4+s22+$0x0], $0xffff  }
0x3f6: {  	s29 =	simm.s32 $0x1A840;
	v1 =	vld.idx.msk [tilespmem:v6+s22+$0x0], $0xffff  }
0x3f7: {  	v2 =	vld.idx.msk [tilespmem:v7+s22+$0x0], $0xffff;
	[tilespmem:s29+$0x30] =	vst v9  }
0x3f8: {  	s30 =	simm.s32 $0x0;
	s31 =	simm.s32 $0xAF0;
	v4 =	vld.idx.msk [tilespmem:v8+s22+$0x0], $0xffff;
	[tilespmem:s29+$0xFFFFFFD0] =	vst v10  }
.LBB2_13:
0x3f9: {  	v6 =	vld [tilespmem:s31+$0x0];
	s30 =	sadd.s32 $0x8, s30;
	[tilespmem:s29+$0xFFFFFFE0] =	vst v5  }
0x3fa: {  	v5 =	vld [tilespmem:s31+$0xFFFFFFA0];
	p2 =	slt.u32 s30, $0x1F8;
	[tilespmem:s29+$0xFFFFFFF0] =	vst v3  }
0x3fb: {  	v3 =	vld [tilespmem:s31+$0xFFFFFFB0];
	[tilespmem:s29+$0x0] =	vst v0  }
0x3fc: {  	v0 =	vld [tilespmem:s31+$0xFFFFFFC0];
	[tilespmem:s29+$0x10] =	vst v1  }
0x3fd: {  	v1 =	vld [tilespmem:s31+$0xFFFFFFD0];
	[tilespmem:s29+$0x20] =	vst v2  }
0x3fe: {  	v2 =	vld [tilespmem:s31+$0xFFFFFFE0];
	[tilespmem:s29+$0xFFFFFFC0] =	vst v4  }
0x3ff: {  	v4 =	vld [tilespmem:s31+$0xFFFFFFF0]  }
0x400: {  	v7 =	vld [tilespmem:s31+$0xFFFFFF90]  }
0x401: {  	v6 =	vld.idx.msk [tilespmem:v6+s22+$0x0], $0xffff  }
0x402: {  	v8 =	vld.idx.msk [tilespmem:v5+s22+$0x0], $0xffff  }
0x403: {  	v5 =	vld.idx.msk [tilespmem:v3+s22+$0x0], $0xffff  }
.Ltmp25:
0x404: {  	v3 =	vld.idx.msk [tilespmem:v0+s22+$0x0], $0xffff;
	(pc) =	sbr.rel @p2 .LBB2_13-.Ltmp25, $4  }
0x405: {  	v0 =	vld.idx.msk [tilespmem:v1+s22+$0x0], $0xffff  }
0x406: {  	s29 =	sadd.s32 $0x80, s29;
	v1 =	vld.idx.msk [tilespmem:v2+s22+$0x0], $0xffff  }
0x407: {  	v2 =	vld.idx.msk [tilespmem:v4+s22+$0x0], $0xffff;
	[tilespmem:s29+$0x30] =	vst v6  }
0x408: {  	s31 =	sadd.s32 $0x200, s31;
	v4 =	vld.idx.msk [tilespmem:v7+s22+$0x0], $0xffff;
	[tilespmem:s29+$0xFFFFFFD0] =	vst v8  }
0x409: {  	[tilespmem:s29+$0xFFFFFFE0] =	vst v5  }
0x40a: {  	[tilespmem:s29+$0xFFFFFFF0] =	vst v3  }
0x40b: {  	[tilespmem:s29+$0x0] =	vst v0  }
0x40c: {  	[tilespmem:s29+$0x10] =	vst v1  }
0x40d: {  	[tilespmem:s29+$0x20] =	vst v2  }
0x40e: {  	[tilespmem:s29+$0xFFFFFFC0] =	vst v4  }
0x40f: {  	s29 =	rddreg [dreg:$0x19]  }
0x410: {  	[hbm4b:s29+s18] =	stream.strided.scatter [tilespmem:s25], [sflag:$0x4], $0x2000, s19, s18, $0x38;
	[tilespmem:$0x1C800] =	vst v63  }
0x411: {  	_ =	swait.ge [sflag:s26], $0x2000  }
0x412: {  	[sflag:s26] =	ssyncset.done $0x0  }
0x413: {  	s29 =	simm.s32 $0x970;
	[sflag:s26] =	ssyncadd.s32 $0xFFFFE000  }
0x414: {  	v0 =	vld [tilespmem:s29+$0x0]  }
0x415: {  	v1 =	vld [tilespmem:s29+$0xFFFFFFA0]  }
0x416: {  	v2 =	vld [tilespmem:s29+$0xFFFFFFB0]  }
0x417: {  	v3 =	vld [tilespmem:s29+$0xFFFFFFC0]  }
0x418: {  	v4 =	vld [tilespmem:s29+$0xFFFFFFD0]  }
0x419: {  	v6 =	vld [tilespmem:s29+$0xFFFFFFE0]  }
0x41a: {  	v7 =	vld [tilespmem:s29+$0xFFFFFFF0]  }
0x41b: {  	v8 =	vld [tilespmem:s29+$0xFFFFFF90]  }
0x41c: {  	v9 =	vld.idx.msk [tilespmem:v0+s22+$0x0], $0xffff  }
0x41d: {  	v10 =	vld.idx.msk [tilespmem:v1+s22+$0x0], $0xffff  }
0x41e: {  	v5 =	vld.idx.msk [tilespmem:v2+s22+$0x0], $0xffff  }
0x41f: {  	v3 =	vld.idx.msk [tilespmem:v3+s22+$0x0], $0xffff  }
0x420: {  	v0 =	vld.idx.msk [tilespmem:v4+s22+$0x0], $0xffff  }
0x421: {  	s29 =	simm.s32 $0x18840;
	v1 =	vld.idx.msk [tilespmem:v6+s22+$0x0], $0xffff  }
0x422: {  	v2 =	vld.idx.msk [tilespmem:v7+s22+$0x0], $0xffff;
	[tilespmem:s29+$0x30] =	vst v9  }
0x423: {  	s30 =	simm.s32 $0x0;
	s31 =	simm.s32 $0xB70;
	v4 =	vld.idx.msk [tilespmem:v8+s22+$0x0], $0xffff;
	[tilespmem:s29+$0xFFFFFFD0] =	vst v10  }
.LBB2_15:
0x424: {  	v6 =	vld [tilespmem:s31+$0x0];
	s30 =	sadd.s32 $0x8, s30;
	[tilespmem:s29+$0xFFFFFFE0] =	vst v5  }
0x425: {  	v5 =	vld [tilespmem:s31+$0xFFFFFFA0];
	p2 =	slt.u32 s30, $0x1F8;
	[tilespmem:s29+$0xFFFFFFF0] =	vst v3  }
0x426: {  	v3 =	vld [tilespmem:s31+$0xFFFFFFB0];
	[tilespmem:s29+$0x0] =	vst v0  }
0x427: {  	v0 =	vld [tilespmem:s31+$0xFFFFFFC0];
	[tilespmem:s29+$0x10] =	vst v1  }
0x428: {  	v1 =	vld [tilespmem:s31+$0xFFFFFFD0];
	[tilespmem:s29+$0x20] =	vst v2  }
0x429: {  	v2 =	vld [tilespmem:s31+$0xFFFFFFE0];
	[tilespmem:s29+$0xFFFFFFC0] =	vst v4  }
0x42a: {  	v4 =	vld [tilespmem:s31+$0xFFFFFFF0]  }
0x42b: {  	v7 =	vld [tilespmem:s31+$0xFFFFFF90]  }
0x42c: {  	v6 =	vld.idx.msk [tilespmem:v6+s22+$0x0], $0xffff  }
0x42d: {  	v8 =	vld.idx.msk [tilespmem:v5+s22+$0x0], $0xffff  }
0x42e: {  	v5 =	vld.idx.msk [tilespmem:v3+s22+$0x0], $0xffff  }
.Ltmp26:
0x42f: {  	v3 =	vld.idx.msk [tilespmem:v0+s22+$0x0], $0xffff;
	(pc) =	sbr.rel @p2 .LBB2_15-.Ltmp26, $4  }
0x430: {  	v0 =	vld.idx.msk [tilespmem:v1+s22+$0x0], $0xffff  }
0x431: {  	s29 =	sadd.s32 $0x80, s29;
	v1 =	vld.idx.msk [tilespmem:v2+s22+$0x0], $0xffff  }
0x432: {  	v2 =	vld.idx.msk [tilespmem:v4+s22+$0x0], $0xffff;
	[tilespmem:s29+$0x30] =	vst v6  }
0x433: {  	s31 =	sadd.s32 $0x200, s31;
	v4 =	vld.idx.msk [tilespmem:v7+s22+$0x0], $0xffff;
	[tilespmem:s29+$0xFFFFFFD0] =	vst v8  }
0x434: {  	[tilespmem:s29+$0xFFFFFFE0] =	vst v5  }
0x435: {  	[tilespmem:s29+$0xFFFFFFF0] =	vst v3  }
0x436: {  	[tilespmem:s29+$0x0] =	vst v0  }
0x437: {  	[tilespmem:s29+$0x10] =	vst v1  }
0x438: {  	[tilespmem:s29+$0x20] =	vst v2  }
0x439: {  	[tilespmem:s29+$0xFFFFFFC0] =	vst v4  }
0x43a: {  	s29 =	rddreg [dreg:$0x1b]  }
0x43b: {  	[hbm4b:s29+s18] =	stream.strided.scatter [tilespmem:s24], [sflag:$0x4], $0x2000, s19, s18, $0x38;
	[tilespmem:$0x1C800] =	vst v63  }
0x43c: {  	_ =	swait.ge [sflag:s26], $0x2000  }
0x43d: {  	[sflag:s26] =	ssyncset.done $0x0  }
0x43e: {  	s29 =	simm.s32 $0x9F0;
	[sflag:s26] =	ssyncadd.s32 $0xFFFFE000  }
0x43f: {  	v0 =	vld [tilespmem:s29+$0x0]  }
0x440: {  	v1 =	vld [tilespmem:s29+$0xFFFFFFA0]  }
0x441: {  	v2 =	vld [tilespmem:s29+$0xFFFFFFB0]  }
0x442: {  	v3 =	vld [tilespmem:s29+$0xFFFFFFC0]  }
0x443: {  	v4 =	vld [tilespmem:s29+$0xFFFFFFD0]  }
0x444: {  	v6 =	vld [tilespmem:s29+$0xFFFFFFE0]  }
0x445: {  	v7 =	vld [tilespmem:s29+$0xFFFFFFF0]  }
0x446: {  	v8 =	vld [tilespmem:s29+$0xFFFFFF90]  }
0x447: {  	v9 =	vld.idx.msk [tilespmem:v0+s22+$0x0], $0xffff  }
0x448: {  	v10 =	vld.idx.msk [tilespmem:v1+s22+$0x0], $0xffff  }
0x449: {  	v5 =	vld.idx.msk [tilespmem:v2+s22+$0x0], $0xffff  }
0x44a: {  	v3 =	vld.idx.msk [tilespmem:v3+s22+$0x0], $0xffff  }
0x44b: {  	v0 =	vld.idx.msk [tilespmem:v4+s22+$0x0], $0xffff  }
0x44c: {  	s29 =	simm.s32 $0x1A840;
	v1 =	vld.idx.msk [tilespmem:v6+s22+$0x0], $0xffff  }
0x44d: {  	v2 =	vld.idx.msk [tilespmem:v7+s22+$0x0], $0xffff;
	[tilespmem:s29+$0x30] =	vst v9  }
0x44e: {  	s30 =	simm.s32 $0x0;
	s31 =	simm.s32 $0xBF0;
	v4 =	vld.idx.msk [tilespmem:v8+s22+$0x0], $0xffff;
	[tilespmem:s29+$0xFFFFFFD0] =	vst v10  }
.LBB2_17:
0x44f: {  	v6 =	vld [tilespmem:s31+$0x0];
	s30 =	sadd.s32 $0x8, s30;
	[tilespmem:s29+$0xFFFFFFE0] =	vst v5  }
0x450: {  	v5 =	vld [tilespmem:s31+$0xFFFFFFA0];
	p2 =	slt.u32 s30, $0x1F8;
	[tilespmem:s29+$0xFFFFFFF0] =	vst v3  }
0x451: {  	v3 =	vld [tilespmem:s31+$0xFFFFFFB0];
	[tilespmem:s29+$0x0] =	vst v0  }
0x452: {  	v0 =	vld [tilespmem:s31+$0xFFFFFFC0];
	[tilespmem:s29+$0x10] =	vst v1  }
0x453: {  	v1 =	vld [tilespmem:s31+$0xFFFFFFD0];
	[tilespmem:s29+$0x20] =	vst v2  }
0x454: {  	v2 =	vld [tilespmem:s31+$0xFFFFFFE0];
	[tilespmem:s29+$0xFFFFFFC0] =	vst v4  }
0x455: {  	v4 =	vld [tilespmem:s31+$0xFFFFFFF0]  }
0x456: {  	v7 =	vld [tilespmem:s31+$0xFFFFFF90]  }
0x457: {  	v6 =	vld.idx.msk [tilespmem:v6+s22+$0x0], $0xffff  }
0x458: {  	v8 =	vld.idx.msk [tilespmem:v5+s22+$0x0], $0xffff  }
0x459: {  	v5 =	vld.idx.msk [tilespmem:v3+s22+$0x0], $0xffff  }
.Ltmp27:
0x45a: {  	v3 =	vld.idx.msk [tilespmem:v0+s22+$0x0], $0xffff;
	(pc) =	sbr.rel @p2 .LBB2_17-.Ltmp27, $4  }
0x45b: {  	v0 =	vld.idx.msk [tilespmem:v1+s22+$0x0], $0xffff  }
0x45c: {  	s29 =	sadd.s32 $0x80, s29;
	v1 =	vld.idx.msk [tilespmem:v2+s22+$0x0], $0xffff  }
0x45d: {  	v2 =	vld.idx.msk [tilespmem:v4+s22+$0x0], $0xffff;
	[tilespmem:s29+$0x30] =	vst v6  }
0x45e: {  	s31 =	sadd.s32 $0x200, s31;
	v4 =	vld.idx.msk [tilespmem:v7+s22+$0x0], $0xffff;
	[tilespmem:s29+$0xFFFFFFD0] =	vst v8  }
0x45f: {  	[tilespmem:s29+$0xFFFFFFE0] =	vst v5  }
0x460: {  	[tilespmem:s29+$0xFFFFFFF0] =	vst v3  }
0x461: {  	[tilespmem:s29+$0x0] =	vst v0  }
0x462: {  	[tilespmem:s29+$0x10] =	vst v1  }
0x463: {  	[tilespmem:s29+$0x20] =	vst v2  }
0x464: {  	[tilespmem:s29+$0xFFFFFFC0] =	vst v4  }
0x465: {  	s29 =	rddreg [dreg:$0x1d]  }
0x466: {  	[hbm4b:s29+s18] =	stream.strided.scatter [tilespmem:s25], [sflag:$0x4], $0x2000, s19, s18, $0x38;
	[tilespmem:$0x1C800] =	vst v63  }
0x467: {  	s29 =	rddreg [dreg:$0xa]  }
0x468: {  	[tilespmem:s22], [sflag:$0x3] =	stream.strided.gather [hbm4b:s29+s18], $0x8000, s19, s18, $0x38;
	[tilespmem:$0x1C800] =	vst v63  }
0x469: {  	_ =	swait.ge [sflag:s23], $0x8000  }
0x46a: {  	[sflag:s23] =	ssyncset.done $0x0  }
0x46b: {  	[sflag:s23] =	ssyncadd.s32 $0xFFFF8000  }
0x46c: {  	_ =	swait.ge [sflag:s26], $0x2000  }
0x46d: {  	[sflag:s26] =	ssyncset.done $0x0  }
0x46e: {  	s29 =	simm.s32 $0x840;
	[sflag:s26] =	ssyncadd.s32 $0xFFFFE000  }
0x46f: {  	v0 =	vld [tilespmem:s29+$0x30]  }
0x470: {  	v1 =	vld [tilespmem:s29+$0xFFFFFFD0]  }
0x471: {  	v2 =	vld [tilespmem:s29+$0xFFFFFFE0]  }
0x472: {  	v3 =	vld [tilespmem:s29+$0xFFFFFFF0]  }
0x473: {  	v4 =	vld [tilespmem:s29+$0x0]  }
0x474: {  	v6 =	vld [tilespmem:s29+$0x10]  }
0x475: {  	v7 =	vld [tilespmem:s29+$0x20]  }
0x476: {  	v8 =	vld [tilespmem:s29+$0xFFFFFFC0]  }
0x477: {  	v9 =	vld.idx.msk [tilespmem:v0+s20+$0x0], $0xffff  }
0x478: {  	v10 =	vld.idx.msk [tilespmem:v1+s20+$0x0], $0xffff  }
0x479: {  	v5 =	vld.idx.msk [tilespmem:v2+s20+$0x0], $0xffff  }
0x47a: {  	v3 =	vld.idx.msk [tilespmem:v3+s20+$0x0], $0xffff  }
0x47b: {  	v0 =	vld.idx.msk [tilespmem:v4+s20+$0x0], $0xffff  }
0x47c: {  	s29 =	simm.s32 $0x18840;
	v1 =	vld.idx.msk [tilespmem:v6+s20+$0x0], $0xffff  }
0x47d: {  	v2 =	vld.idx.msk [tilespmem:v7+s20+$0x0], $0xffff;
	[tilespmem:s29+$0x30] =	vst v9  }
0x47e: {  	s30 =	simm.s32 $0x0;
	s31 =	simm.s32 $0xA40;
	v4 =	vld.idx.msk [tilespmem:v8+s20+$0x0], $0xffff;
	[tilespmem:s29+$0xFFFFFFD0] =	vst v10  }
.LBB2_19:
0x47f: {  	v6 =	vld [tilespmem:s31+$0x30];
	s30 =	sadd.s32 $0x8, s30;
	[tilespmem:s29+$0xFFFFFFE0] =	vst v5  }
0x480: {  	v5 =	vld [tilespmem:s31+$0xFFFFFFD0];
	p2 =	slt.u32 s30, $0x1F8;
	[tilespmem:s29+$0xFFFFFFF0] =	vst v3  }
0x481: {  	v3 =	vld [tilespmem:s31+$0xFFFFFFE0];
	[tilespmem:s29+$0x0] =	vst v0  }
0x482: {  	v0 =	vld [tilespmem:s31+$0xFFFFFFF0];
	[tilespmem:s29+$0x10] =	vst v1  }
0x483: {  	v1 =	vld [tilespmem:s31+$0x0];
	[tilespmem:s29+$0x20] =	vst v2  }
0x484: {  	v2 =	vld [tilespmem:s31+$0x10];
	[tilespmem:s29+$0xFFFFFFC0] =	vst v4  }
0x485: {  	v4 =	vld [tilespmem:s31+$0x20]  }
0x486: {  	v7 =	vld [tilespmem:s31+$0xFFFFFFC0]  }
0x487: {  	v6 =	vld.idx.msk [tilespmem:v6+s20+$0x0], $0xffff  }
0x488: {  	v8 =	vld.idx.msk [tilespmem:v5+s20+$0x0], $0xffff  }
0x489: {  	v5 =	vld.idx.msk [tilespmem:v3+s20+$0x0], $0xffff  }
.Ltmp28:
0x48a: {  	v3 =	vld.idx.msk [tilespmem:v0+s20+$0x0], $0xffff;
	(pc) =	sbr.rel @p2 .LBB2_19-.Ltmp28, $4  }
0x48b: {  	v0 =	vld.idx.msk [tilespmem:v1+s20+$0x0], $0xffff  }
0x48c: {  	s29 =	sadd.s32 $0x80, s29;
	v1 =	vld.idx.msk [tilespmem:v2+s20+$0x0], $0xffff  }
0x48d: {  	v2 =	vld.idx.msk [tilespmem:v4+s20+$0x0], $0xffff;
	[tilespmem:s29+$0x30] =	vst v6  }
0x48e: {  	s31 =	sadd.s32 $0x200, s31;
	v4 =	vld.idx.msk [tilespmem:v7+s20+$0x0], $0xffff;
	[tilespmem:s29+$0xFFFFFFD0] =	vst v8  }
0x48f: {  	[tilespmem:s29+$0xFFFFFFE0] =	vst v5  }
0x490: {  	[tilespmem:s29+$0xFFFFFFF0] =	vst v3  }
0x491: {  	[tilespmem:s29+$0x0] =	vst v0  }
0x492: {  	[tilespmem:s29+$0x10] =	vst v1  }
0x493: {  	[tilespmem:s29+$0x20] =	vst v2  }
0x494: {  	[tilespmem:s29+$0xFFFFFFC0] =	vst v4  }
0x495: {  	[hbm4b:s8+s18] =	stream.strided.scatter [tilespmem:s24], [sflag:$0x4], $0x2000, s19, s18, $0x38;
	[tilespmem:$0x1C800] =	vst v63  }
0x496: {  	_ =	swait.ge [sflag:s26], $0x2000  }
0x497: {  	[sflag:s26] =	ssyncset.done $0x0  }
0x498: {  	s29 =	simm.s32 $0x8F0;
	[sflag:s26] =	ssyncadd.s32 $0xFFFFE000  }
0x499: {  	v0 =	vld [tilespmem:s29+$0x0]  }
0x49a: {  	v1 =	vld [tilespmem:s29+$0xFFFFFFA0]  }
0x49b: {  	v2 =	vld [tilespmem:s29+$0xFFFFFFB0]  }
0x49c: {  	v3 =	vld [tilespmem:s29+$0xFFFFFFC0]  }
0x49d: {  	v4 =	vld [tilespmem:s29+$0xFFFFFFD0]  }
0x49e: {  	v6 =	vld [tilespmem:s29+$0xFFFFFFE0]  }
0x49f: {  	v7 =	vld [tilespmem:s29+$0xFFFFFFF0]  }
0x4a0: {  	v8 =	vld [tilespmem:s29+$0xFFFFFF90]  }
0x4a1: {  	v9 =	vld.idx.msk [tilespmem:v0+s20+$0x0], $0xffff  }
0x4a2: {  	v10 =	vld.idx.msk [tilespmem:v1+s20+$0x0], $0xffff  }
0x4a3: {  	v5 =	vld.idx.msk [tilespmem:v2+s20+$0x0], $0xffff  }
0x4a4: {  	v3 =	vld.idx.msk [tilespmem:v3+s20+$0x0], $0xffff  }
0x4a5: {  	v0 =	vld.idx.msk [tilespmem:v4+s20+$0x0], $0xffff  }
0x4a6: {  	s29 =	simm.s32 $0x1A840;
	v1 =	vld.idx.msk [tilespmem:v6+s20+$0x0], $0xffff  }
0x4a7: {  	v2 =	vld.idx.msk [tilespmem:v7+s20+$0x0], $0xffff;
	[tilespmem:s29+$0x30] =	vst v9  }
0x4a8: {  	s30 =	simm.s32 $0x0;
	s31 =	simm.s32 $0xAF0;
	v4 =	vld.idx.msk [tilespmem:v8+s20+$0x0], $0xffff;
	[tilespmem:s29+$0xFFFFFFD0] =	vst v10  }
.LBB2_21:
0x4a9: {  	v6 =	vld [tilespmem:s31+$0x0];
	s30 =	sadd.s32 $0x8, s30;
	[tilespmem:s29+$0xFFFFFFE0] =	vst v5  }
0x4aa: {  	v5 =	vld [tilespmem:s31+$0xFFFFFFA0];
	p2 =	slt.u32 s30, $0x1F8;
	[tilespmem:s29+$0xFFFFFFF0] =	vst v3  }
0x4ab: {  	v3 =	vld [tilespmem:s31+$0xFFFFFFB0];
	[tilespmem:s29+$0x0] =	vst v0  }
0x4ac: {  	v0 =	vld [tilespmem:s31+$0xFFFFFFC0];
	[tilespmem:s29+$0x10] =	vst v1  }
0x4ad: {  	v1 =	vld [tilespmem:s31+$0xFFFFFFD0];
	[tilespmem:s29+$0x20] =	vst v2  }
0x4ae: {  	v2 =	vld [tilespmem:s31+$0xFFFFFFE0];
	[tilespmem:s29+$0xFFFFFFC0] =	vst v4  }
0x4af: {  	v4 =	vld [tilespmem:s31+$0xFFFFFFF0]  }
0x4b0: {  	v7 =	vld [tilespmem:s31+$0xFFFFFF90]  }
0x4b1: {  	v6 =	vld.idx.msk [tilespmem:v6+s20+$0x0], $0xffff  }
0x4b2: {  	v8 =	vld.idx.msk [tilespmem:v5+s20+$0x0], $0xffff  }
0x4b3: {  	v5 =	vld.idx.msk [tilespmem:v3+s20+$0x0], $0xffff  }
.Ltmp29:
0x4b4: {  	v3 =	vld.idx.msk [tilespmem:v0+s20+$0x0], $0xffff;
	(pc) =	sbr.rel @p2 .LBB2_21-.Ltmp29, $4  }
0x4b5: {  	v0 =	vld.idx.msk [tilespmem:v1+s20+$0x0], $0xffff  }
0x4b6: {  	s29 =	sadd.s32 $0x80, s29;
	v1 =	vld.idx.msk [tilespmem:v2+s20+$0x0], $0xffff  }
0x4b7: {  	v2 =	vld.idx.msk [tilespmem:v4+s20+$0x0], $0xffff;
	[tilespmem:s29+$0x30] =	vst v6  }
0x4b8: {  	s31 =	sadd.s32 $0x200, s31;
	v4 =	vld.idx.msk [tilespmem:v7+s20+$0x0], $0xffff;
	[tilespmem:s29+$0xFFFFFFD0] =	vst v8  }
0x4b9: {  	[tilespmem:s29+$0xFFFFFFE0] =	vst v5  }
0x4ba: {  	[tilespmem:s29+$0xFFFFFFF0] =	vst v3  }
0x4bb: {  	[tilespmem:s29+$0x0] =	vst v0  }
0x4bc: {  	[tilespmem:s29+$0x10] =	vst v1  }
0x4bd: {  	[tilespmem:s29+$0x20] =	vst v2  }
0x4be: {  	[tilespmem:s29+$0xFFFFFFC0] =	vst v4  }
0x4bf: {  	[hbm4b:s7+s18] =	stream.strided.scatter [tilespmem:s25], [sflag:$0x4], $0x2000, s19, s18, $0x38;
	[tilespmem:$0x1C800] =	vst v63  }
0x4c0: {  	_ =	swait.ge [sflag:s26], $0x2000  }
0x4c1: {  	[sflag:s26] =	ssyncset.done $0x0  }
0x4c2: {  	s29 =	simm.s32 $0x970;
	[sflag:s26] =	ssyncadd.s32 $0xFFFFE000  }
0x4c3: {  	v0 =	vld [tilespmem:s29+$0x0]  }
0x4c4: {  	v1 =	vld [tilespmem:s29+$0xFFFFFFA0]  }
0x4c5: {  	v2 =	vld [tilespmem:s29+$0xFFFFFFB0]  }
0x4c6: {  	v3 =	vld [tilespmem:s29+$0xFFFFFFC0]  }
0x4c7: {  	v4 =	vld [tilespmem:s29+$0xFFFFFFD0]  }
0x4c8: {  	v6 =	vld [tilespmem:s29+$0xFFFFFFE0]  }
0x4c9: {  	v7 =	vld [tilespmem:s29+$0xFFFFFFF0]  }
0x4ca: {  	v8 =	vld [tilespmem:s29+$0xFFFFFF90]  }
0x4cb: {  	v9 =	vld.idx.msk [tilespmem:v0+s20+$0x0], $0xffff  }
0x4cc: {  	v10 =	vld.idx.msk [tilespmem:v1+s20+$0x0], $0xffff  }
0x4cd: {  	v5 =	vld.idx.msk [tilespmem:v2+s20+$0x0], $0xffff  }
0x4ce: {  	v3 =	vld.idx.msk [tilespmem:v3+s20+$0x0], $0xffff  }
0x4cf: {  	v0 =	vld.idx.msk [tilespmem:v4+s20+$0x0], $0xffff  }
0x4d0: {  	s29 =	simm.s32 $0x18840;
	v1 =	vld.idx.msk [tilespmem:v6+s20+$0x0], $0xffff  }
0x4d1: {  	v2 =	vld.idx.msk [tilespmem:v7+s20+$0x0], $0xffff;
	[tilespmem:s29+$0x30] =	vst v9  }
0x4d2: {  	s30 =	simm.s32 $0x0;
	s31 =	simm.s32 $0xB70;
	v4 =	vld.idx.msk [tilespmem:v8+s20+$0x0], $0xffff;
	[tilespmem:s29+$0xFFFFFFD0] =	vst v10  }
.LBB2_23:
0x4d3: {  	v6 =	vld [tilespmem:s31+$0x0];
	s30 =	sadd.s32 $0x8, s30;
	[tilespmem:s29+$0xFFFFFFE0] =	vst v5  }
0x4d4: {  	v5 =	vld [tilespmem:s31+$0xFFFFFFA0];
	p2 =	slt.u32 s30, $0x1F8;
	[tilespmem:s29+$0xFFFFFFF0] =	vst v3  }
0x4d5: {  	v3 =	vld [tilespmem:s31+$0xFFFFFFB0];
	[tilespmem:s29+$0x0] =	vst v0  }
0x4d6: {  	v0 =	vld [tilespmem:s31+$0xFFFFFFC0];
	[tilespmem:s29+$0x10] =	vst v1  }
0x4d7: {  	v1 =	vld [tilespmem:s31+$0xFFFFFFD0];
	[tilespmem:s29+$0x20] =	vst v2  }
0x4d8: {  	v2 =	vld [tilespmem:s31+$0xFFFFFFE0];
	[tilespmem:s29+$0xFFFFFFC0] =	vst v4  }
0x4d9: {  	v4 =	vld [tilespmem:s31+$0xFFFFFFF0]  }
0x4da: {  	v7 =	vld [tilespmem:s31+$0xFFFFFF90]  }
0x4db: {  	v6 =	vld.idx.msk [tilespmem:v6+s20+$0x0], $0xffff  }
0x4dc: {  	v8 =	vld.idx.msk [tilespmem:v5+s20+$0x0], $0xffff  }
0x4dd: {  	v5 =	vld.idx.msk [tilespmem:v3+s20+$0x0], $0xffff  }
.Ltmp30:
0x4de: {  	v3 =	vld.idx.msk [tilespmem:v0+s20+$0x0], $0xffff;
	(pc) =	sbr.rel @p2 .LBB2_23-.Ltmp30, $4  }
0x4df: {  	v0 =	vld.idx.msk [tilespmem:v1+s20+$0x0], $0xffff  }
0x4e0: {  	s29 =	sadd.s32 $0x80, s29;
	v1 =	vld.idx.msk [tilespmem:v2+s20+$0x0], $0xffff  }
0x4e1: {  	v2 =	vld.idx.msk [tilespmem:v4+s20+$0x0], $0xffff;
	[tilespmem:s29+$0x30] =	vst v6  }
0x4e2: {  	s31 =	sadd.s32 $0x200, s31;
	v4 =	vld.idx.msk [tilespmem:v7+s20+$0x0], $0xffff;
	[tilespmem:s29+$0xFFFFFFD0] =	vst v8  }
0x4e3: {  	[tilespmem:s29+$0xFFFFFFE0] =	vst v5  }
0x4e4: {  	[tilespmem:s29+$0xFFFFFFF0] =	vst v3  }
0x4e5: {  	[tilespmem:s29+$0x0] =	vst v0  }
0x4e6: {  	[tilespmem:s29+$0x10] =	vst v1  }
0x4e7: {  	[tilespmem:s29+$0x20] =	vst v2  }
0x4e8: {  	[tilespmem:s29+$0xFFFFFFC0] =	vst v4  }
0x4e9: {  	[hbm4b:s3+s18] =	stream.strided.scatter [tilespmem:s24], [sflag:$0x4], $0x2000, s19, s18, $0x38;
	[tilespmem:$0x1C800] =	vst v63  }
0x4ea: {  	_ =	swait.ge [sflag:s26], $0x2000  }
0x4eb: {  	[sflag:s26] =	ssyncset.done $0x0  }
0x4ec: {  	s29 =	simm.s32 $0x9F0;
	[sflag:s26] =	ssyncadd.s32 $0xFFFFE000  }
0x4ed: {  	v0 =	vld [tilespmem:s29+$0x0]  }
0x4ee: {  	v1 =	vld [tilespmem:s29+$0xFFFFFFA0]  }
0x4ef: {  	v2 =	vld [tilespmem:s29+$0xFFFFFFB0]  }
0x4f0: {  	v3 =	vld [tilespmem:s29+$0xFFFFFFC0]  }
0x4f1: {  	v4 =	vld [tilespmem:s29+$0xFFFFFFD0]  }
0x4f2: {  	v6 =	vld [tilespmem:s29+$0xFFFFFFE0]  }
0x4f3: {  	v7 =	vld [tilespmem:s29+$0xFFFFFFF0]  }
0x4f4: {  	v8 =	vld [tilespmem:s29+$0xFFFFFF90]  }
0x4f5: {  	v9 =	vld.idx.msk [tilespmem:v0+s20+$0x0], $0xffff  }
0x4f6: {  	v10 =	vld.idx.msk [tilespmem:v1+s20+$0x0], $0xffff  }
0x4f7: {  	v5 =	vld.idx.msk [tilespmem:v2+s20+$0x0], $0xffff  }
0x4f8: {  	v3 =	vld.idx.msk [tilespmem:v3+s20+$0x0], $0xffff  }
0x4f9: {  	v0 =	vld.idx.msk [tilespmem:v4+s20+$0x0], $0xffff  }
0x4fa: {  	s29 =	simm.s32 $0x1A840;
	v1 =	vld.idx.msk [tilespmem:v6+s20+$0x0], $0xffff  }
0x4fb: {  	v2 =	vld.idx.msk [tilespmem:v7+s20+$0x0], $0xffff;
	[tilespmem:s29+$0x30] =	vst v9  }
0x4fc: {  	s30 =	simm.s32 $0x0;
	s31 =	simm.s32 $0xBF0;
	v4 =	vld.idx.msk [tilespmem:v8+s20+$0x0], $0xffff;
	[tilespmem:s29+$0xFFFFFFD0] =	vst v10  }
.LBB2_25:
0x4fd: {  	v6 =	vld [tilespmem:s31+$0x0];
	s30 =	sadd.s32 $0x8, s30;
	[tilespmem:s29+$0xFFFFFFE0] =	vst v5  }
0x4fe: {  	v5 =	vld [tilespmem:s31+$0xFFFFFFA0];
	p2 =	slt.u32 s30, $0x1F8;
	[tilespmem:s29+$0xFFFFFFF0] =	vst v3  }
0x4ff: {  	v3 =	vld [tilespmem:s31+$0xFFFFFFB0];
	[tilespmem:s29+$0x0] =	vst v0  }
0x500: {  	v0 =	vld [tilespmem:s31+$0xFFFFFFC0];
	[tilespmem:s29+$0x10] =	vst v1  }
0x501: {  	v1 =	vld [tilespmem:s31+$0xFFFFFFD0];
	[tilespmem:s29+$0x20] =	vst v2  }
0x502: {  	v2 =	vld [tilespmem:s31+$0xFFFFFFE0];
	[tilespmem:s29+$0xFFFFFFC0] =	vst v4  }
0x503: {  	v4 =	vld [tilespmem:s31+$0xFFFFFFF0]  }
0x504: {  	v7 =	vld [tilespmem:s31+$0xFFFFFF90]  }
0x505: {  	v6 =	vld.idx.msk [tilespmem:v6+s20+$0x0], $0xffff  }
0x506: {  	v8 =	vld.idx.msk [tilespmem:v5+s20+$0x0], $0xffff  }
0x507: {  	v5 =	vld.idx.msk [tilespmem:v3+s20+$0x0], $0xffff  }
.Ltmp31:
0x508: {  	v3 =	vld.idx.msk [tilespmem:v0+s20+$0x0], $0xffff;
	(pc) =	sbr.rel @p2 .LBB2_25-.Ltmp31, $4  }
0x509: {  	v0 =	vld.idx.msk [tilespmem:v1+s20+$0x0], $0xffff  }
0x50a: {  	s29 =	sadd.s32 $0x80, s29;
	v1 =	vld.idx.msk [tilespmem:v2+s20+$0x0], $0xffff  }
0x50b: {  	v2 =	vld.idx.msk [tilespmem:v4+s20+$0x0], $0xffff;
	[tilespmem:s29+$0x30] =	vst v6  }
0x50c: {  	s31 =	sadd.s32 $0x200, s31;
	v4 =	vld.idx.msk [tilespmem:v7+s20+$0x0], $0xffff;
	[tilespmem:s29+$0xFFFFFFD0] =	vst v8  }
0x50d: {  	[tilespmem:s29+$0xFFFFFFE0] =	vst v5  }
0x50e: {  	[tilespmem:s29+$0xFFFFFFF0] =	vst v3  }
0x50f: {  	[tilespmem:s29+$0x0] =	vst v0  }
0x510: {  	[tilespmem:s29+$0x10] =	vst v1  }
0x511: {  	[tilespmem:s29+$0x20] =	vst v2  }
0x512: {  	[tilespmem:s29+$0xFFFFFFC0] =	vst v4  }
0x513: {  	[hbm4b:s5+s18] =	stream.strided.scatter [tilespmem:s25], [sflag:$0x4], $0x2000, s19, s18, $0x38;
	[tilespmem:$0x1C800] =	vst v63  }
0x514: {  	_ =	swait.ge [sflag:s28], $0x8000  }
0x515: {  	[sflag:s28] =	ssyncset.done $0x0  }
0x516: {  	[sflag:s28] =	ssyncadd.s32 $0xFFFF8000  }
0x517: {  	_ =	swait.ge [sflag:s26], $0x2000  }
0x518: {  	[sflag:s26] =	ssyncset.done $0x0  }
0x519: {  	s29 =	simm.s32 $0x840;
	[sflag:s26] =	ssyncadd.s32 $0xFFFFE000  }
0x51a: {  	v0 =	vld [tilespmem:s29+$0x30]  }
0x51b: {  	v1 =	vld [tilespmem:s29+$0xFFFFFFD0]  }
0x51c: {  	v2 =	vld [tilespmem:s29+$0xFFFFFFE0]  }
0x51d: {  	v3 =	vld [tilespmem:s29+$0xFFFFFFF0]  }
0x51e: {  	v4 =	vld [tilespmem:s29+$0x0]  }
0x51f: {  	v6 =	vld [tilespmem:s29+$0x10]  }
0x520: {  	v7 =	vld [tilespmem:s29+$0x20]  }
0x521: {  	v8 =	vld [tilespmem:s29+$0xFFFFFFC0]  }
0x522: {  	v9 =	vld.idx.msk [tilespmem:v0+s22+$0x0], $0xffff  }
0x523: {  	v10 =	vld.idx.msk [tilespmem:v1+s22+$0x0], $0xffff  }
0x524: {  	v5 =	vld.idx.msk [tilespmem:v2+s22+$0x0], $0xffff  }
0x525: {  	v3 =	vld.idx.msk [tilespmem:v3+s22+$0x0], $0xffff  }
0x526: {  	v0 =	vld.idx.msk [tilespmem:v4+s22+$0x0], $0xffff  }
0x527: {  	s29 =	simm.s32 $0x18840;
	v1 =	vld.idx.msk [tilespmem:v6+s22+$0x0], $0xffff  }
0x528: {  	v2 =	vld.idx.msk [tilespmem:v7+s22+$0x0], $0xffff;
	[tilespmem:s29+$0x30] =	vst v9  }
0x529: {  	s30 =	simm.s32 $0x0;
	s31 =	simm.s32 $0xA40;
	v4 =	vld.idx.msk [tilespmem:v8+s22+$0x0], $0xffff;
	[tilespmem:s29+$0xFFFFFFD0] =	vst v10  }
.LBB2_27:
0x52a: {  	v6 =	vld [tilespmem:s31+$0x30];
	s30 =	sadd.s32 $0x8, s30;
	[tilespmem:s29+$0xFFFFFFE0] =	vst v5  }
0x52b: {  	v5 =	vld [tilespmem:s31+$0xFFFFFFD0];
	p2 =	slt.u32 s30, $0x1F8;
	[tilespmem:s29+$0xFFFFFFF0] =	vst v3  }
0x52c: {  	v3 =	vld [tilespmem:s31+$0xFFFFFFE0];
	[tilespmem:s29+$0x0] =	vst v0  }
0x52d: {  	v0 =	vld [tilespmem:s31+$0xFFFFFFF0];
	[tilespmem:s29+$0x10] =	vst v1  }
0x52e: {  	v1 =	vld [tilespmem:s31+$0x0];
	[tilespmem:s29+$0x20] =	vst v2  }
0x52f: {  	v2 =	vld [tilespmem:s31+$0x10];
	[tilespmem:s29+$0xFFFFFFC0] =	vst v4  }
0x530: {  	v4 =	vld [tilespmem:s31+$0x20]  }
0x531: {  	v7 =	vld [tilespmem:s31+$0xFFFFFFC0]  }
0x532: {  	v6 =	vld.idx.msk [tilespmem:v6+s22+$0x0], $0xffff  }
0x533: {  	v8 =	vld.idx.msk [tilespmem:v5+s22+$0x0], $0xffff  }
0x534: {  	v5 =	vld.idx.msk [tilespmem:v3+s22+$0x0], $0xffff  }
.Ltmp32:
0x535: {  	v3 =	vld.idx.msk [tilespmem:v0+s22+$0x0], $0xffff;
	(pc) =	sbr.rel @p2 .LBB2_27-.Ltmp32, $4  }
0x536: {  	v0 =	vld.idx.msk [tilespmem:v1+s22+$0x0], $0xffff  }
0x537: {  	s29 =	sadd.s32 $0x80, s29;
	v1 =	vld.idx.msk [tilespmem:v2+s22+$0x0], $0xffff  }
0x538: {  	v2 =	vld.idx.msk [tilespmem:v4+s22+$0x0], $0xffff;
	[tilespmem:s29+$0x30] =	vst v6  }
0x539: {  	s31 =	sadd.s32 $0x200, s31;
	v4 =	vld.idx.msk [tilespmem:v7+s22+$0x0], $0xffff;
	[tilespmem:s29+$0xFFFFFFD0] =	vst v8  }
0x53a: {  	[tilespmem:s29+$0xFFFFFFE0] =	vst v5  }
0x53b: {  	[tilespmem:s29+$0xFFFFFFF0] =	vst v3  }
0x53c: {  	[tilespmem:s29+$0x0] =	vst v0  }
0x53d: {  	[tilespmem:s29+$0x10] =	vst v1  }
0x53e: {  	[tilespmem:s29+$0x20] =	vst v2  }
0x53f: {  	[tilespmem:s29+$0xFFFFFFC0] =	vst v4  }
0x540: {  	[hbm4b:s9+s18] =	stream.strided.scatter [tilespmem:s24], [sflag:$0x4], $0x2000, s19, s18, $0x38;
	[tilespmem:$0x1C800] =	vst v63  }
0x541: {  	_ =	swait.ge [sflag:s26], $0x2000  }
0x542: {  	[sflag:s26] =	ssyncset.done $0x0  }
0x543: {  	s29 =	simm.s32 $0x8F0;
	[sflag:s26] =	ssyncadd.s32 $0xFFFFE000  }
0x544: {  	v0 =	vld [tilespmem:s29+$0x0]  }
0x545: {  	v1 =	vld [tilespmem:s29+$0xFFFFFFA0]  }
0x546: {  	v2 =	vld [tilespmem:s29+$0xFFFFFFB0]  }
0x547: {  	v3 =	vld [tilespmem:s29+$0xFFFFFFC0]  }
0x548: {  	v4 =	vld [tilespmem:s29+$0xFFFFFFD0]  }
0x549: {  	v6 =	vld [tilespmem:s29+$0xFFFFFFE0]  }
0x54a: {  	v7 =	vld [tilespmem:s29+$0xFFFFFFF0]  }
0x54b: {  	v8 =	vld [tilespmem:s29+$0xFFFFFF90]  }
0x54c: {  	v9 =	vld.idx.msk [tilespmem:v0+s22+$0x0], $0xffff  }
0x54d: {  	v10 =	vld.idx.msk [tilespmem:v1+s22+$0x0], $0xffff  }
0x54e: {  	v5 =	vld.idx.msk [tilespmem:v2+s22+$0x0], $0xffff  }
0x54f: {  	v3 =	vld.idx.msk [tilespmem:v3+s22+$0x0], $0xffff  }
0x550: {  	v0 =	vld.idx.msk [tilespmem:v4+s22+$0x0], $0xffff  }
0x551: {  	s29 =	simm.s32 $0x1A840;
	v1 =	vld.idx.msk [tilespmem:v6+s22+$0x0], $0xffff  }
0x552: {  	v2 =	vld.idx.msk [tilespmem:v7+s22+$0x0], $0xffff;
	[tilespmem:s29+$0x30] =	vst v9  }
0x553: {  	s30 =	simm.s32 $0x0;
	s31 =	simm.s32 $0xAF0;
	v4 =	vld.idx.msk [tilespmem:v8+s22+$0x0], $0xffff;
	[tilespmem:s29+$0xFFFFFFD0] =	vst v10  }
.LBB2_29:
0x554: {  	v6 =	vld [tilespmem:s31+$0x0];
	s30 =	sadd.s32 $0x8, s30;
	[tilespmem:s29+$0xFFFFFFE0] =	vst v5  }
0x555: {  	v5 =	vld [tilespmem:s31+$0xFFFFFFA0];
	p2 =	slt.u32 s30, $0x1F8;
	[tilespmem:s29+$0xFFFFFFF0] =	vst v3  }
0x556: {  	v3 =	vld [tilespmem:s31+$0xFFFFFFB0];
	[tilespmem:s29+$0x0] =	vst v0  }
0x557: {  	v0 =	vld [tilespmem:s31+$0xFFFFFFC0];
	[tilespmem:s29+$0x10] =	vst v1  }
0x558: {  	v1 =	vld [tilespmem:s31+$0xFFFFFFD0];
	[tilespmem:s29+$0x20] =	vst v2  }
0x559: {  	v2 =	vld [tilespmem:s31+$0xFFFFFFE0];
	[tilespmem:s29+$0xFFFFFFC0] =	vst v4  }
0x55a: {  	v4 =	vld [tilespmem:s31+$0xFFFFFFF0]  }
0x55b: {  	v7 =	vld [tilespmem:s31+$0xFFFFFF90]  }
0x55c: {  	v6 =	vld.idx.msk [tilespmem:v6+s22+$0x0], $0xffff  }
0x55d: {  	v8 =	vld.idx.msk [tilespmem:v5+s22+$0x0], $0xffff  }
0x55e: {  	v5 =	vld.idx.msk [tilespmem:v3+s22+$0x0], $0xffff  }
.Ltmp33:
0x55f: {  	v3 =	vld.idx.msk [tilespmem:v0+s22+$0x0], $0xffff;
	(pc) =	sbr.rel @p2 .LBB2_29-.Ltmp33, $4  }
0x560: {  	v0 =	vld.idx.msk [tilespmem:v1+s22+$0x0], $0xffff  }
0x561: {  	s29 =	sadd.s32 $0x80, s29;
	v1 =	vld.idx.msk [tilespmem:v2+s22+$0x0], $0xffff  }
0x562: {  	v2 =	vld.idx.msk [tilespmem:v4+s22+$0x0], $0xffff;
	[tilespmem:s29+$0x30] =	vst v6  }
0x563: {  	s31 =	sadd.s32 $0x200, s31;
	v4 =	vld.idx.msk [tilespmem:v7+s22+$0x0], $0xffff;
	[tilespmem:s29+$0xFFFFFFD0] =	vst v8  }
0x564: {  	[tilespmem:s29+$0xFFFFFFE0] =	vst v5  }
0x565: {  	[tilespmem:s29+$0xFFFFFFF0] =	vst v3  }
0x566: {  	[tilespmem:s29+$0x0] =	vst v0  }
0x567: {  	[tilespmem:s29+$0x10] =	vst v1  }
0x568: {  	[tilespmem:s29+$0x20] =	vst v2  }
0x569: {  	[tilespmem:s29+$0xFFFFFFC0] =	vst v4  }
0x56a: {  	[hbm4b:s12+s18] =	stream.strided.scatter [tilespmem:s25], [sflag:$0x4], $0x2000, s19, s18, $0x38;
	[tilespmem:$0x1C800] =	vst v63  }
0x56b: {  	_ =	swait.ge [sflag:s26], $0x2000  }
0x56c: {  	[sflag:s26] =	ssyncset.done $0x0  }
0x56d: {  	s29 =	simm.s32 $0x970;
	[sflag:s26] =	ssyncadd.s32 $0xFFFFE000  }
0x56e: {  	v0 =	vld [tilespmem:s29+$0x0]  }
0x56f: {  	v1 =	vld [tilespmem:s29+$0xFFFFFFA0]  }
0x570: {  	v2 =	vld [tilespmem:s29+$0xFFFFFFB0]  }
0x571: {  	v3 =	vld [tilespmem:s29+$0xFFFFFFC0]  }
0x572: {  	v4 =	vld [tilespmem:s29+$0xFFFFFFD0]  }
0x573: {  	v6 =	vld [tilespmem:s29+$0xFFFFFFE0]  }
0x574: {  	v7 =	vld [tilespmem:s29+$0xFFFFFFF0]  }
0x575: {  	v8 =	vld [tilespmem:s29+$0xFFFFFF90]  }
0x576: {  	v9 =	vld.idx.msk [tilespmem:v0+s22+$0x0], $0xffff  }
0x577: {  	v10 =	vld.idx.msk [tilespmem:v1+s22+$0x0], $0xffff  }
0x578: {  	v5 =	vld.idx.msk [tilespmem:v2+s22+$0x0], $0xffff  }
0x579: {  	v3 =	vld.idx.msk [tilespmem:v3+s22+$0x0], $0xffff  }
0x57a: {  	v0 =	vld.idx.msk [tilespmem:v4+s22+$0x0], $0xffff  }
0x57b: {  	s29 =	simm.s32 $0x18840;
	v1 =	vld.idx.msk [tilespmem:v6+s22+$0x0], $0xffff  }
0x57c: {  	v2 =	vld.idx.msk [tilespmem:v7+s22+$0x0], $0xffff;
	[tilespmem:s29+$0x30] =	vst v9  }
0x57d: {  	s30 =	simm.s32 $0x0;
	s31 =	simm.s32 $0xB70;
	v4 =	vld.idx.msk [tilespmem:v8+s22+$0x0], $0xffff;
	[tilespmem:s29+$0xFFFFFFD0] =	vst v10  }
.LBB2_31:
0x57e: {  	v6 =	vld [tilespmem:s31+$0x0];
	s30 =	sadd.s32 $0x8, s30;
	[tilespmem:s29+$0xFFFFFFE0] =	vst v5  }
0x57f: {  	v5 =	vld [tilespmem:s31+$0xFFFFFFA0];
	p2 =	slt.u32 s30, $0x1F8;
	[tilespmem:s29+$0xFFFFFFF0] =	vst v3  }
0x580: {  	v3 =	vld [tilespmem:s31+$0xFFFFFFB0];
	[tilespmem:s29+$0x0] =	vst v0  }
0x581: {  	v0 =	vld [tilespmem:s31+$0xFFFFFFC0];
	[tilespmem:s29+$0x10] =	vst v1  }
0x582: {  	v1 =	vld [tilespmem:s31+$0xFFFFFFD0];
	[tilespmem:s29+$0x20] =	vst v2  }
0x583: {  	v2 =	vld [tilespmem:s31+$0xFFFFFFE0];
	[tilespmem:s29+$0xFFFFFFC0] =	vst v4  }
0x584: {  	v4 =	vld [tilespmem:s31+$0xFFFFFFF0]  }
0x585: {  	v7 =	vld [tilespmem:s31+$0xFFFFFF90]  }
0x586: {  	v6 =	vld.idx.msk [tilespmem:v6+s22+$0x0], $0xffff  }
0x587: {  	v8 =	vld.idx.msk [tilespmem:v5+s22+$0x0], $0xffff  }
0x588: {  	v5 =	vld.idx.msk [tilespmem:v3+s22+$0x0], $0xffff  }
.Ltmp34:
0x589: {  	v3 =	vld.idx.msk [tilespmem:v0+s22+$0x0], $0xffff;
	(pc) =	sbr.rel @p2 .LBB2_31-.Ltmp34, $4  }
0x58a: {  	v0 =	vld.idx.msk [tilespmem:v1+s22+$0x0], $0xffff  }
0x58b: {  	s29 =	sadd.s32 $0x80, s29;
	v1 =	vld.idx.msk [tilespmem:v2+s22+$0x0], $0xffff  }
0x58c: {  	v2 =	vld.idx.msk [tilespmem:v4+s22+$0x0], $0xffff;
	[tilespmem:s29+$0x30] =	vst v6  }
0x58d: {  	s31 =	sadd.s32 $0x200, s31;
	v4 =	vld.idx.msk [tilespmem:v7+s22+$0x0], $0xffff;
	[tilespmem:s29+$0xFFFFFFD0] =	vst v8  }
0x58e: {  	[tilespmem:s29+$0xFFFFFFE0] =	vst v5  }
0x58f: {  	[tilespmem:s29+$0xFFFFFFF0] =	vst v3  }
0x590: {  	[tilespmem:s29+$0x0] =	vst v0  }
0x591: {  	[tilespmem:s29+$0x10] =	vst v1  }
0x592: {  	[tilespmem:s29+$0x20] =	vst v2  }
0x593: {  	[tilespmem:s29+$0xFFFFFFC0] =	vst v4  }
0x594: {  	[hbm4b:s15+s18] =	stream.strided.scatter [tilespmem:s24], [sflag:$0x4], $0x2000, s19, s18, $0x38;
	[tilespmem:$0x1C800] =	vst v63  }
0x595: {  	_ =	swait.ge [sflag:s26], $0x2000  }
0x596: {  	[sflag:s26] =	ssyncset.done $0x0  }
0x597: {  	s29 =	simm.s32 $0x9F0;
	[sflag:s26] =	ssyncadd.s32 $0xFFFFE000  }
0x598: {  	v0 =	vld [tilespmem:s29+$0x0]  }
0x599: {  	v1 =	vld [tilespmem:s29+$0xFFFFFFA0]  }
0x59a: {  	v2 =	vld [tilespmem:s29+$0xFFFFFFB0]  }
0x59b: {  	v3 =	vld [tilespmem:s29+$0xFFFFFFC0]  }
0x59c: {  	v4 =	vld [tilespmem:s29+$0xFFFFFFD0]  }
0x59d: {  	v6 =	vld [tilespmem:s29+$0xFFFFFFE0]  }
0x59e: {  	v7 =	vld [tilespmem:s29+$0xFFFFFFF0]  }
0x59f: {  	v8 =	vld [tilespmem:s29+$0xFFFFFF90]  }
0x5a0: {  	v9 =	vld.idx.msk [tilespmem:v0+s22+$0x0], $0xffff  }
0x5a1: {  	v10 =	vld.idx.msk [tilespmem:v1+s22+$0x0], $0xffff  }
0x5a2: {  	v5 =	vld.idx.msk [tilespmem:v2+s22+$0x0], $0xffff  }
0x5a3: {  	v3 =	vld.idx.msk [tilespmem:v3+s22+$0x0], $0xffff  }
0x5a4: {  	v0 =	vld.idx.msk [tilespmem:v4+s22+$0x0], $0xffff  }
0x5a5: {  	s29 =	simm.s32 $0x1A840;
	v1 =	vld.idx.msk [tilespmem:v6+s22+$0x0], $0xffff  }
0x5a6: {  	v2 =	vld.idx.msk [tilespmem:v7+s22+$0x0], $0xffff;
	[tilespmem:s29+$0x30] =	vst v9  }
0x5a7: {  	s30 =	simm.s32 $0x0;
	s31 =	simm.s32 $0xBF0;
	v4 =	vld.idx.msk [tilespmem:v8+s22+$0x0], $0xffff;
	[tilespmem:s29+$0xFFFFFFD0] =	vst v10  }
.LBB2_33:
0x5a8: {  	v6 =	vld [tilespmem:s31+$0x0];
	s30 =	sadd.s32 $0x8, s30;
	[tilespmem:s29+$0xFFFFFFE0] =	vst v5  }
0x5a9: {  	v5 =	vld [tilespmem:s31+$0xFFFFFFA0];
	p2 =	slt.u32 s30, $0x1F8;
	[tilespmem:s29+$0xFFFFFFF0] =	vst v3  }
0x5aa: {  	v3 =	vld [tilespmem:s31+$0xFFFFFFB0];
	[tilespmem:s29+$0x0] =	vst v0  }
0x5ab: {  	v0 =	vld [tilespmem:s31+$0xFFFFFFC0];
	[tilespmem:s29+$0x10] =	vst v1  }
0x5ac: {  	v1 =	vld [tilespmem:s31+$0xFFFFFFD0];
	[tilespmem:s29+$0x20] =	vst v2  }
0x5ad: {  	v2 =	vld [tilespmem:s31+$0xFFFFFFE0];
	[tilespmem:s29+$0xFFFFFFC0] =	vst v4  }
0x5ae: {  	v4 =	vld [tilespmem:s31+$0xFFFFFFF0]  }
0x5af: {  	v7 =	vld [tilespmem:s31+$0xFFFFFF90]  }
0x5b0: {  	v6 =	vld.idx.msk [tilespmem:v6+s22+$0x0], $0xffff  }
0x5b1: {  	v8 =	vld.idx.msk [tilespmem:v5+s22+$0x0], $0xffff  }
0x5b2: {  	v5 =	vld.idx.msk [tilespmem:v3+s22+$0x0], $0xffff  }
.Ltmp35:
0x5b3: {  	v3 =	vld.idx.msk [tilespmem:v0+s22+$0x0], $0xffff;
	(pc) =	sbr.rel @p2 .LBB2_33-.Ltmp35, $4  }
0x5b4: {  	v0 =	vld.idx.msk [tilespmem:v1+s22+$0x0], $0xffff  }
0x5b5: {  	s29 =	sadd.s32 $0x80, s29;
	v1 =	vld.idx.msk [tilespmem:v2+s22+$0x0], $0xffff  }
0x5b6: {  	v2 =	vld.idx.msk [tilespmem:v4+s22+$0x0], $0xffff;
	[tilespmem:s29+$0x30] =	vst v6  }
0x5b7: {  	s31 =	sadd.s32 $0x200, s31;
	v4 =	vld.idx.msk [tilespmem:v7+s22+$0x0], $0xffff;
	[tilespmem:s29+$0xFFFFFFD0] =	vst v8  }
0x5b8: {  	[tilespmem:s29+$0xFFFFFFE0] =	vst v5  }
.Ltmp36:
0x5b9: {  	[tilespmem:s29+$0xFFFFFFF0] =	vst v3;
	(pc) =	sbr.rel .LBB2_68-.Ltmp36, $4  }
0x5ba: {  	[tilespmem:s29+$0x0] =	vst v0  }
0x5bb: {  	[tilespmem:s29+$0x10] =	vst v1  }
0x5bc: {  	[tilespmem:s29+$0x20] =	vst v2  }
0x5bd: {  	[tilespmem:s29+$0xFFFFFFC0] =	vst v4;
	s29 =	rddreg [dreg:$0x3]  }
.LBB2_69:
0x5be: {  	_ =	sfence.sel $0x180000  }
0x5bf: {  	[bflag:$0x0] =	sbarrier.arrive $0xFFFF  }
0x5c0: {  	_ =	strace $0x90000047  }
0x5c1: {  	[bflag:$0x2] =	sbarrier.arrive $0xFFFF  }
0x5c2: {  	s0 =	rddreg [dreg:$0x6]  }
0x5c3: {  	s0 =	sadd.s32 @!p1 $0x100000, s0  }
0x5c4: {  	[sflag:s0] =	ssyncadd.tile.s32 @!p1 $0x1;
	_ =	shalt  }
.Lfunc_end2:
_tile_overlayer_lowered:
.L_overlay_start_2:
0x5c5: {  	(tag) =	ssettag $0x2  }
0x5c6: {  	s0 =	rddreg [dreg:$0x0];
	s2 =	stileid.u32  }
0x5c7: {  	s1 =	rddreg [dreg:$0x1];
	p0 =	sne.s32 s2, $0x0  }
0x5c8: {  	s3 =	rddreg [dreg:$0x2];
	[bflag:$0x3] =	sbarrier.arrive $0xFFFF;
	s2 =	simm.s32 @!p0 $0x1C05  }
0x5c9: {  	[timem:s3], [sflag:s2] =	dma.local @!p0 [hbm:s0], s1  }
0x5ca: {  	s0 =	simm.s32 @!p0 $0x5  }
0x5cb: {  	_ =	swait.ge @!p0 [sflag:s0], s1  }
0x5cc: {  	s1 =	ssub.s32 @!p0 $0x0, s1;
	[sflag:s0] =	ssyncset.done @!p0 $0x0  }
0x5cd: {  	[sflag:s0] =	ssyncadd.s32 @!p0 s1  }
0x5ce: {  	[bflag:$0x3] =	sbarrier.arrive $0xFFFF  }
0x5cf: {  	_ =	shalt  }

</sc_bundles>
